<compile_context>
chip_gen: v7x
topology: tpu7x:2x2x1
jax: 0.10.2.dev20260603
libtpu: 0.0.44.dev20260713+nightly
codegen_flags: <defaults>
</compile_context>

<pallas_src>
import jax
import jax.numpy as jnp
from jax import lax
from jax.experimental import pallas as pl
from jax.experimental.pallas import tpu as pltpu
from jax.experimental.pallas import tpu_sc as plsc

N_NODES = 10000
N_EDGES = 320000
D = 128
N_GRAPHS = 128
N_CLASSES = 10

NC = 2
NS = 16
NW = NC * NS
CH = 128
CHUNKS_PER_W = 80
N_CHUNKS = CHUNKS_PER_W * NW
PAD_E = N_CHUNKS * CH
ROW_SLC = 632
ROW_SLC_LAST = N_NODES - ROW_SLC * (NS - 1)
ACC_ROWS = N_NODES + 16

ROW_BLK = 1000
N_BLK = N_NODES // ROW_BLK


def _sc_mesh():
    return plsc.VectorSubcoreMesh(
        core_axis_name="c", subcore_axis_name="s",
        num_cores=NC, num_subcores=NS)


def _row_slice_copy(sid, fn):
    @pl.when(sid < NS - 1)
    def _():
        fn(pl.multiple_of(sid * ROW_SLC, 8), ROW_SLC)

    @pl.when(sid == NS - 1)
    def _():
        fn(ROW_SLC * (NS - 1), ROW_SLC_LAST)


def _deg_body(dstp_hbm, ones_hbm, zeros_hbm, out_hbm,
              ones_v, didx_v, ssem0, ssem1, acc):
    cid = lax.axis_index("c")
    sid = lax.axis_index("s")
    wid = cid * NS + sid

    _row_slice_copy(sid, lambda r0, nr: pltpu.sync_copy(
        zeros_hbm.at[pl.ds(r0, nr), :], acc.at[pl.ds(r0, nr), :]))
    pltpu.sync_copy(ones_hbm, ones_v)
    plsc.subcore_barrier()

    base = pl.multiple_of(wid * CHUNKS_PER_W, 8)
    pltpu.sync_copy(dstp_hbm.at[pl.ds(base, CHUNKS_PER_W), :], didx_v)

    def step(c, _):
        def go(sem):
            @pl.when(c >= 2)
            def _():
                pltpu.make_async_copy(
                    ones_v, acc.at[didx_v.at[c - 2]], sem).wait()
            pltpu.async_copy(ones_v, acc.at[didx_v.at[c]], sem, add=True)

        @pl.when(c % 2 == 0)
        def _():
            go(ssem0)

        @pl.when(c % 2 == 1)
        def _():
            go(ssem1)

        return 0

    lax.fori_loop(0, CHUNKS_PER_W, step, 0)
    pltpu.make_async_copy(
        ones_v, acc.at[didx_v.at[CHUNKS_PER_W - 2]], ssem0).wait()
    pltpu.make_async_copy(
        ones_v, acc.at[didx_v.at[CHUNKS_PER_W - 1]], ssem1).wait()
    plsc.subcore_barrier()
    _row_slice_copy(sid, lambda r0, nr: pltpu.sync_copy(
        acc.at[pl.ds(r0, nr), :], out_hbm.at[cid, pl.ds(r0, nr), :]))


def _make_deg_kernel():
    return pl.kernel(
        _deg_body,
        out_type=jax.ShapeDtypeStruct((NC, N_NODES, D), jnp.float32),
        mesh=_sc_mesh(),
        scratch_types=[
            pltpu.VMEM((CH, D), jnp.float32),
            pltpu.VMEM((CHUNKS_PER_W, CH), jnp.int32),
            pltpu.SemaphoreType.DMA,
            pltpu.SemaphoreType.DMA,
            pltpu.VMEM_SHARED((ACC_ROWS, D), jnp.float32),
        ],
    )


def _edge_body(srcp_hbm, dstp_hbm, y_hbm, zeros_hbm, out_hbm,
               sidx0, sidx1, didx_v, rows0, rows1,
               gsem0, gsem1, ssem0, ssem1, isem0, isem1, acc):
    cid = lax.axis_index("c")
    sid = lax.axis_index("s")
    wid = cid * NS + sid

    @pl.when(cid == 1)
    def _():
        _row_slice_copy(sid, lambda r0, nr: pltpu.sync_copy(
            y_hbm.at[pl.ds(r0, nr), :], acc.at[pl.ds(r0, nr), :]))

    @pl.when(cid != 1)
    def _():
        _row_slice_copy(sid, lambda r0, nr: pltpu.sync_copy(
            zeros_hbm.at[pl.ds(r0, nr), :], acc.at[pl.ds(r0, nr), :]))

    cbase = pl.multiple_of(wid * CHUNKS_PER_W, 8)
    ebase = pl.multiple_of(wid * CHUNKS_PER_W * CH, 8)
    pltpu.sync_copy(dstp_hbm.at[pl.ds(cbase, CHUNKS_PER_W), :], didx_v)
    pltpu.sync_copy(srcp_hbm.at[pl.ds(ebase, CH)], sidx0)
    plsc.subcore_barrier()

    pltpu.async_copy(y_hbm.at[sidx0], rows0, gsem0)
    pltpu.async_copy(srcp_hbm.at[pl.ds(ebase + CH, CH)], sidx1, isem1)

    def body(c, my_rows, my_gsem, my_ssem, my_sidx, my_isem,
             other_rows, other_gsem, other_ssem, other_sidx, other_isem):
        pltpu.make_async_copy(y_hbm.at[my_sidx], my_rows, my_gsem).wait()
        pltpu.async_copy(my_rows, acc.at[didx_v.at[c]], my_ssem, add=True)

        @pl.when(c >= 1)
        def _():
            pltpu.make_async_copy(other_rows, acc.at[didx_v.at[c - 1]],
                                  other_ssem).wait()

        @pl.when(c + 1 < CHUNKS_PER_W)
        def _():
            pltpu.make_async_copy(
                srcp_hbm.at[pl.ds(ebase, CH)], other_sidx,
                other_isem).wait()
            pltpu.async_copy(y_hbm.at[other_sidx], other_rows, other_gsem)

        @pl.when(c + 2 < CHUNKS_PER_W)
        def _():
            pltpu.async_copy(
                srcp_hbm.at[pl.ds(ebase + (c + 2) * CH, CH)], my_sidx,
                my_isem)

    def step(c, _):
        @pl.when(c % 2 == 0)
        def _():
            body(c, rows0, gsem0, ssem0, sidx0, isem0,
                 rows1, gsem1, ssem1, sidx1, isem1)

        @pl.when(c % 2 == 1)
        def _():
            body(c, rows1, gsem1, ssem1, sidx1, isem1,
                 rows0, gsem0, ssem0, sidx0, isem0)

        return 0

    lax.fori_loop(0, CHUNKS_PER_W, step, 0)
    pltpu.make_async_copy(rows1, acc.at[didx_v.at[CHUNKS_PER_W - 1]],
                          ssem1).wait()
    plsc.subcore_barrier()
    _row_slice_copy(sid, lambda r0, nr: pltpu.sync_copy(
        acc.at[pl.ds(r0, nr), :], out_hbm.at[cid, pl.ds(r0, nr), :]))


def _make_edge_kernel():
    return pl.kernel(
        _edge_body,
        out_type=jax.ShapeDtypeStruct((NC, N_NODES, D), jnp.float32),
        mesh=_sc_mesh(),
        scratch_types=[
            pltpu.VMEM((CH,), jnp.int32),
            pltpu.VMEM((CH,), jnp.int32),
            pltpu.VMEM((CHUNKS_PER_W, CH), jnp.int32),
            pltpu.VMEM((CH, D), jnp.float32),
            pltpu.VMEM((CH, D), jnp.float32),
            pltpu.SemaphoreType.DMA,
            pltpu.SemaphoreType.DMA,
            pltpu.SemaphoreType.DMA,
            pltpu.SemaphoreType.DMA,
            pltpu.SemaphoreType.DMA,
            pltpu.SemaphoreType.DMA,
            pltpu.VMEM_SHARED((ACC_ROWS, D), jnp.float32),
        ],
    )


def _dis(d0_ref, d1_ref):
    deg = d0_ref[:, 0:1] + d1_ref[:, 0:1] + 1.0
    return lax.rsqrt(deg)


def _t1_body(x_ref, w_ref, d0_ref, d1_ref, y_ref):
    h = jnp.dot(x_ref[...], w_ref[...], preferred_element_type=jnp.float32)
    y_ref[...] = h * _dis(d0_ref, d1_ref)


def _t1(x, W1, d0, d1):
    return pl.pallas_call(
        _t1_body,
        grid=(N_BLK,),
        in_specs=[
            pl.BlockSpec((ROW_BLK, D), lambda i: (i, 0)),
            pl.BlockSpec((D, D), lambda i: (0, 0)),
            pl.BlockSpec((ROW_BLK, 16), lambda i: (i, 0)),
            pl.BlockSpec((ROW_BLK, 16), lambda i: (i, 0)),
        ],
        out_specs=pl.BlockSpec((ROW_BLK, D), lambda i: (i, 0)),
        out_shape=jax.ShapeDtypeStruct((N_NODES, D), jnp.float32),
    )(x, W1, d0, d1)


def _t2_body(p0_ref, p1_ref, d0_ref, d1_ref, b_ref, w_ref, y_ref):
    dis = _dis(d0_ref, d1_ref)
    conv = (p0_ref[...] + p1_ref[...]) * dis + b_ref[...]
    act = jnp.maximum(conv, 0.0)
    y_ref[...] = jnp.dot(act, w_ref[...],
                         preferred_element_type=jnp.float32) * dis


def _t2(p0, p1, d0, d1, b2d, W):
    return pl.pallas_call(
        _t2_body,
        grid=(N_BLK,),
        in_specs=[
            pl.BlockSpec((ROW_BLK, D), lambda i: (i, 0)),
            pl.BlockSpec((ROW_BLK, D), lambda i: (i, 0)),
            pl.BlockSpec((ROW_BLK, 16), lambda i: (i, 0)),
            pl.BlockSpec((ROW_BLK, 16), lambda i: (i, 0)),
            pl.BlockSpec((1, D), lambda i: (0, 0)),
            pl.BlockSpec((D, D), lambda i: (0, 0)),
        ],
        out_specs=pl.BlockSpec((ROW_BLK, D), lambda i: (i, 0)),
        out_shape=jax.ShapeDtypeStruct((N_NODES, D), jnp.float32),
    )(p0, p1, d0, d1, b2d, W)


def _t3_body(p0_ref, p1_ref, d0_ref, d1_ref, b_ref, batch_ref,
             wl_ref, bl_ref, out_ref, sums_ref, cnts_ref):
    @pl.when(pl.program_id(0) == 0)
    def _():
        sums_ref[...] = jnp.zeros_like(sums_ref)
        cnts_ref[...] = jnp.zeros_like(cnts_ref)

    dis = _dis(d0_ref, d1_ref)
    h3 = (p0_ref[...] + p1_ref[...]) * dis + b_ref[...]
    gids = batch_ref[0]
    gcol = lax.broadcasted_iota(jnp.int32, (N_GRAPHS, 1), 0)
    mask_t = (gcol == gids).astype(jnp.float32)
    sums_ref[...] += jnp.dot(mask_t, h3, preferred_element_type=jnp.float32)
    ones_m = jnp.ones((ROW_BLK, D), jnp.float32)
    cnts_ref[...] += jnp.dot(mask_t, ones_m,
                             preferred_element_type=jnp.float32)

    @pl.when(pl.program_id(0) == N_BLK - 1)
    def _():
        pooled = sums_ref[...] / jnp.maximum(cnts_ref[...], 1.0)
        out_ref[...] = jnp.dot(pooled, wl_ref[...],
                               preferred_element_type=jnp.float32) \
            + bl_ref[...]


def _t3(p0, p1, d0, d1, b2d, batch3, Wl, bl2d):
    out, _, _ = pl.pallas_call(
        _t3_body,
        grid=(N_BLK,),
        in_specs=[
            pl.BlockSpec((ROW_BLK, D), lambda i: (i, 0)),
            pl.BlockSpec((ROW_BLK, D), lambda i: (i, 0)),
            pl.BlockSpec((ROW_BLK, 16), lambda i: (i, 0)),
            pl.BlockSpec((ROW_BLK, 16), lambda i: (i, 0)),
            pl.BlockSpec((1, D), lambda i: (0, 0)),
            pl.BlockSpec((1, 1, ROW_BLK), lambda i: (i, 0, 0)),
            pl.BlockSpec((D, N_CLASSES), lambda i: (0, 0)),
            pl.BlockSpec((1, N_CLASSES), lambda i: (0, 0)),
        ],
        out_specs=[
            pl.BlockSpec((N_GRAPHS, N_CLASSES), lambda i: (0, 0)),
            pl.BlockSpec((N_GRAPHS, D), lambda i: (0, 0)),
            pl.BlockSpec((N_GRAPHS, D), lambda i: (0, 0)),
        ],
        out_shape=[
            jax.ShapeDtypeStruct((N_GRAPHS, N_CLASSES), jnp.float32),
            jax.ShapeDtypeStruct((N_GRAPHS, D), jnp.float32),
            jax.ShapeDtypeStruct((N_GRAPHS, D), jnp.float32),
        ],
    )(p0, p1, d0, d1, b2d, batch3, Wl, bl2d)
    return out


@jax.jit
def _run(x, edge_index, batch, W1, b1, W2, b2, W3, b3, Wl, bl):
    pad = PAD_E - N_EDGES
    srcp = jnp.concatenate([edge_index[0], jnp.zeros((pad,), jnp.int32)])
    dstp = jnp.concatenate(
        [edge_index[1], jnp.full((pad,), N_NODES, jnp.int32)])
    dstp2 = dstp.reshape(N_CHUNKS, CH)
    ones_rows = jnp.ones((CH, D), jnp.float32)
    z128 = jnp.zeros((N_NODES, D), jnp.float32)
    batch3 = batch.reshape(N_BLK, 1, ROW_BLK)
    b1r, b2r, b3r = b1.reshape(1, D), b2.reshape(1, D), b3.reshape(1, D)
    blr = bl.reshape(1, N_CLASSES)

    deg_kernel = _make_deg_kernel()
    edge_kernel = _make_edge_kernel()

    degp = deg_kernel(dstp2, ones_rows, z128)
    d0, d1 = degp[0][:, :16], degp[1][:, :16]

    y1 = _t1(x, W1, d0, d1)
    p = edge_kernel(srcp, dstp2, y1, z128)
    y2 = _t2(p[0], p[1], d0, d1, b1r, W2)
    p = edge_kernel(srcp, dstp2, y2, z128)
    y3 = _t2(p[0], p[1], d0, d1, b2r, W3)
    p = edge_kernel(srcp, dstp2, y3, z128)
    return _t3(p[0], p[1], d0, d1, b3r, batch3, Wl, blr)


def kernel(x, edge_index, batch, W1, b1, W2, b2, W3, b3, Wl, bl):
    return _run(x, edge_index, batch, W1, b1, W2, b2, W3, b3, Wl, bl)

# --- scband reference (transcript-rebuilt; emitter-appended) ---
"""Pipeline reference for scband-gcn-128849019395 (READ-ONLY COPY).

The authoritative reference and input builder live on the scoring server;
editing this copy changes nothing except your own understanding.
"""

import jax, jax.numpy as jnp
import numpy as np

N = 10000
E = 320000
D_FEAT = 128
HIDDEN = 128
NUM_CLASSES = 10
NUM_GRAPHS = 128


def setup_inputs(seed: int = 0) -> dict:
    key = jax.random.key(seed)
    ks = jax.random.split(key, 12)
    x = jax.random.normal(ks[0], (N, D_FEAT), dtype=jnp.float32)
    edge_index = jax.random.randint(ks[1], (2, E), 0, N, dtype=jnp.int32)
    batch = jnp.sort(jax.random.randint(ks[2], (N,), 0, NUM_GRAPHS, dtype=jnp.int32))
    s1 = 1.0 / np.sqrt(D_FEAT)
    s2 = 1.0 / np.sqrt(HIDDEN)
    W1 = jax.random.normal(ks[3], (D_FEAT, HIDDEN), dtype=jnp.float32) * s1
    b1 = jnp.zeros((HIDDEN,), dtype=jnp.float32)
    W2 = jax.random.normal(ks[4], (HIDDEN, HIDDEN), dtype=jnp.float32) * s2
    b2 = jnp.zeros((HIDDEN,), dtype=jnp.float32)
    W3 = jax.random.normal(ks[5], (HIDDEN, HIDDEN), dtype=jnp.float32) * s2
    b3 = jnp.zeros((HIDDEN,), dtype=jnp.float32)
    Wl = jax.random.normal(ks[6], (HIDDEN, NUM_CLASSES), dtype=jnp.float32) * s2
    bl = jnp.zeros((NUM_CLASSES,), dtype=jnp.float32)
    return {"x": x, "edge_index": edge_index, "batch": batch,
            "W1": W1, "b1": b1, "W2": W2, "b2": b2, "W3": W3, "b3": b3,
            "Wl": Wl, "bl": bl}


def _gcn_conv(x, src, dst, W, b, num_nodes):
    # GCNConv: D^{-1/2} (A + I) D^{-1/2} X W + b  (self-loops already in src/dst)
    h = x @ W
    deg = jnp.zeros((num_nodes,), dtype=x.dtype).at[dst].add(1.0)
    dis = jnp.where(deg > 0, deg ** -0.5, 0.0)
    norm = dis[src] * dis[dst]
    msg = h[src] * norm[:, None]
    out = jnp.zeros((num_nodes, h.shape[1]), dtype=x.dtype).at[dst].add(msg)
    return out + b


def reference(x, edge_index, batch, W1, b1, W2, b2, W3, b3, Wl, bl):
    loop = jnp.arange(N, dtype=edge_index.dtype)
    src = jnp.concatenate([edge_index[0], loop])
    dst = jnp.concatenate([edge_index[1], loop])
    h = _gcn_conv(x, src, dst, W1, b1, N)
    h = jax.nn.relu(h)
    h = _gcn_conv(h, src, dst, W2, b2, N)
    h = jax.nn.relu(h)
    h = _gcn_conv(h, src, dst, W3, b3, N)
    # global_mean_pool over graph ids
    sums = jax.ops.segment_sum(h, batch, num_segments=NUM_GRAPHS)
    counts = jax.ops.segment_sum(jnp.ones((N,), dtype=h.dtype), batch, num_segments=NUM_GRAPHS)
    pooled = sums / jnp.clip(counts, 1.0)[:, None]
    # dropout is identity in eval mode
    return pooled @ Wl + bl

if __name__ == "__main__":
    import jax
    _d = setup_inputs()
    print(jax.jit(kernel)(*tuple(_d.values())))

</pallas_src>

<mosaic_0001>
#map = affine_map<(d0, d1) -> (0, 0)>
#map1 = affine_map<(d0, d1) -> (0, 0, 0)>
module attributes {stable_mosaic.version = 14 : i64} {
  func.func @_deg_body(%arg0: i32, %arg1: i32, %arg2: memref<2560x128xi32, #tpu.memory_space<hbm>>, %arg3: memref<128x128xf32, #tpu.memory_space<hbm>>, %arg4: memref<10000x128xf32, #tpu.memory_space<hbm>>, %arg5: memref<2x10000x128xf32, #tpu.memory_space<hbm>>, %arg6: memref<128x128xf32, #tpu.memory_space<vmem>>, %arg7: memref<80x128xi32, #tpu.memory_space<vmem>>, %arg8: memref<!tpu.dma_semaphore, #tpu.memory_space<semaphore_mem>>, %arg9: memref<!tpu.dma_semaphore, #tpu.memory_space<semaphore_mem>>, %arg10: memref<10016x128xf32, #tpu.memory_space<vmem_shared>>) attributes {dimension_semantics = [#tpu.dimension_semantics<core_parallel>, #tpu.dimension_semantics<subcore_parallel>], iteration_bounds = array<i64: 2, 16>, scalar_prefetch = 0 : i64, scratch_operands = 5 : i64, tpu.core_type = #tpu.core_type<sc_vector_subcore>, window_params = [{transform_indices = #map}, {transform_indices = #map}, {transform_indices = #map}, {transform_indices = #map1}]} {
    %mul3A = arith.constant 16 : i32
    %mul3A_0 = arith.muli %arg0, %mul3A : i32
    %add3A = arith.addi %mul3A_0, %arg1 : i32
    %lt3A = arith.constant 15 : i32
    %lt3A_1 = arith.cmpi slt, %arg1, %lt3A : i32
    %convert_element_type3A = arith.extui %lt3A_1 : i1 to i32
    %cond3A = arith.constant 0 : i32
    %cond3A_2 = arith.cmpi ne, %convert_element_type3A, %cond3A : i32
    scf.if %cond3A_2 {
      %mul3A_39 = arith.constant 632 : i32
      %mul3A_40 = arith.muli %arg1, %mul3A_39 : i32
      %multiple_of3A_41 = tpu.assume_multiple %mul3A_40, 8 : i32
      "tpu.region"() ({
        %run_scoped3A = tpu.sem_alloc : memref<!tpu.dma_semaphore, #tpu.memory_space<semaphore_mem>>
        %dma_start3A = arith.constant 0 : i32
        %dma_start3A_42 = tpu.memref_slice %arg10[%multiple_of3A_41, %dma_start3A] : memref<10016x128xf32, #tpu.memory_space<vmem_shared>> -> memref<632x128xf32, #tpu.memory_space<vmem_shared>>
        %dma_start3A_43 = arith.constant 0 : i32
        %dma_start3A_44 = tpu.memref_slice %arg4[%multiple_of3A_41, %dma_start3A_43] : memref<10000x128xf32, #tpu.memory_space<hbm>> -> memref<632x128xf32, #tpu.memory_space<hbm>>
        tpu.enqueue_dma source(%dma_start3A_44 : memref<632x128xf32, #tpu.memory_space<hbm>>) target(%dma_start3A_42 : memref<632x128xf32, #tpu.memory_space<vmem_shared>>) target_semaphore(%run_scoped3A : memref<!tpu.dma_semaphore, #tpu.memory_space<semaphore_mem>>)
        %dma_wait3A_45 = arith.constant 0 : i32
        %dma_wait3A_46 = tpu.memref_slice %arg10[%multiple_of3A_41, %dma_wait3A_45] : memref<10016x128xf32, #tpu.memory_space<vmem_shared>> -> memref<632x128xf32, #tpu.memory_space<vmem_shared>>
        %dma_wait3A_47 = arith.constant 0 : i32
        %dma_wait3A_48 = tpu.memref_slice %arg4[%multiple_of3A_41, %dma_wait3A_47] : memref<10000x128xf32, #tpu.memory_space<hbm>> -> memref<632x128xf32, #tpu.memory_space<hbm>>
        tpu.wait_dma2 semaphore(%run_scoped3A : memref<!tpu.dma_semaphore, #tpu.memory_space<semaphore_mem>>) src(%dma_wait3A_48 : memref<632x128xf32, #tpu.memory_space<hbm>>) dst(%dma_wait3A_46 : memref<632x128xf32, #tpu.memory_space<vmem_shared>>)
        tpu.yield
      }) : () -> ()
    } else {
    }
    %eq3A = arith.constant 15 : i32
    %eq3A_3 = arith.cmpi eq, %arg1, %eq3A : i32
    %convert_element_type3A_4 = arith.extui %eq3A_3 : i1 to i32
    %cond3A_5 = arith.constant 0 : i32
    %cond3A_6 = arith.cmpi ne, %convert_element_type3A_4, %cond3A_5 : i32
    scf.if %cond3A_6 {
      "tpu.region"() ({
        %run_scoped3A = tpu.sem_alloc : memref<!tpu.dma_semaphore, #tpu.memory_space<semaphore_mem>>
        %dma_start3A = arith.constant 9480 : i32
        %dma_start3A_39 = arith.constant 0 : i32
        %dma_start3A_40 = tpu.memref_slice %arg10[%dma_start3A, %dma_start3A_39] : memref<10016x128xf32, #tpu.memory_space<vmem_shared>> -> memref<520x128xf32, #tpu.memory_space<vmem_shared>>
        %dma_start3A_41 = arith.constant 9480 : i32
        %dma_start3A_42 = arith.constant 0 : i32
        %dma_start3A_43 = tpu.memref_slice %arg4[%dma_start3A_41, %dma_start3A_42] : memref<10000x128xf32, #tpu.memory_space<hbm>> -> memref<520x128xf32, #tpu.memory_space<hbm>>
        tpu.enqueue_dma source(%dma_start3A_43 : memref<520x128xf32, #tpu.memory_space<hbm>>) target(%dma_start3A_40 : memref<520x128xf32, #tpu.memory_space<vmem_shared>>) target_semaphore(%run_scoped3A : memref<!tpu.dma_semaphore, #tpu.memory_space<semaphore_mem>>)
        %dma_wait3A_44 = arith.constant 9480 : i32
        %dma_wait3A_45 = arith.constant 0 : i32
        %dma_wait3A_46 = tpu.memref_slice %arg10[%dma_wait3A_44, %dma_wait3A_45] : memref<10016x128xf32, #tpu.memory_space<vmem_shared>> -> memref<520x128xf32, #tpu.memory_space<vmem_shared>>
        %dma_wait3A_47 = arith.constant 9480 : i32
        %dma_wait3A_48 = arith.constant 0 : i32
        %dma_wait3A_49 = tpu.memref_slice %arg4[%dma_wait3A_47, %dma_wait3A_48] : memref<10000x128xf32, #tpu.memory_space<hbm>> -> memref<520x128xf32, #tpu.memory_space<hbm>>
        tpu.wait_dma2 semaphore(%run_scoped3A : memref<!tpu.dma_semaphore, #tpu.memory_space<semaphore_mem>>) src(%dma_wait3A_49 : memref<520x128xf32, #tpu.memory_space<hbm>>) dst(%dma_wait3A_46 : memref<520x128xf32, #tpu.memory_space<vmem_shared>>)
        tpu.yield
      }) : () -> ()
    } else {
    }
    "tpu.region"() ({
      %run_scoped3A = tpu.sem_alloc : memref<!tpu.dma_semaphore, #tpu.memory_space<semaphore_mem>>
      tpu.enqueue_dma source(%arg3 : memref<128x128xf32, #tpu.memory_space<hbm>>) target(%arg6 : memref<128x128xf32, #tpu.memory_space<vmem>>) target_semaphore(%run_scoped3A : memref<!tpu.dma_semaphore, #tpu.memory_space<semaphore_mem>>)
      tpu.wait_dma2 semaphore(%run_scoped3A : memref<!tpu.dma_semaphore, #tpu.memory_space<semaphore_mem>>) src(%arg3 : memref<128x128xf32, #tpu.memory_space<hbm>>) dst(%arg6 : memref<128x128xf32, #tpu.memory_space<vmem>>)
      tpu.yield
    }) : () -> ()
    %barrier3A = arith.constant 0 : index
    tpu.barrier barrier_id(%barrier3A)
    %mul3A_7 = arith.constant 80 : i32
    %mul3A_8 = arith.muli %add3A, %mul3A_7 : i32
    %multiple_of3A = tpu.assume_multiple %mul3A_8, 8 : i32
    "tpu.region"() ({
      %run_scoped3A = tpu.sem_alloc : memref<!tpu.dma_semaphore, #tpu.memory_space<semaphore_mem>>
      %dma_start3A = arith.constant 0 : i32
      %dma_start3A_39 = tpu.memref_slice %arg2[%multiple_of3A, %dma_start3A] : memref<2560x128xi32, #tpu.memory_space<hbm>> -> memref<80x128xi32, #tpu.memory_space<hbm>>
      %dma_start3A_40 = arith.constant 0 : i32
      %dma_start3A_41 = tpu.memref_slice %arg2[%multiple_of3A, %dma_start3A_40] : memref<2560x128xi32, #tpu.memory_space<hbm>> -> memref<80x128xi32, #tpu.memory_space<hbm>>
      tpu.enqueue_dma source(%dma_start3A_41 : memref<80x128xi32, #tpu.memory_space<hbm>>) target(%arg7 : memref<80x128xi32, #tpu.memory_space<vmem>>) target_semaphore(%run_scoped3A : memref<!tpu.dma_semaphore, #tpu.memory_space<semaphore_mem>>)
      %dma_wait3A_42 = arith.constant 0 : i32
      %dma_wait3A_43 = tpu.memref_slice %arg2[%multiple_of3A, %dma_wait3A_42] : memref<2560x128xi32, #tpu.memory_space<hbm>> -> memref<80x128xi32, #tpu.memory_space<hbm>>
      %dma_wait3A_44 = arith.constant 0 : i32
      %dma_wait3A_45 = tpu.memref_slice %arg2[%multiple_of3A, %dma_wait3A_44] : memref<2560x128xi32, #tpu.memory_space<hbm>> -> memref<80x128xi32, #tpu.memory_space<hbm>>
      tpu.wait_dma2 semaphore(%run_scoped3A : memref<!tpu.dma_semaphore, #tpu.memory_space<semaphore_mem>>) src(%dma_wait3A_45 : memref<80x128xi32, #tpu.memory_space<hbm>>) dst(%arg7 : memref<80x128xi32, #tpu.memory_space<vmem>>)
      tpu.yield
    }) : () -> ()
    %scan3A = arith.constant 0 : i32
    %scan3A_9 = arith.constant 0 : i32
    %scan3A_10 = arith.constant 80 : i32
    %scan3A_11 = arith.addi %scan3A_9, %scan3A_10 : i32
    %scan3A_12 = arith.constant 1 : i32
    %scan3A_13 = scf.for %scan3A_39 = %scan3A_9 to %scan3A_11 step %scan3A_12 iter_args(%scan3A_40 = %scan3A) -> (i32)  : i32 {
      %jit3A = arith.constant 2 : i32
      %eq3A_41 = arith.constant 0 : i32
      %eq3A_42 = arith.cmpi eq, %jit3A, %eq3A_41 : i32
      %jit3A_43 = arith.constant 1 : i32
      %select_n3A = arith.select %eq3A_42, %jit3A_43, %jit3A : i32
      %rem3A = arith.remsi %scan3A_39, %select_n3A : i32
      %ne3A = arith.constant 0 : i32
      %ne3A_44 = arith.cmpi ne, %rem3A, %ne3A : i32
      %lt3A_45 = arith.constant 0 : i32
      %lt3A_46 = arith.cmpi slt, %rem3A, %lt3A_45 : i32
      %lt3A_47 = arith.constant 0 : i32
      %lt3A_48 = arith.cmpi slt, %select_n3A, %lt3A_47 : i32
      %ne3A_49 = arith.xori %lt3A_46, %lt3A_48 : i1
      %and3A = arith.andi %ne3A_49, %ne3A_44 : i1
      %add3A_50 = arith.addi %rem3A, %select_n3A : i32
      %select_n3A_51 = arith.select %and3A, %add3A_50, %rem3A : i32
      %eq3A_52 = arith.constant 0 : i32
      %eq3A_53 = arith.cmpi eq, %select_n3A_51, %eq3A_52 : i32
      %convert_element_type3A_54 = arith.extui %eq3A_53 : i1 to i32
      %cond3A_55 = arith.constant 0 : i32
      %cond3A_56 = arith.cmpi ne, %convert_element_type3A_54, %cond3A_55 : i32
      scf.if %cond3A_56 {
        %ge3A = arith.constant 2 : i32
        %ge3A_79 = arith.cmpi sge, %scan3A_39, %ge3A : i32
        %convert_element_type3A_80 = arith.extui %ge3A_79 : i1 to i32
        %cond3A_81 = arith.constant 0 : i32
        %cond3A_82 = arith.cmpi ne, %convert_element_type3A_80, %cond3A_81 : i32
        scf.if %cond3A_82 {
          %sub3A = arith.constant 2 : i32
          %sub3A_88 = arith.subi %scan3A_39, %sub3A : i32
          %dma_wait3A_89 = arith.constant 0 : i32
          %dma_wait3A_90 = tpu.memref_slice %arg7[%sub3A_88, %dma_wait3A_89] : memref<80x128xi32, #tpu.memory_space<vmem>> -> memref<1x128xi32, #tpu.memory_space<vmem>>
          %dma_wait3A_91 = tpu.memref_squeeze %dma_wait3A_90 : memref<1x128xi32, #tpu.memory_space<vmem>> -> memref<128xi32, #tpu.memory_space<vmem>>
          %dma_wait3A_92 = arith.constant 0 : i32
          %dma_wait3A_93 = arith.constant 0 : i32
          %dma_wait3A_94 = tpu.memref_slice %arg10[%dma_wait3A_92, %dma_wait3A_93] : memref<10016x128xf32, #tpu.memory_space<vmem_shared>> -> memref<10016x128xf32, #tpu.memory_space<vmem_shared>>
          tpu.wait_indirect_dma semaphore(%arg8 : memref<!tpu.dma_semaphore, #tpu.memory_space<semaphore_mem>>) src(%arg6 : memref<128x128xf32, #tpu.memory_space<vmem>>) dst(%dma_wait3A_94 : memref<10016x128xf32, #tpu.memory_space<vmem_shared>>)
        } else {
        }
        %dma_start3A = arith.constant 0 : i32
        %dma_start3A_83 = tpu.memref_slice %arg7[%scan3A_39, %dma_start3A] : memref<80x128xi32, #tpu.memory_space<vmem>> -> memref<1x128xi32, #tpu.memory_space<vmem>>
        %dma_start3A_84 = tpu.memref_squeeze %dma_start3A_83 : memref<1x128xi32, #tpu.memory_space<vmem>> -> memref<128xi32, #tpu.memory_space<vmem>>
        %dma_start3A_85 = arith.constant 0 : i32
        %dma_start3A_86 = arith.constant 0 : i32
        %dma_start3A_87 = tpu.memref_slice %arg10[%dma_start3A_85, %dma_start3A_86] : memref<10016x128xf32, #tpu.memory_space<vmem_shared>> -> memref<10016x128xf32, #tpu.memory_space<vmem_shared>>
        tpu.enqueue_indirect_dma source(%arg6 : memref<128x128xf32, #tpu.memory_space<vmem>>) target(%dma_start3A_87 : memref<10016x128xf32, #tpu.memory_space<vmem_shared>>) offsets(%dma_start3A_84 : memref<128xi32, #tpu.memory_space<vmem>>) semaphore(%arg8 : memref<!tpu.dma_semaphore, #tpu.memory_space<semaphore_mem>>) {add = true}
      } else {
      }
      %jit3A_57 = arith.constant 2 : i32
      %eq3A_58 = arith.constant 0 : i32
      %eq3A_59 = arith.cmpi eq, %jit3A_57, %eq3A_58 : i32
      %jit3A_60 = arith.constant 1 : i32
      %select_n3A_61 = arith.select %eq3A_59, %jit3A_60, %jit3A_57 : i32
      %rem3A_62 = arith.remsi %scan3A_39, %select_n3A_61 : i32
      %ne3A_63 = arith.constant 0 : i32
      %ne3A_64 = arith.cmpi ne, %rem3A_62, %ne3A_63 : i32
      %lt3A_65 = arith.constant 0 : i32
      %lt3A_66 = arith.cmpi slt, %rem3A_62, %lt3A_65 : i32
      %lt3A_67 = arith.constant 0 : i32
      %lt3A_68 = arith.cmpi slt, %select_n3A_61, %lt3A_67 : i32
      %ne3A_69 = arith.xori %lt3A_66, %lt3A_68 : i1
      %and3A_70 = arith.andi %ne3A_69, %ne3A_64 : i1
      %add3A_71 = arith.addi %rem3A_62, %select_n3A_61 : i32
      %select_n3A_72 = arith.select %and3A_70, %add3A_71, %rem3A_62 : i32
      %eq3A_73 = arith.constant 1 : i32
      %eq3A_74 = arith.cmpi eq, %select_n3A_72, %eq3A_73 : i32
      %convert_element_type3A_75 = arith.extui %eq3A_74 : i1 to i32
      %cond3A_76 = arith.constant 0 : i32
      %cond3A_77 = arith.cmpi ne, %convert_element_type3A_75, %cond3A_76 : i32
      scf.if %cond3A_77 {
        %ge3A = arith.constant 2 : i32
        %ge3A_79 = arith.cmpi sge, %scan3A_39, %ge3A : i32
        %convert_element_type3A_80 = arith.extui %ge3A_79 : i1 to i32
        %cond3A_81 = arith.constant 0 : i32
        %cond3A_82 = arith.cmpi ne, %convert_element_type3A_80, %cond3A_81 : i32
        scf.if %cond3A_82 {
          %sub3A = arith.constant 2 : i32
          %sub3A_88 = arith.subi %scan3A_39, %sub3A : i32
          %dma_wait3A_89 = arith.constant 0 : i32
          %dma_wait3A_90 = tpu.memref_slice %arg7[%sub3A_88, %dma_wait3A_89] : memref<80x128xi32, #tpu.memory_space<vmem>> -> memref<1x128xi32, #tpu.memory_space<vmem>>
          %dma_wait3A_91 = tpu.memref_squeeze %dma_wait3A_90 : memref<1x128xi32, #tpu.memory_space<vmem>> -> memref<128xi32, #tpu.memory_space<vmem>>
          %dma_wait3A_92 = arith.constant 0 : i32
          %dma_wait3A_93 = arith.constant 0 : i32
          %dma_wait3A_94 = tpu.memref_slice %arg10[%dma_wait3A_92, %dma_wait3A_93] : memref<10016x128xf32, #tpu.memory_space<vmem_shared>> -> memref<10016x128xf32, #tpu.memory_space<vmem_shared>>
          tpu.wait_indirect_dma semaphore(%arg9 : memref<!tpu.dma_semaphore, #tpu.memory_space<semaphore_mem>>) src(%arg6 : memref<128x128xf32, #tpu.memory_space<vmem>>) dst(%dma_wait3A_94 : memref<10016x128xf32, #tpu.memory_space<vmem_shared>>)
        } else {
        }
        %dma_start3A = arith.constant 0 : i32
        %dma_start3A_83 = tpu.memref_slice %arg7[%scan3A_39, %dma_start3A] : memref<80x128xi32, #tpu.memory_space<vmem>> -> memref<1x128xi32, #tpu.memory_space<vmem>>
        %dma_start3A_84 = tpu.memref_squeeze %dma_start3A_83 : memref<1x128xi32, #tpu.memory_space<vmem>> -> memref<128xi32, #tpu.memory_space<vmem>>
        %dma_start3A_85 = arith.constant 0 : i32
        %dma_start3A_86 = arith.constant 0 : i32
        %dma_start3A_87 = tpu.memref_slice %arg10[%dma_start3A_85, %dma_start3A_86] : memref<10016x128xf32, #tpu.memory_space<vmem_shared>> -> memref<10016x128xf32, #tpu.memory_space<vmem_shared>>
        tpu.enqueue_indirect_dma source(%arg6 : memref<128x128xf32, #tpu.memory_space<vmem>>) target(%dma_start3A_87 : memref<10016x128xf32, #tpu.memory_space<vmem_shared>>) offsets(%dma_start3A_84 : memref<128xi32, #tpu.memory_space<vmem>>) semaphore(%arg9 : memref<!tpu.dma_semaphore, #tpu.memory_space<semaphore_mem>>) {add = true}
      } else {
      }
      %scan3A_78 = arith.constant 0 : i32
      scf.yield %scan3A_78 : i32
    }
    %scan3A_14 = arith.constant 80 : i32
    %dma_wait3A = arith.constant 78 : i32
    %dma_wait3A_15 = arith.constant 0 : i32
    %dma_wait3A_16 = tpu.memref_slice %arg7[%dma_wait3A, %dma_wait3A_15] : memref<80x128xi32, #tpu.memory_space<vmem>> -> memref<1x128xi32, #tpu.memory_space<vmem>>
    %dma_wait3A_17 = tpu.memref_squeeze %dma_wait3A_16 : memref<1x128xi32, #tpu.memory_space<vmem>> -> memref<128xi32, #tpu.memory_space<vmem>>
    %dma_wait3A_18 = arith.constant 0 : i32
    %dma_wait3A_19 = arith.constant 0 : i32
    %dma_wait3A_20 = tpu.memref_slice %arg10[%dma_wait3A_18, %dma_wait3A_19] : memref<10016x128xf32, #tpu.memory_space<vmem_shared>> -> memref<10016x128xf32, #tpu.memory_space<vmem_shared>>
    tpu.wait_indirect_dma semaphore(%arg8 : memref<!tpu.dma_semaphore, #tpu.memory_space<semaphore_mem>>) src(%arg6 : memref<128x128xf32, #tpu.memory_space<vmem>>) dst(%dma_wait3A_20 : memref<10016x128xf32, #tpu.memory_space<vmem_shared>>)
    %dma_wait3A_21 = arith.constant 79 : i32
    %dma_wait3A_22 = arith.constant 0 : i32
    %dma_wait3A_23 = tpu.memref_slice %arg7[%dma_wait3A_21, %dma_wait3A_22] : memref<80x128xi32, #tpu.memory_space<vmem>> -> memref<1x128xi32, #tpu.memory_space<vmem>>
    %dma_wait3A_24 = tpu.memref_squeeze %dma_wait3A_23 : memref<1x128xi32, #tpu.memory_space<vmem>> -> memref<128xi32, #tpu.memory_space<vmem>>
    %dma_wait3A_25 = arith.constant 0 : i32
    %dma_wait3A_26 = arith.constant 0 : i32
    %dma_wait3A_27 = tpu.memref_slice %arg10[%dma_wait3A_25, %dma_wait3A_26] : memref<10016x128xf32, #tpu.memory_space<vmem_shared>> -> memref<10016x128xf32, #tpu.memory_space<vmem_shared>>
    tpu.wait_indirect_dma semaphore(%arg9 : memref<!tpu.dma_semaphore, #tpu.memory_space<semaphore_mem>>) src(%arg6 : memref<128x128xf32, #tpu.memory_space<vmem>>) dst(%dma_wait3A_27 : memref<10016x128xf32, #tpu.memory_space<vmem_shared>>)
    %barrier3A_28 = arith.constant 0 : index
    tpu.barrier barrier_id(%barrier3A_28)
    %lt3A_29 = arith.constant 15 : i32
    %lt3A_30 = arith.cmpi slt, %arg1, %lt3A_29 : i32
    %convert_element_type3A_31 = arith.extui %lt3A_30 : i1 to i32
    %cond3A_32 = arith.constant 0 : i32
    %cond3A_33 = arith.cmpi ne, %convert_element_type3A_31, %cond3A_32 : i32
    scf.if %cond3A_33 {
      %mul3A_39 = arith.constant 632 : i32
      %mul3A_40 = arith.muli %arg1, %mul3A_39 : i32
      %multiple_of3A_41 = tpu.assume_multiple %mul3A_40, 8 : i32
      "tpu.region"() ({
        %run_scoped3A = tpu.sem_alloc : memref<!tpu.dma_semaphore, #tpu.memory_space<semaphore_mem>>
        %dma_start3A = arith.constant 0 : i32
        %dma_start3A_42 = tpu.memref_slice %arg5[%arg0, %multiple_of3A_41, %dma_start3A] : memref<2x10000x128xf32, #tpu.memory_space<hbm>> -> memref<1x632x128xf32, #tpu.memory_space<hbm>>
        %dma_start3A_43 = tpu.memref_squeeze %dma_start3A_42 : memref<1x632x128xf32, #tpu.memory_space<hbm>> -> memref<632x128xf32, #tpu.memory_space<hbm>>
        %dma_start3A_44 = arith.constant 0 : i32
        %dma_start3A_45 = tpu.memref_slice %arg10[%multiple_of3A_41, %dma_start3A_44] : memref<10016x128xf32, #tpu.memory_space<vmem_shared>> -> memref<632x128xf32, #tpu.memory_space<vmem_shared>>
        tpu.enqueue_dma source(%dma_start3A_45 : memref<632x128xf32, #tpu.memory_space<vmem_shared>>) target(%dma_start3A_43 : memref<632x128xf32, #tpu.memory_space<hbm>>) target_semaphore(%run_scoped3A : memref<!tpu.dma_semaphore, #tpu.memory_space<semaphore_mem>>)
        %dma_wait3A_46 = arith.constant 0 : i32
        %dma_wait3A_47 = tpu.memref_slice %arg5[%arg0, %multiple_of3A_41, %dma_wait3A_46] : memref<2x10000x128xf32, #tpu.memory_space<hbm>> -> memref<1x632x128xf32, #tpu.memory_space<hbm>>
        %dma_wait3A_48 = tpu.memref_squeeze %dma_wait3A_47 : memref<1x632x128xf32, #tpu.memory_space<hbm>> -> memref<632x128xf32, #tpu.memory_space<hbm>>
        %dma_wait3A_49 = arith.constant 0 : i32
        %dma_wait3A_50 = tpu.memref_slice %arg10[%multiple_of3A_41, %dma_wait3A_49] : memref<10016x128xf32, #tpu.memory_space<vmem_shared>> -> memref<632x128xf32, #tpu.memory_space<vmem_shared>>
        tpu.wait_dma2 semaphore(%run_scoped3A : memref<!tpu.dma_semaphore, #tpu.memory_space<semaphore_mem>>) src(%dma_wait3A_50 : memref<632x128xf32, #tpu.memory_space<vmem_shared>>) dst(%dma_wait3A_48 : memref<632x128xf32, #tpu.memory_space<hbm>>)
        tpu.yield
      }) : () -> ()
    } else {
    }
    %eq3A_34 = arith.constant 15 : i32
    %eq3A_35 = arith.cmpi eq, %arg1, %eq3A_34 : i32
    %convert_element_type3A_36 = arith.extui %eq3A_35 : i1 to i32
    %cond3A_37 = arith.constant 0 : i32
    %cond3A_38 = arith.cmpi ne, %convert_element_type3A_36, %cond3A_37 : i32
    scf.if %cond3A_38 {
      "tpu.region"() ({
        %run_scoped3A = tpu.sem_alloc : memref<!tpu.dma_semaphore, #tpu.memory_space<semaphore_mem>>
        %dma_start3A = arith.constant 9480 : i32
        %dma_start3A_39 = arith.constant 0 : i32
        %dma_start3A_40 = tpu.memref_slice %arg5[%arg0, %dma_start3A, %dma_start3A_39] : memref<2x10000x128xf32, #tpu.memory_space<hbm>> -> memref<1x520x128xf32, #tpu.memory_space<hbm>>
        %dma_start3A_41 = tpu.memref_squeeze %dma_start3A_40 : memref<1x520x128xf32, #tpu.memory_space<hbm>> -> memref<520x128xf32, #tpu.memory_space<hbm>>
        %dma_start3A_42 = arith.constant 9480 : i32
        %dma_start3A_43 = arith.constant 0 : i32
        %dma_start3A_44 = tpu.memref_slice %arg10[%dma_start3A_42, %dma_start3A_43] : memref<10016x128xf32, #tpu.memory_space<vmem_shared>> -> memref<520x128xf32, #tpu.memory_space<vmem_shared>>
        tpu.enqueue_dma source(%dma_start3A_44 : memref<520x128xf32, #tpu.memory_space<vmem_shared>>) target(%dma_start3A_41 : memref<520x128xf32, #tpu.memory_space<hbm>>) target_semaphore(%run_scoped3A : memref<!tpu.dma_semaphore, #tpu.memory_space<semaphore_mem>>)
        %dma_wait3A_45 = arith.constant 9480 : i32
        %dma_wait3A_46 = arith.constant 0 : i32
        %dma_wait3A_47 = tpu.memref_slice %arg5[%arg0, %dma_wait3A_45, %dma_wait3A_46] : memref<2x10000x128xf32, #tpu.memory_space<hbm>> -> memref<1x520x128xf32, #tpu.memory_space<hbm>>
        %dma_wait3A_48 = tpu.memref_squeeze %dma_wait3A_47 : memref<1x520x128xf32, #tpu.memory_space<hbm>> -> memref<520x128xf32, #tpu.memory_space<hbm>>
        %dma_wait3A_49 = arith.constant 9480 : i32
        %dma_wait3A_50 = arith.constant 0 : i32
        %dma_wait3A_51 = tpu.memref_slice %arg10[%dma_wait3A_49, %dma_wait3A_50] : memref<10016x128xf32, #tpu.memory_space<vmem_shared>> -> memref<520x128xf32, #tpu.memory_space<vmem_shared>>
        tpu.wait_dma2 semaphore(%run_scoped3A : memref<!tpu.dma_semaphore, #tpu.memory_space<semaphore_mem>>) src(%dma_wait3A_51 : memref<520x128xf32, #tpu.memory_space<vmem_shared>>) dst(%dma_wait3A_48 : memref<520x128xf32, #tpu.memory_space<hbm>>)
        tpu.yield
      }) : () -> ()
    } else {
    }
    return
  }
}

#map = affine_map<(d0, d1) -> (0)>
#map1 = affine_map<(d0, d1) -> (0, 0)>
#map2 = affine_map<(d0, d1) -> (0, 0, 0)>
module attributes {stable_mosaic.version = 14 : i64} {
  func.func @_edge_body(%arg0: i32, %arg1: i32, %arg2: memref<327680xi32, #tpu.memory_space<hbm>>, %arg3: memref<2560x128xi32, #tpu.memory_space<hbm>>, %arg4: memref<10000x128xf32, #tpu.memory_space<hbm>>, %arg5: memref<10000x128xf32, #tpu.memory_space<hbm>>, %arg6: memref<2x10000x128xf32, #tpu.memory_space<hbm>>, %arg7: memref<128xi32, #tpu.memory_space<vmem>>, %arg8: memref<128xi32, #tpu.memory_space<vmem>>, %arg9: memref<80x128xi32, #tpu.memory_space<vmem>>, %arg10: memref<128x128xf32, #tpu.memory_space<vmem>>, %arg11: memref<128x128xf32, #tpu.memory_space<vmem>>, %arg12: memref<!tpu.dma_semaphore, #tpu.memory_space<semaphore_mem>>, %arg13: memref<!tpu.dma_semaphore, #tpu.memory_space<semaphore_mem>>, %arg14: memref<!tpu.dma_semaphore, #tpu.memory_space<semaphore_mem>>, %arg15: memref<!tpu.dma_semaphore, #tpu.memory_space<semaphore_mem>>, %arg16: memref<!tpu.dma_semaphore, #tpu.memory_space<semaphore_mem>>, %arg17: memref<!tpu.dma_semaphore, #tpu.memory_space<semaphore_mem>>, %arg18: memref<10016x128xf32, #tpu.memory_space<vmem_shared>>) attributes {dimension_semantics = [#tpu.dimension_semantics<core_parallel>, #tpu.dimension_semantics<subcore_parallel>], iteration_bounds = array<i64: 2, 16>, scalar_prefetch = 0 : i64, scratch_operands = 12 : i64, tpu.core_type = #tpu.core_type<sc_vector_subcore>, window_params = [{transform_indices = #map}, {transform_indices = #map1}, {transform_indices = #map1}, {transform_indices = #map1}, {transform_indices = #map2}]} {
    %mul3A = arith.constant 16 : i32
    %mul3A_0 = arith.muli %arg0, %mul3A : i32
    %add3A = arith.addi %mul3A_0, %arg1 : i32
    %eq3A = arith.constant 1 : i32
    %eq3A_1 = arith.cmpi eq, %arg0, %eq3A : i32
    %convert_element_type3A = arith.extui %eq3A_1 : i1 to i32
    %cond3A = arith.constant 0 : i32
    %cond3A_2 = arith.cmpi ne, %convert_element_type3A, %cond3A : i32
    scf.if %cond3A_2 {
      %lt3A_42 = arith.constant 15 : i32
      %lt3A_43 = arith.cmpi slt, %arg1, %lt3A_42 : i32
      %convert_element_type3A_44 = arith.extui %lt3A_43 : i1 to i32
      %cond3A_45 = arith.constant 0 : i32
      %cond3A_46 = arith.cmpi ne, %convert_element_type3A_44, %cond3A_45 : i32
      scf.if %cond3A_46 {
        %mul3A_52 = arith.constant 632 : i32
        %mul3A_53 = arith.muli %arg1, %mul3A_52 : i32
        %multiple_of3A_54 = tpu.assume_multiple %mul3A_53, 8 : i32
        "tpu.region"() ({
          %run_scoped3A = tpu.sem_alloc : memref<!tpu.dma_semaphore, #tpu.memory_space<semaphore_mem>>
          %dma_start3A_55 = arith.constant 0 : i32
          %dma_start3A_56 = tpu.memref_slice %arg18[%multiple_of3A_54, %dma_start3A_55] : memref<10016x128xf32, #tpu.memory_space<vmem_shared>> -> memref<632x128xf32, #tpu.memory_space<vmem_shared>>
          %dma_start3A_57 = arith.constant 0 : i32
          %dma_start3A_58 = tpu.memref_slice %arg4[%multiple_of3A_54, %dma_start3A_57] : memref<10000x128xf32, #tpu.memory_space<hbm>> -> memref<632x128xf32, #tpu.memory_space<hbm>>
          tpu.enqueue_dma source(%dma_start3A_58 : memref<632x128xf32, #tpu.memory_space<hbm>>) target(%dma_start3A_56 : memref<632x128xf32, #tpu.memory_space<vmem_shared>>) target_semaphore(%run_scoped3A : memref<!tpu.dma_semaphore, #tpu.memory_space<semaphore_mem>>)
          %dma_wait3A_59 = arith.constant 0 : i32
          %dma_wait3A_60 = tpu.memref_slice %arg18[%multiple_of3A_54, %dma_wait3A_59] : memref<10016x128xf32, #tpu.memory_space<vmem_shared>> -> memref<632x128xf32, #tpu.memory_space<vmem_shared>>
          %dma_wait3A_61 = arith.constant 0 : i32
          %dma_wait3A_62 = tpu.memref_slice %arg4[%multiple_of3A_54, %dma_wait3A_61] : memref<10000x128xf32, #tpu.memory_space<hbm>> -> memref<632x128xf32, #tpu.memory_space<hbm>>
          tpu.wait_dma2 semaphore(%run_scoped3A : memref<!tpu.dma_semaphore, #tpu.memory_space<semaphore_mem>>) src(%dma_wait3A_62 : memref<632x128xf32, #tpu.memory_space<hbm>>) dst(%dma_wait3A_60 : memref<632x128xf32, #tpu.memory_space<vmem_shared>>)
          tpu.yield
        }) : () -> ()
      } else {
      }
      %eq3A_47 = arith.constant 15 : i32
      %eq3A_48 = arith.cmpi eq, %arg1, %eq3A_47 : i32
      %convert_element_type3A_49 = arith.extui %eq3A_48 : i1 to i32
      %cond3A_50 = arith.constant 0 : i32
      %cond3A_51 = arith.cmpi ne, %convert_element_type3A_49, %cond3A_50 : i32
      scf.if %cond3A_51 {
        "tpu.region"() ({
          %run_scoped3A = tpu.sem_alloc : memref<!tpu.dma_semaphore, #tpu.memory_space<semaphore_mem>>
          %dma_start3A_52 = arith.constant 9480 : i32
          %dma_start3A_53 = arith.constant 0 : i32
          %dma_start3A_54 = tpu.memref_slice %arg18[%dma_start3A_52, %dma_start3A_53] : memref<10016x128xf32, #tpu.memory_space<vmem_shared>> -> memref<520x128xf32, #tpu.memory_space<vmem_shared>>
          %dma_start3A_55 = arith.constant 9480 : i32
          %dma_start3A_56 = arith.constant 0 : i32
          %dma_start3A_57 = tpu.memref_slice %arg4[%dma_start3A_55, %dma_start3A_56] : memref<10000x128xf32, #tpu.memory_space<hbm>> -> memref<520x128xf32, #tpu.memory_space<hbm>>
          tpu.enqueue_dma source(%dma_start3A_57 : memref<520x128xf32, #tpu.memory_space<hbm>>) target(%dma_start3A_54 : memref<520x128xf32, #tpu.memory_space<vmem_shared>>) target_semaphore(%run_scoped3A : memref<!tpu.dma_semaphore, #tpu.memory_space<semaphore_mem>>)
          %dma_wait3A_58 = arith.constant 9480 : i32
          %dma_wait3A_59 = arith.constant 0 : i32
          %dma_wait3A_60 = tpu.memref_slice %arg18[%dma_wait3A_58, %dma_wait3A_59] : memref<10016x128xf32, #tpu.memory_space<vmem_shared>> -> memref<520x128xf32, #tpu.memory_space<vmem_shared>>
          %dma_wait3A_61 = arith.constant 9480 : i32
          %dma_wait3A_62 = arith.constant 0 : i32
          %dma_wait3A_63 = tpu.memref_slice %arg4[%dma_wait3A_61, %dma_wait3A_62] : memref<10000x128xf32, #tpu.memory_space<hbm>> -> memref<520x128xf32, #tpu.memory_space<hbm>>
          tpu.wait_dma2 semaphore(%run_scoped3A : memref<!tpu.dma_semaphore, #tpu.memory_space<semaphore_mem>>) src(%dma_wait3A_63 : memref<520x128xf32, #tpu.memory_space<hbm>>) dst(%dma_wait3A_60 : memref<520x128xf32, #tpu.memory_space<vmem_shared>>)
          tpu.yield
        }) : () -> ()
      } else {
      }
    } else {
    }
    %ne3A = arith.constant 1 : i32
    %ne3A_3 = arith.cmpi ne, %arg0, %ne3A : i32
    %convert_element_type3A_4 = arith.extui %ne3A_3 : i1 to i32
    %cond3A_5 = arith.constant 0 : i32
    %cond3A_6 = arith.cmpi ne, %convert_element_type3A_4, %cond3A_5 : i32
    scf.if %cond3A_6 {
      %lt3A_42 = arith.constant 15 : i32
      %lt3A_43 = arith.cmpi slt, %arg1, %lt3A_42 : i32
      %convert_element_type3A_44 = arith.extui %lt3A_43 : i1 to i32
      %cond3A_45 = arith.constant 0 : i32
      %cond3A_46 = arith.cmpi ne, %convert_element_type3A_44, %cond3A_45 : i32
      scf.if %cond3A_46 {
        %mul3A_52 = arith.constant 632 : i32
        %mul3A_53 = arith.muli %arg1, %mul3A_52 : i32
        %multiple_of3A_54 = tpu.assume_multiple %mul3A_53, 8 : i32
        "tpu.region"() ({
          %run_scoped3A = tpu.sem_alloc : memref<!tpu.dma_semaphore, #tpu.memory_space<semaphore_mem>>
          %dma_start3A_55 = arith.constant 0 : i32
          %dma_start3A_56 = tpu.memref_slice %arg18[%multiple_of3A_54, %dma_start3A_55] : memref<10016x128xf32, #tpu.memory_space<vmem_shared>> -> memref<632x128xf32, #tpu.memory_space<vmem_shared>>
          %dma_start3A_57 = arith.constant 0 : i32
          %dma_start3A_58 = tpu.memref_slice %arg5[%multiple_of3A_54, %dma_start3A_57] : memref<10000x128xf32, #tpu.memory_space<hbm>> -> memref<632x128xf32, #tpu.memory_space<hbm>>
          tpu.enqueue_dma source(%dma_start3A_58 : memref<632x128xf32, #tpu.memory_space<hbm>>) target(%dma_start3A_56 : memref<632x128xf32, #tpu.memory_space<vmem_shared>>) target_semaphore(%run_scoped3A : memref<!tpu.dma_semaphore, #tpu.memory_space<semaphore_mem>>)
          %dma_wait3A_59 = arith.constant 0 : i32
          %dma_wait3A_60 = tpu.memref_slice %arg18[%multiple_of3A_54, %dma_wait3A_59] : memref<10016x128xf32, #tpu.memory_space<vmem_shared>> -> memref<632x128xf32, #tpu.memory_space<vmem_shared>>
          %dma_wait3A_61 = arith.constant 0 : i32
          %dma_wait3A_62 = tpu.memref_slice %arg5[%multiple_of3A_54, %dma_wait3A_61] : memref<10000x128xf32, #tpu.memory_space<hbm>> -> memref<632x128xf32, #tpu.memory_space<hbm>>
          tpu.wait_dma2 semaphore(%run_scoped3A : memref<!tpu.dma_semaphore, #tpu.memory_space<semaphore_mem>>) src(%dma_wait3A_62 : memref<632x128xf32, #tpu.memory_space<hbm>>) dst(%dma_wait3A_60 : memref<632x128xf32, #tpu.memory_space<vmem_shared>>)
          tpu.yield
        }) : () -> ()
      } else {
      }
      %eq3A_47 = arith.constant 15 : i32
      %eq3A_48 = arith.cmpi eq, %arg1, %eq3A_47 : i32
      %convert_element_type3A_49 = arith.extui %eq3A_48 : i1 to i32
      %cond3A_50 = arith.constant 0 : i32
      %cond3A_51 = arith.cmpi ne, %convert_element_type3A_49, %cond3A_50 : i32
      scf.if %cond3A_51 {
        "tpu.region"() ({
          %run_scoped3A = tpu.sem_alloc : memref<!tpu.dma_semaphore, #tpu.memory_space<semaphore_mem>>
          %dma_start3A_52 = arith.constant 9480 : i32
          %dma_start3A_53 = arith.constant 0 : i32
          %dma_start3A_54 = tpu.memref_slice %arg18[%dma_start3A_52, %dma_start3A_53] : memref<10016x128xf32, #tpu.memory_space<vmem_shared>> -> memref<520x128xf32, #tpu.memory_space<vmem_shared>>
          %dma_start3A_55 = arith.constant 9480 : i32
          %dma_start3A_56 = arith.constant 0 : i32
          %dma_start3A_57 = tpu.memref_slice %arg5[%dma_start3A_55, %dma_start3A_56] : memref<10000x128xf32, #tpu.memory_space<hbm>> -> memref<520x128xf32, #tpu.memory_space<hbm>>
          tpu.enqueue_dma source(%dma_start3A_57 : memref<520x128xf32, #tpu.memory_space<hbm>>) target(%dma_start3A_54 : memref<520x128xf32, #tpu.memory_space<vmem_shared>>) target_semaphore(%run_scoped3A : memref<!tpu.dma_semaphore, #tpu.memory_space<semaphore_mem>>)
          %dma_wait3A_58 = arith.constant 9480 : i32
          %dma_wait3A_59 = arith.constant 0 : i32
          %dma_wait3A_60 = tpu.memref_slice %arg18[%dma_wait3A_58, %dma_wait3A_59] : memref<10016x128xf32, #tpu.memory_space<vmem_shared>> -> memref<520x128xf32, #tpu.memory_space<vmem_shared>>
          %dma_wait3A_61 = arith.constant 9480 : i32
          %dma_wait3A_62 = arith.constant 0 : i32
          %dma_wait3A_63 = tpu.memref_slice %arg5[%dma_wait3A_61, %dma_wait3A_62] : memref<10000x128xf32, #tpu.memory_space<hbm>> -> memref<520x128xf32, #tpu.memory_space<hbm>>
          tpu.wait_dma2 semaphore(%run_scoped3A : memref<!tpu.dma_semaphore, #tpu.memory_space<semaphore_mem>>) src(%dma_wait3A_63 : memref<520x128xf32, #tpu.memory_space<hbm>>) dst(%dma_wait3A_60 : memref<520x128xf32, #tpu.memory_space<vmem_shared>>)
          tpu.yield
        }) : () -> ()
      } else {
      }
    } else {
    }
    %mul3A_7 = arith.constant 80 : i32
    %mul3A_8 = arith.muli %add3A, %mul3A_7 : i32
    %multiple_of3A = tpu.assume_multiple %mul3A_8, 8 : i32
    %mul3A_9 = arith.constant 80 : i32
    %mul3A_10 = arith.muli %add3A, %mul3A_9 : i32
    %mul3A_11 = arith.constant 128 : i32
    %mul3A_12 = arith.muli %mul3A_10, %mul3A_11 : i32
    %multiple_of3A_13 = tpu.assume_multiple %mul3A_12, 8 : i32
    "tpu.region"() ({
      %run_scoped3A = tpu.sem_alloc : memref<!tpu.dma_semaphore, #tpu.memory_space<semaphore_mem>>
      %dma_start3A_42 = arith.constant 0 : i32
      %dma_start3A_43 = tpu.memref_slice %arg3[%multiple_of3A, %dma_start3A_42] : memref<2560x128xi32, #tpu.memory_space<hbm>> -> memref<80x128xi32, #tpu.memory_space<hbm>>
      %dma_start3A_44 = arith.constant 0 : i32
      %dma_start3A_45 = tpu.memref_slice %arg3[%multiple_of3A, %dma_start3A_44] : memref<2560x128xi32, #tpu.memory_space<hbm>> -> memref<80x128xi32, #tpu.memory_space<hbm>>
      tpu.enqueue_dma source(%dma_start3A_45 : memref<80x128xi32, #tpu.memory_space<hbm>>) target(%arg9 : memref<80x128xi32, #tpu.memory_space<vmem>>) target_semaphore(%run_scoped3A : memref<!tpu.dma_semaphore, #tpu.memory_space<semaphore_mem>>)
      %dma_wait3A_46 = arith.constant 0 : i32
      %dma_wait3A_47 = tpu.memref_slice %arg3[%multiple_of3A, %dma_wait3A_46] : memref<2560x128xi32, #tpu.memory_space<hbm>> -> memref<80x128xi32, #tpu.memory_space<hbm>>
      %dma_wait3A_48 = arith.constant 0 : i32
      %dma_wait3A_49 = tpu.memref_slice %arg3[%multiple_of3A, %dma_wait3A_48] : memref<2560x128xi32, #tpu.memory_space<hbm>> -> memref<80x128xi32, #tpu.memory_space<hbm>>
      tpu.wait_dma2 semaphore(%run_scoped3A : memref<!tpu.dma_semaphore, #tpu.memory_space<semaphore_mem>>) src(%dma_wait3A_49 : memref<80x128xi32, #tpu.memory_space<hbm>>) dst(%arg9 : memref<80x128xi32, #tpu.memory_space<vmem>>)
      tpu.yield
    }) : () -> ()
    "tpu.region"() ({
      %run_scoped3A = tpu.sem_alloc : memref<!tpu.dma_semaphore, #tpu.memory_space<semaphore_mem>>
      %dma_start3A_42 = tpu.memref_slice %arg2[%multiple_of3A_13] : memref<327680xi32, #tpu.memory_space<hbm>> -> memref<128xi32, #tpu.memory_space<hbm>>
      %dma_start3A_43 = tpu.memref_slice %arg2[%multiple_of3A_13] : memref<327680xi32, #tpu.memory_space<hbm>> -> memref<128xi32, #tpu.memory_space<hbm>>
      tpu.enqueue_dma source(%dma_start3A_43 : memref<128xi32, #tpu.memory_space<hbm>>) target(%arg7 : memref<128xi32, #tpu.memory_space<vmem>>) target_semaphore(%run_scoped3A : memref<!tpu.dma_semaphore, #tpu.memory_space<semaphore_mem>>)
      %dma_wait3A_44 = tpu.memref_slice %arg2[%multiple_of3A_13] : memref<327680xi32, #tpu.memory_space<hbm>> -> memref<128xi32, #tpu.memory_space<hbm>>
      %dma_wait3A_45 = tpu.memref_slice %arg2[%multiple_of3A_13] : memref<327680xi32, #tpu.memory_space<hbm>> -> memref<128xi32, #tpu.memory_space<hbm>>
      tpu.wait_dma2 semaphore(%run_scoped3A : memref<!tpu.dma_semaphore, #tpu.memory_space<semaphore_mem>>) src(%dma_wait3A_45 : memref<128xi32, #tpu.memory_space<hbm>>) dst(%arg7 : memref<128xi32, #tpu.memory_space<vmem>>)
      tpu.yield
    }) : () -> ()
    %barrier3A = arith.constant 0 : index
    tpu.barrier barrier_id(%barrier3A)
    %dma_start3A = arith.constant 0 : i32
    %dma_start3A_14 = arith.constant 0 : i32
    %dma_start3A_15 = tpu.memref_slice %arg4[%dma_start3A, %dma_start3A_14] : memref<10000x128xf32, #tpu.memory_space<hbm>> -> memref<10000x128xf32, #tpu.memory_space<hbm>>
    tpu.enqueue_indirect_dma source(%dma_start3A_15 : memref<10000x128xf32, #tpu.memory_space<hbm>>) target(%arg10 : memref<128x128xf32, #tpu.memory_space<vmem>>) offsets(%arg7 : memref<128xi32, #tpu.memory_space<vmem>>) semaphore(%arg12 : memref<!tpu.dma_semaphore, #tpu.memory_space<semaphore_mem>>)
    %add3A_16 = arith.constant 128 : i32
    %add3A_17 = arith.addi %multiple_of3A_13, %add3A_16 : i32
    %dma_start3A_18 = tpu.memref_slice %arg2[%add3A_17] : memref<327680xi32, #tpu.memory_space<hbm>> -> memref<128xi32, #tpu.memory_space<hbm>>
    %dma_start3A_19 = tpu.memref_slice %arg2[%add3A_17] : memref<327680xi32, #tpu.memory_space<hbm>> -> memref<128xi32, #tpu.memory_space<hbm>>
    tpu.enqueue_dma source(%dma_start3A_19 : memref<128xi32, #tpu.memory_space<hbm>>) target(%arg8 : memref<128xi32, #tpu.memory_space<vmem>>) target_semaphore(%arg17 : memref<!tpu.dma_semaphore, #tpu.memory_space<semaphore_mem>>)
    %scan3A = arith.constant 0 : i32
    %scan3A_20 = arith.constant 0 : i32
    %scan3A_21 = arith.constant 80 : i32
    %scan3A_22 = arith.addi %scan3A_20, %scan3A_21 : i32
    %scan3A_23 = arith.constant 1 : i32
    %scan3A_24 = scf.for %scan3A_42 = %scan3A_20 to %scan3A_22 step %scan3A_23 iter_args(%scan3A_43 = %scan3A) -> (i32)  : i32 {
      %jit3A = arith.constant 2 : i32
      %eq3A_44 = arith.constant 0 : i32
      %eq3A_45 = arith.cmpi eq, %jit3A, %eq3A_44 : i32
      %jit3A_46 = arith.constant 1 : i32
      %select_n3A = arith.select %eq3A_45, %jit3A_46, %jit3A : i32
      %rem3A = arith.remsi %scan3A_42, %select_n3A : i32
      %ne3A_47 = arith.constant 0 : i32
      %ne3A_48 = arith.cmpi ne, %rem3A, %ne3A_47 : i32
      %lt3A_49 = arith.constant 0 : i32
      %lt3A_50 = arith.cmpi slt, %rem3A, %lt3A_49 : i32
      %lt3A_51 = arith.constant 0 : i32
      %lt3A_52 = arith.cmpi slt, %select_n3A, %lt3A_51 : i32
      %ne3A_53 = arith.xori %lt3A_50, %lt3A_52 : i1
      %and3A = arith.andi %ne3A_53, %ne3A_48 : i1
      %add3A_54 = arith.addi %rem3A, %select_n3A : i32
      %select_n3A_55 = arith.select %and3A, %add3A_54, %rem3A : i32
      %eq3A_56 = arith.constant 0 : i32
      %eq3A_57 = arith.cmpi eq, %select_n3A_55, %eq3A_56 : i32
      %convert_element_type3A_58 = arith.extui %eq3A_57 : i1 to i32
      %cond3A_59 = arith.constant 0 : i32
      %cond3A_60 = arith.cmpi ne, %convert_element_type3A_58, %cond3A_59 : i32
      scf.if %cond3A_60 {
        %dma_wait3A_83 = arith.constant 0 : i32
        %dma_wait3A_84 = arith.constant 0 : i32
        %dma_wait3A_85 = tpu.memref_slice %arg4[%dma_wait3A_83, %dma_wait3A_84] : memref<10000x128xf32, #tpu.memory_space<hbm>> -> memref<10000x128xf32, #tpu.memory_space<hbm>>
        tpu.wait_indirect_dma semaphore(%arg12 : memref<!tpu.dma_semaphore, #tpu.memory_space<semaphore_mem>>) src(%dma_wait3A_85 : memref<10000x128xf32, #tpu.memory_space<hbm>>) dst(%arg10 : memref<128x128xf32, #tpu.memory_space<vmem>>)
        %dma_start3A_86 = arith.constant 0 : i32
        %dma_start3A_87 = tpu.memref_slice %arg9[%scan3A_42, %dma_start3A_86] : memref<80x128xi32, #tpu.memory_space<vmem>> -> memref<1x128xi32, #tpu.memory_space<vmem>>
        %dma_start3A_88 = tpu.memref_squeeze %dma_start3A_87 : memref<1x128xi32, #tpu.memory_space<vmem>> -> memref<128xi32, #tpu.memory_space<vmem>>
        %dma_start3A_89 = arith.constant 0 : i32
        %dma_start3A_90 = arith.constant 0 : i32
        %dma_start3A_91 = tpu.memref_slice %arg18[%dma_start3A_89, %dma_start3A_90] : memref<10016x128xf32, #tpu.memory_space<vmem_shared>> -> memref<10016x128xf32, #tpu.memory_space<vmem_shared>>
        tpu.enqueue_indirect_dma source(%arg10 : memref<128x128xf32, #tpu.memory_space<vmem>>) target(%dma_start3A_91 : memref<10016x128xf32, #tpu.memory_space<vmem_shared>>) offsets(%dma_start3A_88 : memref<128xi32, #tpu.memory_space<vmem>>) semaphore(%arg14 : memref<!tpu.dma_semaphore, #tpu.memory_space<semaphore_mem>>) {add = true}
        %ge3A = arith.constant 1 : i32
        %ge3A_92 = arith.cmpi sge, %scan3A_42, %ge3A : i32
        %convert_element_type3A_93 = arith.extui %ge3A_92 : i1 to i32
        %cond3A_94 = arith.constant 0 : i32
        %cond3A_95 = arith.cmpi ne, %convert_element_type3A_93, %cond3A_94 : i32
        scf.if %cond3A_95 {
          %sub3A = arith.constant 1 : i32
          %sub3A_110 = arith.subi %scan3A_42, %sub3A : i32
          %dma_wait3A_111 = arith.constant 0 : i32
          %dma_wait3A_112 = tpu.memref_slice %arg9[%sub3A_110, %dma_wait3A_111] : memref<80x128xi32, #tpu.memory_space<vmem>> -> memref<1x128xi32, #tpu.memory_space<vmem>>
          %dma_wait3A_113 = tpu.memref_squeeze %dma_wait3A_112 : memref<1x128xi32, #tpu.memory_space<vmem>> -> memref<128xi32, #tpu.memory_space<vmem>>
          %dma_wait3A_114 = arith.constant 0 : i32
          %dma_wait3A_115 = arith.constant 0 : i32
          %dma_wait3A_116 = tpu.memref_slice %arg18[%dma_wait3A_114, %dma_wait3A_115] : memref<10016x128xf32, #tpu.memory_space<vmem_shared>> -> memref<10016x128xf32, #tpu.memory_space<vmem_shared>>
          tpu.wait_indirect_dma semaphore(%arg15 : memref<!tpu.dma_semaphore, #tpu.memory_space<semaphore_mem>>) src(%arg11 : memref<128x128xf32, #tpu.memory_space<vmem>>) dst(%dma_wait3A_116 : memref<10016x128xf32, #tpu.memory_space<vmem_shared>>)
        } else {
        }
        %add3A_96 = arith.constant 1 : i32
        %add3A_97 = arith.addi %scan3A_42, %add3A_96 : i32
        %lt3A_98 = arith.constant 80 : i32
        %lt3A_99 = arith.cmpi slt, %add3A_97, %lt3A_98 : i32
        %convert_element_type3A_100 = arith.extui %lt3A_99 : i1 to i32
        %cond3A_101 = arith.constant 0 : i32
        %cond3A_102 = arith.cmpi ne, %convert_element_type3A_100, %cond3A_101 : i32
        scf.if %cond3A_102 {
          %dma_wait3A_110 = tpu.memref_slice %arg2[%multiple_of3A_13] : memref<327680xi32, #tpu.memory_space<hbm>> -> memref<128xi32, #tpu.memory_space<hbm>>
          %dma_wait3A_111 = tpu.memref_slice %arg2[%multiple_of3A_13] : memref<327680xi32, #tpu.memory_space<hbm>> -> memref<128xi32, #tpu.memory_space<hbm>>
          tpu.wait_dma2 semaphore(%arg17 : memref<!tpu.dma_semaphore, #tpu.memory_space<semaphore_mem>>) src(%dma_wait3A_111 : memref<128xi32, #tpu.memory_space<hbm>>) dst(%arg8 : memref<128xi32, #tpu.memory_space<vmem>>)
          %dma_start3A_112 = arith.constant 0 : i32
          %dma_start3A_113 = arith.constant 0 : i32
          %dma_start3A_114 = tpu.memref_slice %arg4[%dma_start3A_112, %dma_start3A_113] : memref<10000x128xf32, #tpu.memory_space<hbm>> -> memref<10000x128xf32, #tpu.memory_space<hbm>>
          tpu.enqueue_indirect_dma source(%dma_start3A_114 : memref<10000x128xf32, #tpu.memory_space<hbm>>) target(%arg11 : memref<128x128xf32, #tpu.memory_space<vmem>>) offsets(%arg8 : memref<128xi32, #tpu.memory_space<vmem>>) semaphore(%arg13 : memref<!tpu.dma_semaphore, #tpu.memory_space<semaphore_mem>>)
        } else {
        }
        %add3A_103 = arith.constant 2 : i32
        %add3A_104 = arith.addi %scan3A_42, %add3A_103 : i32
        %lt3A_105 = arith.constant 80 : i32
        %lt3A_106 = arith.cmpi slt, %add3A_104, %lt3A_105 : i32
        %convert_element_type3A_107 = arith.extui %lt3A_106 : i1 to i32
        %cond3A_108 = arith.constant 0 : i32
        %cond3A_109 = arith.cmpi ne, %convert_element_type3A_107, %cond3A_108 : i32
        scf.if %cond3A_109 {
          %add3A_110 = arith.constant 2 : i32
          %add3A_111 = arith.addi %scan3A_42, %add3A_110 : i32
          %mul3A_112 = arith.constant 128 : i32
          %mul3A_113 = arith.muli %add3A_111, %mul3A_112 : i32
          %add3A_114 = arith.addi %multiple_of3A_13, %mul3A_113 : i32
          %dma_start3A_115 = tpu.memref_slice %arg2[%add3A_114] : memref<327680xi32, #tpu.memory_space<hbm>> -> memref<128xi32, #tpu.memory_space<hbm>>
          %dma_start3A_116 = tpu.memref_slice %arg2[%add3A_114] : memref<327680xi32, #tpu.memory_space<hbm>> -> memref<128xi32, #tpu.memory_space<hbm>>
          tpu.enqueue_dma source(%dma_start3A_116 : memref<128xi32, #tpu.memory_space<hbm>>) target(%arg7 : memref<128xi32, #tpu.memory_space<vmem>>) target_semaphore(%arg16 : memref<!tpu.dma_semaphore, #tpu.memory_space<semaphore_mem>>)
        } else {
        }
      } else {
      }
      %jit3A_61 = arith.constant 2 : i32
      %eq3A_62 = arith.constant 0 : i32
      %eq3A_63 = arith.cmpi eq, %jit3A_61, %eq3A_62 : i32
      %jit3A_64 = arith.constant 1 : i32
      %select_n3A_65 = arith.select %eq3A_63, %jit3A_64, %jit3A_61 : i32
      %rem3A_66 = arith.remsi %scan3A_42, %select_n3A_65 : i32
      %ne3A_67 = arith.constant 0 : i32
      %ne3A_68 = arith.cmpi ne, %rem3A_66, %ne3A_67 : i32
      %lt3A_69 = arith.constant 0 : i32
      %lt3A_70 = arith.cmpi slt, %rem3A_66, %lt3A_69 : i32
      %lt3A_71 = arith.constant 0 : i32
      %lt3A_72 = arith.cmpi slt, %select_n3A_65, %lt3A_71 : i32
      %ne3A_73 = arith.xori %lt3A_70, %lt3A_72 : i1
      %and3A_74 = arith.andi %ne3A_73, %ne3A_68 : i1
      %add3A_75 = arith.addi %rem3A_66, %select_n3A_65 : i32
      %select_n3A_76 = arith.select %and3A_74, %add3A_75, %rem3A_66 : i32
      %eq3A_77 = arith.constant 1 : i32
      %eq3A_78 = arith.cmpi eq, %select_n3A_76, %eq3A_77 : i32
      %convert_element_type3A_79 = arith.extui %eq3A_78 : i1 to i32
      %cond3A_80 = arith.constant 0 : i32
      %cond3A_81 = arith.cmpi ne, %convert_element_type3A_79, %cond3A_80 : i32
      scf.if %cond3A_81 {
        %dma_wait3A_83 = arith.constant 0 : i32
        %dma_wait3A_84 = arith.constant 0 : i32
        %dma_wait3A_85 = tpu.memref_slice %arg4[%dma_wait3A_83, %dma_wait3A_84] : memref<10000x128xf32, #tpu.memory_space<hbm>> -> memref<10000x128xf32, #tpu.memory_space<hbm>>
        tpu.wait_indirect_dma semaphore(%arg13 : memref<!tpu.dma_semaphore, #tpu.memory_space<semaphore_mem>>) src(%dma_wait3A_85 : memref<10000x128xf32, #tpu.memory_space<hbm>>) dst(%arg11 : memref<128x128xf32, #tpu.memory_space<vmem>>)
        %dma_start3A_86 = arith.constant 0 : i32
        %dma_start3A_87 = tpu.memref_slice %arg9[%scan3A_42, %dma_start3A_86] : memref<80x128xi32, #tpu.memory_space<vmem>> -> memref<1x128xi32, #tpu.memory_space<vmem>>
        %dma_start3A_88 = tpu.memref_squeeze %dma_start3A_87 : memref<1x128xi32, #tpu.memory_space<vmem>> -> memref<128xi32, #tpu.memory_space<vmem>>
        %dma_start3A_89 = arith.constant 0 : i32
        %dma_start3A_90 = arith.constant 0 : i32
        %dma_start3A_91 = tpu.memref_slice %arg18[%dma_start3A_89, %dma_start3A_90] : memref<10016x128xf32, #tpu.memory_space<vmem_shared>> -> memref<10016x128xf32, #tpu.memory_space<vmem_shared>>
        tpu.enqueue_indirect_dma source(%arg11 : memref<128x128xf32, #tpu.memory_space<vmem>>) target(%dma_start3A_91 : memref<10016x128xf32, #tpu.memory_space<vmem_shared>>) offsets(%dma_start3A_88 : memref<128xi32, #tpu.memory_space<vmem>>) semaphore(%arg15 : memref<!tpu.dma_semaphore, #tpu.memory_space<semaphore_mem>>) {add = true}
        %ge3A = arith.constant 1 : i32
        %ge3A_92 = arith.cmpi sge, %scan3A_42, %ge3A : i32
        %convert_element_type3A_93 = arith.extui %ge3A_92 : i1 to i32
        %cond3A_94 = arith.constant 0 : i32
        %cond3A_95 = arith.cmpi ne, %convert_element_type3A_93, %cond3A_94 : i32
        scf.if %cond3A_95 {
          %sub3A = arith.constant 1 : i32
          %sub3A_110 = arith.subi %scan3A_42, %sub3A : i32
          %dma_wait3A_111 = arith.constant 0 : i32
          %dma_wait3A_112 = tpu.memref_slice %arg9[%sub3A_110, %dma_wait3A_111] : memref<80x128xi32, #tpu.memory_space<vmem>> -> memref<1x128xi32, #tpu.memory_space<vmem>>
          %dma_wait3A_113 = tpu.memref_squeeze %dma_wait3A_112 : memref<1x128xi32, #tpu.memory_space<vmem>> -> memref<128xi32, #tpu.memory_space<vmem>>
          %dma_wait3A_114 = arith.constant 0 : i32
          %dma_wait3A_115 = arith.constant 0 : i32
          %dma_wait3A_116 = tpu.memref_slice %arg18[%dma_wait3A_114, %dma_wait3A_115] : memref<10016x128xf32, #tpu.memory_space<vmem_shared>> -> memref<10016x128xf32, #tpu.memory_space<vmem_shared>>
          tpu.wait_indirect_dma semaphore(%arg14 : memref<!tpu.dma_semaphore, #tpu.memory_space<semaphore_mem>>) src(%arg10 : memref<128x128xf32, #tpu.memory_space<vmem>>) dst(%dma_wait3A_116 : memref<10016x128xf32, #tpu.memory_space<vmem_shared>>)
        } else {
        }
        %add3A_96 = arith.constant 1 : i32
        %add3A_97 = arith.addi %scan3A_42, %add3A_96 : i32
        %lt3A_98 = arith.constant 80 : i32
        %lt3A_99 = arith.cmpi slt, %add3A_97, %lt3A_98 : i32
        %convert_element_type3A_100 = arith.extui %lt3A_99 : i1 to i32
        %cond3A_101 = arith.constant 0 : i32
        %cond3A_102 = arith.cmpi ne, %convert_element_type3A_100, %cond3A_101 : i32
        scf.if %cond3A_102 {
          %dma_wait3A_110 = tpu.memref_slice %arg2[%multiple_of3A_13] : memref<327680xi32, #tpu.memory_space<hbm>> -> memref<128xi32, #tpu.memory_space<hbm>>
          %dma_wait3A_111 = tpu.memref_slice %arg2[%multiple_of3A_13] : memref<327680xi32, #tpu.memory_space<hbm>> -> memref<128xi32, #tpu.memory_space<hbm>>
          tpu.wait_dma2 semaphore(%arg16 : memref<!tpu.dma_semaphore, #tpu.memory_space<semaphore_mem>>) src(%dma_wait3A_111 : memref<128xi32, #tpu.memory_space<hbm>>) dst(%arg7 : memref<128xi32, #tpu.memory_space<vmem>>)
          %dma_start3A_112 = arith.constant 0 : i32
          %dma_start3A_113 = arith.constant 0 : i32
          %dma_start3A_114 = tpu.memref_slice %arg4[%dma_start3A_112, %dma_start3A_113] : memref<10000x128xf32, #tpu.memory_space<hbm>> -> memref<10000x128xf32, #tpu.memory_space<hbm>>
          tpu.enqueue_indirect_dma source(%dma_start3A_114 : memref<10000x128xf32, #tpu.memory_space<hbm>>) target(%arg10 : memref<128x128xf32, #tpu.memory_space<vmem>>) offsets(%arg7 : memref<128xi32, #tpu.memory_space<vmem>>) semaphore(%arg12 : memref<!tpu.dma_semaphore, #tpu.memory_space<semaphore_mem>>)
        } else {
        }
        %add3A_103 = arith.constant 2 : i32
        %add3A_104 = arith.addi %scan3A_42, %add3A_103 : i32
        %lt3A_105 = arith.constant 80 : i32
        %lt3A_106 = arith.cmpi slt, %add3A_104, %lt3A_105 : i32
        %convert_element_type3A_107 = arith.extui %lt3A_106 : i1 to i32
        %cond3A_108 = arith.constant 0 : i32
        %cond3A_109 = arith.cmpi ne, %convert_element_type3A_107, %cond3A_108 : i32
        scf.if %cond3A_109 {
          %add3A_110 = arith.constant 2 : i32
          %add3A_111 = arith.addi %scan3A_42, %add3A_110 : i32
          %mul3A_112 = arith.constant 128 : i32
          %mul3A_113 = arith.muli %add3A_111, %mul3A_112 : i32
          %add3A_114 = arith.addi %multiple_of3A_13, %mul3A_113 : i32
          %dma_start3A_115 = tpu.memref_slice %arg2[%add3A_114] : memref<327680xi32, #tpu.memory_space<hbm>> -> memref<128xi32, #tpu.memory_space<hbm>>
          %dma_start3A_116 = tpu.memref_slice %arg2[%add3A_114] : memref<327680xi32, #tpu.memory_space<hbm>> -> memref<128xi32, #tpu.memory_space<hbm>>
          tpu.enqueue_dma source(%dma_start3A_116 : memref<128xi32, #tpu.memory_space<hbm>>) target(%arg8 : memref<128xi32, #tpu.memory_space<vmem>>) target_semaphore(%arg17 : memref<!tpu.dma_semaphore, #tpu.memory_space<semaphore_mem>>)
        } else {
        }
      } else {
      }
      %scan3A_82 = arith.constant 0 : i32
      scf.yield %scan3A_82 : i32
    }
    %scan3A_25 = arith.constant 80 : i32
    %dma_wait3A = arith.constant 79 : i32
    %dma_wait3A_26 = arith.constant 0 : i32
    %dma_wait3A_27 = tpu.memref_slice %arg9[%dma_wait3A, %dma_wait3A_26] : memref<80x128xi32, #tpu.memory_space<vmem>> -> memref<1x128xi32, #tpu.memory_space<vmem>>
    %dma_wait3A_28 = tpu.memref_squeeze %dma_wait3A_27 : memref<1x128xi32, #tpu.memory_space<vmem>> -> memref<128xi32, #tpu.memory_space<vmem>>
    %dma_wait3A_29 = arith.constant 0 : i32
    %dma_wait3A_30 = arith.constant 0 : i32
    %dma_wait3A_31 = tpu.memref_slice %arg18[%dma_wait3A_29, %dma_wait3A_30] : memref<10016x128xf32, #tpu.memory_space<vmem_shared>> -> memref<10016x128xf32, #tpu.memory_space<vmem_shared>>
    tpu.wait_indirect_dma semaphore(%arg15 : memref<!tpu.dma_semaphore, #tpu.memory_space<semaphore_mem>>) src(%arg11 : memref<128x128xf32, #tpu.memory_space<vmem>>) dst(%dma_wait3A_31 : memref<10016x128xf32, #tpu.memory_space<vmem_shared>>)
    %barrier3A_32 = arith.constant 0 : index
    tpu.barrier barrier_id(%barrier3A_32)
    %lt3A = arith.constant 15 : i32
    %lt3A_33 = arith.cmpi slt, %arg1, %lt3A : i32
    %convert_element_type3A_34 = arith.extui %lt3A_33 : i1 to i32
    %cond3A_35 = arith.constant 0 : i32
    %cond3A_36 = arith.cmpi ne, %convert_element_type3A_34, %cond3A_35 : i32
    scf.if %cond3A_36 {
      %mul3A_42 = arith.constant 632 : i32
      %mul3A_43 = arith.muli %arg1, %mul3A_42 : i32
      %multiple_of3A_44 = tpu.assume_multiple %mul3A_43, 8 : i32
      "tpu.region"() ({
        %run_scoped3A = tpu.sem_alloc : memref<!tpu.dma_semaphore, #tpu.memory_space<semaphore_mem>>
        %dma_start3A_45 = arith.constant 0 : i32
        %dma_start3A_46 = tpu.memref_slice %arg6[%arg0, %multiple_of3A_44, %dma_start3A_45] : memref<2x10000x128xf32, #tpu.memory_space<hbm>> -> memref<1x632x128xf32, #tpu.memory_space<hbm>>
        %dma_start3A_47 = tpu.memref_squeeze %dma_start3A_46 : memref<1x632x128xf32, #tpu.memory_space<hbm>> -> memref<632x128xf32, #tpu.memory_space<hbm>>
        %dma_start3A_48 = arith.constant 0 : i32
        %dma_start3A_49 = tpu.memref_slice %arg18[%multiple_of3A_44, %dma_start3A_48] : memref<10016x128xf32, #tpu.memory_space<vmem_shared>> -> memref<632x128xf32, #tpu.memory_space<vmem_shared>>
        tpu.enqueue_dma source(%dma_start3A_49 : memref<632x128xf32, #tpu.memory_space<vmem_shared>>) target(%dma_start3A_47 : memref<632x128xf32, #tpu.memory_space<hbm>>) target_semaphore(%run_scoped3A : memref<!tpu.dma_semaphore, #tpu.memory_space<semaphore_mem>>)
        %dma_wait3A_50 = arith.constant 0 : i32
        %dma_wait3A_51 = tpu.memref_slice %arg6[%arg0, %multiple_of3A_44, %dma_wait3A_50] : memref<2x10000x128xf32, #tpu.memory_space<hbm>> -> memref<1x632x128xf32, #tpu.memory_space<hbm>>
        %dma_wait3A_52 = tpu.memref_squeeze %dma_wait3A_51 : memref<1x632x128xf32, #tpu.memory_space<hbm>> -> memref<632x128xf32, #tpu.memory_space<hbm>>
        %dma_wait3A_53 = arith.constant 0 : i32
        %dma_wait3A_54 = tpu.memref_slice %arg18[%multiple_of3A_44, %dma_wait3A_53] : memref<10016x128xf32, #tpu.memory_space<vmem_shared>> -> memref<632x128xf32, #tpu.memory_space<vmem_shared>>
        tpu.wait_dma2 semaphore(%run_scoped3A : memref<!tpu.dma_semaphore, #tpu.memory_space<semaphore_mem>>) src(%dma_wait3A_54 : memref<632x128xf32, #tpu.memory_space<vmem_shared>>) dst(%dma_wait3A_52 : memref<632x128xf32, #tpu.memory_space<hbm>>)
        tpu.yield
      }) : () -> ()
    } else {
    }
    %eq3A_37 = arith.constant 15 : i32
    %eq3A_38 = arith.cmpi eq, %arg1, %eq3A_37 : i32
    %convert_element_type3A_39 = arith.extui %eq3A_38 : i1 to i32
    %cond3A_40 = arith.constant 0 : i32
    %cond3A_41 = arith.cmpi ne, %convert_element_type3A_39, %cond3A_40 : i32
    scf.if %cond3A_41 {
      "tpu.region"() ({
        %run_scoped3A = tpu.sem_alloc : memref<!tpu.dma_semaphore, #tpu.memory_space<semaphore_mem>>
        %dma_start3A_42 = arith.constant 9480 : i32
        %dma_start3A_43 = arith.constant 0 : i32
        %dma_start3A_44 = tpu.memref_slice %arg6[%arg0, %dma_start3A_42, %dma_start3A_43] : memref<2x10000x128xf32, #tpu.memory_space<hbm>> -> memref<1x520x128xf32, #tpu.memory_space<hbm>>
        %dma_start3A_45 = tpu.memref_squeeze %dma_start3A_44 : memref<1x520x128xf32, #tpu.memory_space<hbm>> -> memref<520x128xf32, #tpu.memory_space<hbm>>
        %dma_start3A_46 = arith.constant 9480 : i32
        %dma_start3A_47 = arith.constant 0 : i32
        %dma_start3A_48 = tpu.memref_slice %arg18[%dma_start3A_46, %dma_start3A_47] : memref<10016x128xf32, #tpu.memory_space<vmem_shared>> -> memref<520x128xf32, #tpu.memory_space<vmem_shared>>
        tpu.enqueue_dma source(%dma_start3A_48 : memref<520x128xf32, #tpu.memory_space<vmem_shared>>) target(%dma_start3A_45 : memref<520x128xf32, #tpu.memory_space<hbm>>) target_semaphore(%run_scoped3A : memref<!tpu.dma_semaphore, #tpu.memory_space<semaphore_mem>>)
        %dma_wait3A_49 = arith.constant 9480 : i32
        %dma_wait3A_50 = arith.constant 0 : i32
        %dma_wait3A_51 = tpu.memref_slice %arg6[%arg0, %dma_wait3A_49, %dma_wait3A_50] : memref<2x10000x128xf32, #tpu.memory_space<hbm>> -> memref<1x520x128xf32, #tpu.memory_space<hbm>>
        %dma_wait3A_52 = tpu.memref_squeeze %dma_wait3A_51 : memref<1x520x128xf32, #tpu.memory_space<hbm>> -> memref<520x128xf32, #tpu.memory_space<hbm>>
        %dma_wait3A_53 = arith.constant 9480 : i32
        %dma_wait3A_54 = arith.constant 0 : i32
        %dma_wait3A_55 = tpu.memref_slice %arg18[%dma_wait3A_53, %dma_wait3A_54] : memref<10016x128xf32, #tpu.memory_space<vmem_shared>> -> memref<520x128xf32, #tpu.memory_space<vmem_shared>>
        tpu.wait_dma2 semaphore(%run_scoped3A : memref<!tpu.dma_semaphore, #tpu.memory_space<semaphore_mem>>) src(%dma_wait3A_55 : memref<520x128xf32, #tpu.memory_space<vmem_shared>>) dst(%dma_wait3A_52 : memref<520x128xf32, #tpu.memory_space<hbm>>)
        tpu.yield
      }) : () -> ()
    } else {
    }
    return
  }
}

#map = affine_map<(d0, d1) -> (0)>
#map1 = affine_map<(d0, d1) -> (0, 0)>
#map2 = affine_map<(d0, d1) -> (0, 0, 0)>
module attributes {stable_mosaic.version = 14 : i64} {
  func.func @_edge_body(%arg0: i32, %arg1: i32, %arg2: memref<327680xi32, #tpu.memory_space<hbm>>, %arg3: memref<2560x128xi32, #tpu.memory_space<hbm>>, %arg4: memref<10000x128xf32, #tpu.memory_space<hbm>>, %arg5: memref<10000x128xf32, #tpu.memory_space<hbm>>, %arg6: memref<2x10000x128xf32, #tpu.memory_space<hbm>>, %arg7: memref<128xi32, #tpu.memory_space<vmem>>, %arg8: memref<128xi32, #tpu.memory_space<vmem>>, %arg9: memref<80x128xi32, #tpu.memory_space<vmem>>, %arg10: memref<128x128xf32, #tpu.memory_space<vmem>>, %arg11: memref<128x128xf32, #tpu.memory_space<vmem>>, %arg12: memref<!tpu.dma_semaphore, #tpu.memory_space<semaphore_mem>>, %arg13: memref<!tpu.dma_semaphore, #tpu.memory_space<semaphore_mem>>, %arg14: memref<!tpu.dma_semaphore, #tpu.memory_space<semaphore_mem>>, %arg15: memref<!tpu.dma_semaphore, #tpu.memory_space<semaphore_mem>>, %arg16: memref<!tpu.dma_semaphore, #tpu.memory_space<semaphore_mem>>, %arg17: memref<!tpu.dma_semaphore, #tpu.memory_space<semaphore_mem>>, %arg18: memref<10016x128xf32, #tpu.memory_space<vmem_shared>>) attributes {dimension_semantics = [#tpu.dimension_semantics<core_parallel>, #tpu.dimension_semantics<subcore_parallel>], iteration_bounds = array<i64: 2, 16>, scalar_prefetch = 0 : i64, scratch_operands = 12 : i64, tpu.core_type = #tpu.core_type<sc_vector_subcore>, window_params = [{transform_indices = #map}, {transform_indices = #map1}, {transform_indices = #map1}, {transform_indices = #map1}, {transform_indices = #map2}]} {
    %mul3A = arith.constant 16 : i32
    %mul3A_0 = arith.muli %arg0, %mul3A : i32
    %add3A = arith.addi %mul3A_0, %arg1 : i32
    %eq3A = arith.constant 1 : i32
    %eq3A_1 = arith.cmpi eq, %arg0, %eq3A : i32
    %convert_element_type3A = arith.extui %eq3A_1 : i1 to i32
    %cond3A = arith.constant 0 : i32
    %cond3A_2 = arith.cmpi ne, %convert_element_type3A, %cond3A : i32
    scf.if %cond3A_2 {
      %lt3A_42 = arith.constant 15 : i32
      %lt3A_43 = arith.cmpi slt, %arg1, %lt3A_42 : i32
      %convert_element_type3A_44 = arith.extui %lt3A_43 : i1 to i32
      %cond3A_45 = arith.constant 0 : i32
      %cond3A_46 = arith.cmpi ne, %convert_element_type3A_44, %cond3A_45 : i32
      scf.if %cond3A_46 {
        %mul3A_52 = arith.constant 632 : i32
        %mul3A_53 = arith.muli %arg1, %mul3A_52 : i32
        %multiple_of3A_54 = tpu.assume_multiple %mul3A_53, 8 : i32
        "tpu.region"() ({
          %run_scoped3A = tpu.sem_alloc : memref<!tpu.dma_semaphore, #tpu.memory_space<semaphore_mem>>
          %dma_start3A_55 = arith.constant 0 : i32
          %dma_start3A_56 = tpu.memref_slice %arg18[%multiple_of3A_54, %dma_start3A_55] : memref<10016x128xf32, #tpu.memory_space<vmem_shared>> -> memref<632x128xf32, #tpu.memory_space<vmem_shared>>
          %dma_start3A_57 = arith.constant 0 : i32
          %dma_start3A_58 = tpu.memref_slice %arg4[%multiple_of3A_54, %dma_start3A_57] : memref<10000x128xf32, #tpu.memory_space<hbm>> -> memref<632x128xf32, #tpu.memory_space<hbm>>
          tpu.enqueue_dma source(%dma_start3A_58 : memref<632x128xf32, #tpu.memory_space<hbm>>) target(%dma_start3A_56 : memref<632x128xf32, #tpu.memory_space<vmem_shared>>) target_semaphore(%run_scoped3A : memref<!tpu.dma_semaphore, #tpu.memory_space<semaphore_mem>>)
          %dma_wait3A_59 = arith.constant 0 : i32
          %dma_wait3A_60 = tpu.memref_slice %arg18[%multiple_of3A_54, %dma_wait3A_59] : memref<10016x128xf32, #tpu.memory_space<vmem_shared>> -> memref<632x128xf32, #tpu.memory_space<vmem_shared>>
          %dma_wait3A_61 = arith.constant 0 : i32
          %dma_wait3A_62 = tpu.memref_slice %arg4[%multiple_of3A_54, %dma_wait3A_61] : memref<10000x128xf32, #tpu.memory_space<hbm>> -> memref<632x128xf32, #tpu.memory_space<hbm>>
          tpu.wait_dma2 semaphore(%run_scoped3A : memref<!tpu.dma_semaphore, #tpu.memory_space<semaphore_mem>>) src(%dma_wait3A_62 : memref<632x128xf32, #tpu.memory_space<hbm>>) dst(%dma_wait3A_60 : memref<632x128xf32, #tpu.memory_space<vmem_shared>>)
          tpu.yield
        }) : () -> ()
      } else {
      }
      %eq3A_47 = arith.constant 15 : i32
      %eq3A_48 = arith.cmpi eq, %arg1, %eq3A_47 : i32
      %convert_element_type3A_49 = arith.extui %eq3A_48 : i1 to i32
      %cond3A_50 = arith.constant 0 : i32
      %cond3A_51 = arith.cmpi ne, %convert_element_type3A_49, %cond3A_50 : i32
      scf.if %cond3A_51 {
        "tpu.region"() ({
          %run_scoped3A = tpu.sem_alloc : memref<!tpu.dma_semaphore, #tpu.memory_space<semaphore_mem>>
          %dma_start3A_52 = arith.constant 9480 : i32
          %dma_start3A_53 = arith.constant 0 : i32
          %dma_start3A_54 = tpu.memref_slice %arg18[%dma_start3A_52, %dma_start3A_53] : memref<10016x128xf32, #tpu.memory_space<vmem_shared>> -> memref<520x128xf32, #tpu.memory_space<vmem_shared>>
          %dma_start3A_55 = arith.constant 9480 : i32
          %dma_start3A_56 = arith.constant 0 : i32
          %dma_start3A_57 = tpu.memref_slice %arg4[%dma_start3A_55, %dma_start3A_56] : memref<10000x128xf32, #tpu.memory_space<hbm>> -> memref<520x128xf32, #tpu.memory_space<hbm>>
          tpu.enqueue_dma source(%dma_start3A_57 : memref<520x128xf32, #tpu.memory_space<hbm>>) target(%dma_start3A_54 : memref<520x128xf32, #tpu.memory_space<vmem_shared>>) target_semaphore(%run_scoped3A : memref<!tpu.dma_semaphore, #tpu.memory_space<semaphore_mem>>)
          %dma_wait3A_58 = arith.constant 9480 : i32
          %dma_wait3A_59 = arith.constant 0 : i32
          %dma_wait3A_60 = tpu.memref_slice %arg18[%dma_wait3A_58, %dma_wait3A_59] : memref<10016x128xf32, #tpu.memory_space<vmem_shared>> -> memref<520x128xf32, #tpu.memory_space<vmem_shared>>
          %dma_wait3A_61 = arith.constant 9480 : i32
          %dma_wait3A_62 = arith.constant 0 : i32
          %dma_wait3A_63 = tpu.memref_slice %arg4[%dma_wait3A_61, %dma_wait3A_62] : memref<10000x128xf32, #tpu.memory_space<hbm>> -> memref<520x128xf32, #tpu.memory_space<hbm>>
          tpu.wait_dma2 semaphore(%run_scoped3A : memref<!tpu.dma_semaphore, #tpu.memory_space<semaphore_mem>>) src(%dma_wait3A_63 : memref<520x128xf32, #tpu.memory_space<hbm>>) dst(%dma_wait3A_60 : memref<520x128xf32, #tpu.memory_space<vmem_shared>>)
          tpu.yield
        }) : () -> ()
      } else {
      }
    } else {
    }
    %ne3A = arith.constant 1 : i32
    %ne3A_3 = arith.cmpi ne, %arg0, %ne3A : i32
    %convert_element_type3A_4 = arith.extui %ne3A_3 : i1 to i32
    %cond3A_5 = arith.constant 0 : i32
    %cond3A_6 = arith.cmpi ne, %convert_element_type3A_4, %cond3A_5 : i32
    scf.if %cond3A_6 {
      %lt3A_42 = arith.constant 15 : i32
      %lt3A_43 = arith.cmpi slt, %arg1, %lt3A_42 : i32
      %convert_element_type3A_44 = arith.extui %lt3A_43 : i1 to i32
      %cond3A_45 = arith.constant 0 : i32
      %cond3A_46 = arith.cmpi ne, %convert_element_type3A_44, %cond3A_45 : i32
      scf.if %cond3A_46 {
        %mul3A_52 = arith.constant 632 : i32
        %mul3A_53 = arith.muli %arg1, %mul3A_52 : i32
        %multiple_of3A_54 = tpu.assume_multiple %mul3A_53, 8 : i32
        "tpu.region"() ({
          %run_scoped3A = tpu.sem_alloc : memref<!tpu.dma_semaphore, #tpu.memory_space<semaphore_mem>>
          %dma_start3A_55 = arith.constant 0 : i32
          %dma_start3A_56 = tpu.memref_slice %arg18[%multiple_of3A_54, %dma_start3A_55] : memref<10016x128xf32, #tpu.memory_space<vmem_shared>> -> memref<632x128xf32, #tpu.memory_space<vmem_shared>>
          %dma_start3A_57 = arith.constant 0 : i32
          %dma_start3A_58 = tpu.memref_slice %arg5[%multiple_of3A_54, %dma_start3A_57] : memref<10000x128xf32, #tpu.memory_space<hbm>> -> memref<632x128xf32, #tpu.memory_space<hbm>>
          tpu.enqueue_dma source(%dma_start3A_58 : memref<632x128xf32, #tpu.memory_space<hbm>>) target(%dma_start3A_56 : memref<632x128xf32, #tpu.memory_space<vmem_shared>>) target_semaphore(%run_scoped3A : memref<!tpu.dma_semaphore, #tpu.memory_space<semaphore_mem>>)
          %dma_wait3A_59 = arith.constant 0 : i32
          %dma_wait3A_60 = tpu.memref_slice %arg18[%multiple_of3A_54, %dma_wait3A_59] : memref<10016x128xf32, #tpu.memory_space<vmem_shared>> -> memref<632x128xf32, #tpu.memory_space<vmem_shared>>
          %dma_wait3A_61 = arith.constant 0 : i32
          %dma_wait3A_62 = tpu.memref_slice %arg5[%multiple_of3A_54, %dma_wait3A_61] : memref<10000x128xf32, #tpu.memory_space<hbm>> -> memref<632x128xf32, #tpu.memory_space<hbm>>
          tpu.wait_dma2 semaphore(%run_scoped3A : memref<!tpu.dma_semaphore, #tpu.memory_space<semaphore_mem>>) src(%dma_wait3A_62 : memref<632x128xf32, #tpu.memory_space<hbm>>) dst(%dma_wait3A_60 : memref<632x128xf32, #tpu.memory_space<vmem_shared>>)
          tpu.yield
        }) : () -> ()
      } else {
      }
      %eq3A_47 = arith.constant 15 : i32
      %eq3A_48 = arith.cmpi eq, %arg1, %eq3A_47 : i32
      %convert_element_type3A_49 = arith.extui %eq3A_48 : i1 to i32
      %cond3A_50 = arith.constant 0 : i32
      %cond3A_51 = arith.cmpi ne, %convert_element_type3A_49, %cond3A_50 : i32
      scf.if %cond3A_51 {
        "tpu.region"() ({
          %run_scoped3A = tpu.sem_alloc : memref<!tpu.dma_semaphore, #tpu.memory_space<semaphore_mem>>
          %dma_start3A_52 = arith.constant 9480 : i32
          %dma_start3A_53 = arith.constant 0 : i32
          %dma_start3A_54 = tpu.memref_slice %arg18[%dma_start3A_52, %dma_start3A_53] : memref<10016x128xf32, #tpu.memory_space<vmem_shared>> -> memref<520x128xf32, #tpu.memory_space<vmem_shared>>
          %dma_start3A_55 = arith.constant 9480 : i32
          %dma_start3A_56 = arith.constant 0 : i32
          %dma_start3A_57 = tpu.memref_slice %arg5[%dma_start3A_55, %dma_start3A_56] : memref<10000x128xf32, #tpu.memory_space<hbm>> -> memref<520x128xf32, #tpu.memory_space<hbm>>
          tpu.enqueue_dma source(%dma_start3A_57 : memref<520x128xf32, #tpu.memory_space<hbm>>) target(%dma_start3A_54 : memref<520x128xf32, #tpu.memory_space<vmem_shared>>) target_semaphore(%run_scoped3A : memref<!tpu.dma_semaphore, #tpu.memory_space<semaphore_mem>>)
          %dma_wait3A_58 = arith.constant 9480 : i32
          %dma_wait3A_59 = arith.constant 0 : i32
          %dma_wait3A_60 = tpu.memref_slice %arg18[%dma_wait3A_58, %dma_wait3A_59] : memref<10016x128xf32, #tpu.memory_space<vmem_shared>> -> memref<520x128xf32, #tpu.memory_space<vmem_shared>>
          %dma_wait3A_61 = arith.constant 9480 : i32
          %dma_wait3A_62 = arith.constant 0 : i32
          %dma_wait3A_63 = tpu.memref_slice %arg5[%dma_wait3A_61, %dma_wait3A_62] : memref<10000x128xf32, #tpu.memory_space<hbm>> -> memref<520x128xf32, #tpu.memory_space<hbm>>
          tpu.wait_dma2 semaphore(%run_scoped3A : memref<!tpu.dma_semaphore, #tpu.memory_space<semaphore_mem>>) src(%dma_wait3A_63 : memref<520x128xf32, #tpu.memory_space<hbm>>) dst(%dma_wait3A_60 : memref<520x128xf32, #tpu.memory_space<vmem_shared>>)
          tpu.yield
        }) : () -> ()
      } else {
      }
    } else {
    }
    %mul3A_7 = arith.constant 80 : i32
    %mul3A_8 = arith.muli %add3A, %mul3A_7 : i32
    %multiple_of3A = tpu.assume_multiple %mul3A_8, 8 : i32
    %mul3A_9 = arith.constant 80 : i32
    %mul3A_10 = arith.muli %add3A, %mul3A_9 : i32
    %mul3A_11 = arith.constant 128 : i32
    %mul3A_12 = arith.muli %mul3A_10, %mul3A_11 : i32
    %multiple_of3A_13 = tpu.assume_multiple %mul3A_12, 8 : i32
    "tpu.region"() ({
      %run_scoped3A = tpu.sem_alloc : memref<!tpu.dma_semaphore, #tpu.memory_space<semaphore_mem>>
      %dma_start3A_42 = arith.constant 0 : i32
      %dma_start3A_43 = tpu.memref_slice %arg3[%multiple_of3A, %dma_start3A_42] : memref<2560x128xi32, #tpu.memory_space<hbm>> -> memref<80x128xi32, #tpu.memory_space<hbm>>
      %dma_start3A_44 = arith.constant 0 : i32
      %dma_start3A_45 = tpu.memref_slice %arg3[%multiple_of3A, %dma_start3A_44] : memref<2560x128xi32, #tpu.memory_space<hbm>> -> memref<80x128xi32, #tpu.memory_space<hbm>>
      tpu.enqueue_dma source(%dma_start3A_45 : memref<80x128xi32, #tpu.memory_space<hbm>>) target(%arg9 : memref<80x128xi32, #tpu.memory_space<vmem>>) target_semaphore(%run_scoped3A : memref<!tpu.dma_semaphore, #tpu.memory_space<semaphore_mem>>)
      %dma_wait3A_46 = arith.constant 0 : i32
      %dma_wait3A_47 = tpu.memref_slice %arg3[%multiple_of3A, %dma_wait3A_46] : memref<2560x128xi32, #tpu.memory_space<hbm>> -> memref<80x128xi32, #tpu.memory_space<hbm>>
      %dma_wait3A_48 = arith.constant 0 : i32
      %dma_wait3A_49 = tpu.memref_slice %arg3[%multiple_of3A, %dma_wait3A_48] : memref<2560x128xi32, #tpu.memory_space<hbm>> -> memref<80x128xi32, #tpu.memory_space<hbm>>
      tpu.wait_dma2 semaphore(%run_scoped3A : memref<!tpu.dma_semaphore, #tpu.memory_space<semaphore_mem>>) src(%dma_wait3A_49 : memref<80x128xi32, #tpu.memory_space<hbm>>) dst(%arg9 : memref<80x128xi32, #tpu.memory_space<vmem>>)
      tpu.yield
    }) : () -> ()
    "tpu.region"() ({
      %run_scoped3A = tpu.sem_alloc : memref<!tpu.dma_semaphore, #tpu.memory_space<semaphore_mem>>
      %dma_start3A_42 = tpu.memref_slice %arg2[%multiple_of3A_13] : memref<327680xi32, #tpu.memory_space<hbm>> -> memref<128xi32, #tpu.memory_space<hbm>>
      %dma_start3A_43 = tpu.memref_slice %arg2[%multiple_of3A_13] : memref<327680xi32, #tpu.memory_space<hbm>> -> memref<128xi32, #tpu.memory_space<hbm>>
      tpu.enqueue_dma source(%dma_start3A_43 : memref<128xi32, #tpu.memory_space<hbm>>) target(%arg7 : memref<128xi32, #tpu.memory_space<vmem>>) target_semaphore(%run_scoped3A : memref<!tpu.dma_semaphore, #tpu.memory_space<semaphore_mem>>)
      %dma_wait3A_44 = tpu.memref_slice %arg2[%multiple_of3A_13] : memref<327680xi32, #tpu.memory_space<hbm>> -> memref<128xi32, #tpu.memory_space<hbm>>
      %dma_wait3A_45 = tpu.memref_slice %arg2[%multiple_of3A_13] : memref<327680xi32, #tpu.memory_space<hbm>> -> memref<128xi32, #tpu.memory_space<hbm>>
      tpu.wait_dma2 semaphore(%run_scoped3A : memref<!tpu.dma_semaphore, #tpu.memory_space<semaphore_mem>>) src(%dma_wait3A_45 : memref<128xi32, #tpu.memory_space<hbm>>) dst(%arg7 : memref<128xi32, #tpu.memory_space<vmem>>)
      tpu.yield
    }) : () -> ()
    %barrier3A = arith.constant 0 : index
    tpu.barrier barrier_id(%barrier3A)
    %dma_start3A = arith.constant 0 : i32
    %dma_start3A_14 = arith.constant 0 : i32
    %dma_start3A_15 = tpu.memref_slice %arg4[%dma_start3A, %dma_start3A_14] : memref<10000x128xf32, #tpu.memory_space<hbm>> -> memref<10000x128xf32, #tpu.memory_space<hbm>>
    tpu.enqueue_indirect_dma source(%dma_start3A_15 : memref<10000x128xf32, #tpu.memory_space<hbm>>) target(%arg10 : memref<128x128xf32, #tpu.memory_space<vmem>>) offsets(%arg7 : memref<128xi32, #tpu.memory_space<vmem>>) semaphore(%arg12 : memref<!tpu.dma_semaphore, #tpu.memory_space<semaphore_mem>>)
    %add3A_16 = arith.constant 128 : i32
    %add3A_17 = arith.addi %multiple_of3A_13, %add3A_16 : i32
    %dma_start3A_18 = tpu.memref_slice %arg2[%add3A_17] : memref<327680xi32, #tpu.memory_space<hbm>> -> memref<128xi32, #tpu.memory_space<hbm>>
    %dma_start3A_19 = tpu.memref_slice %arg2[%add3A_17] : memref<327680xi32, #tpu.memory_space<hbm>> -> memref<128xi32, #tpu.memory_space<hbm>>
    tpu.enqueue_dma source(%dma_start3A_19 : memref<128xi32, #tpu.memory_space<hbm>>) target(%arg8 : memref<128xi32, #tpu.memory_space<vmem>>) target_semaphore(%arg17 : memref<!tpu.dma_semaphore, #tpu.memory_space<semaphore_mem>>)
    %scan3A = arith.constant 0 : i32
    %scan3A_20 = arith.constant 0 : i32
    %scan3A_21 = arith.constant 80 : i32
    %scan3A_22 = arith.addi %scan3A_20, %scan3A_21 : i32
    %scan3A_23 = arith.constant 1 : i32
    %scan3A_24 = scf.for %scan3A_42 = %scan3A_20 to %scan3A_22 step %scan3A_23 iter_args(%scan3A_43 = %scan3A) -> (i32)  : i32 {
      %jit3A = arith.constant 2 : i32
      %eq3A_44 = arith.constant 0 : i32
      %eq3A_45 = arith.cmpi eq, %jit3A, %eq3A_44 : i32
      %jit3A_46 = arith.constant 1 : i32
      %select_n3A = arith.select %eq3A_45, %jit3A_46, %jit3A : i32
      %rem3A = arith.remsi %scan3A_42, %select_n3A : i32
      %ne3A_47 = arith.constant 0 : i32
      %ne3A_48 = arith.cmpi ne, %rem3A, %ne3A_47 : i32
      %lt3A_49 = arith.constant 0 : i32
      %lt3A_50 = arith.cmpi slt, %rem3A, %lt3A_49 : i32
      %lt3A_51 = arith.constant 0 : i32
      %lt3A_52 = arith.cmpi slt, %select_n3A, %lt3A_51 : i32
      %ne3A_53 = arith.xori %lt3A_50, %lt3A_52 : i1
      %and3A = arith.andi %ne3A_53, %ne3A_48 : i1
      %add3A_54 = arith.addi %rem3A, %select_n3A : i32
      %select_n3A_55 = arith.select %and3A, %add3A_54, %rem3A : i32
      %eq3A_56 = arith.constant 0 : i32
      %eq3A_57 = arith.cmpi eq, %select_n3A_55, %eq3A_56 : i32
      %convert_element_type3A_58 = arith.extui %eq3A_57 : i1 to i32
      %cond3A_59 = arith.constant 0 : i32
      %cond3A_60 = arith.cmpi ne, %convert_element_type3A_58, %cond3A_59 : i32
      scf.if %cond3A_60 {
        %dma_wait3A_83 = arith.constant 0 : i32
        %dma_wait3A_84 = arith.constant 0 : i32
        %dma_wait3A_85 = tpu.memref_slice %arg4[%dma_wait3A_83, %dma_wait3A_84] : memref<10000x128xf32, #tpu.memory_space<hbm>> -> memref<10000x128xf32, #tpu.memory_space<hbm>>
        tpu.wait_indirect_dma semaphore(%arg12 : memref<!tpu.dma_semaphore, #tpu.memory_space<semaphore_mem>>) src(%dma_wait3A_85 : memref<10000x128xf32, #tpu.memory_space<hbm>>) dst(%arg10 : memref<128x128xf32, #tpu.memory_space<vmem>>)
        %dma_start3A_86 = arith.constant 0 : i32
        %dma_start3A_87 = tpu.memref_slice %arg9[%scan3A_42, %dma_start3A_86] : memref<80x128xi32, #tpu.memory_space<vmem>> -> memref<1x128xi32, #tpu.memory_space<vmem>>
        %dma_start3A_88 = tpu.memref_squeeze %dma_start3A_87 : memref<1x128xi32, #tpu.memory_space<vmem>> -> memref<128xi32, #tpu.memory_space<vmem>>
        %dma_start3A_89 = arith.constant 0 : i32
        %dma_start3A_90 = arith.constant 0 : i32
        %dma_start3A_91 = tpu.memref_slice %arg18[%dma_start3A_89, %dma_start3A_90] : memref<10016x128xf32, #tpu.memory_space<vmem_shared>> -> memref<10016x128xf32, #tpu.memory_space<vmem_shared>>
        tpu.enqueue_indirect_dma source(%arg10 : memref<128x128xf32, #tpu.memory_space<vmem>>) target(%dma_start3A_91 : memref<10016x128xf32, #tpu.memory_space<vmem_shared>>) offsets(%dma_start3A_88 : memref<128xi32, #tpu.memory_space<vmem>>) semaphore(%arg14 : memref<!tpu.dma_semaphore, #tpu.memory_space<semaphore_mem>>) {add = true}
        %ge3A = arith.constant 1 : i32
        %ge3A_92 = arith.cmpi sge, %scan3A_42, %ge3A : i32
        %convert_element_type3A_93 = arith.extui %ge3A_92 : i1 to i32
        %cond3A_94 = arith.constant 0 : i32
        %cond3A_95 = arith.cmpi ne, %convert_element_type3A_93, %cond3A_94 : i32
        scf.if %cond3A_95 {
          %sub3A = arith.constant 1 : i32
          %sub3A_110 = arith.subi %scan3A_42, %sub3A : i32
          %dma_wait3A_111 = arith.constant 0 : i32
          %dma_wait3A_112 = tpu.memref_slice %arg9[%sub3A_110, %dma_wait3A_111] : memref<80x128xi32, #tpu.memory_space<vmem>> -> memref<1x128xi32, #tpu.memory_space<vmem>>
          %dma_wait3A_113 = tpu.memref_squeeze %dma_wait3A_112 : memref<1x128xi32, #tpu.memory_space<vmem>> -> memref<128xi32, #tpu.memory_space<vmem>>
          %dma_wait3A_114 = arith.constant 0 : i32
          %dma_wait3A_115 = arith.constant 0 : i32
          %dma_wait3A_116 = tpu.memref_slice %arg18[%dma_wait3A_114, %dma_wait3A_115] : memref<10016x128xf32, #tpu.memory_space<vmem_shared>> -> memref<10016x128xf32, #tpu.memory_space<vmem_shared>>
          tpu.wait_indirect_dma semaphore(%arg15 : memref<!tpu.dma_semaphore, #tpu.memory_space<semaphore_mem>>) src(%arg11 : memref<128x128xf32, #tpu.memory_space<vmem>>) dst(%dma_wait3A_116 : memref<10016x128xf32, #tpu.memory_space<vmem_shared>>)
        } else {
        }
        %add3A_96 = arith.constant 1 : i32
        %add3A_97 = arith.addi %scan3A_42, %add3A_96 : i32
        %lt3A_98 = arith.constant 80 : i32
        %lt3A_99 = arith.cmpi slt, %add3A_97, %lt3A_98 : i32
        %convert_element_type3A_100 = arith.extui %lt3A_99 : i1 to i32
        %cond3A_101 = arith.constant 0 : i32
        %cond3A_102 = arith.cmpi ne, %convert_element_type3A_100, %cond3A_101 : i32
        scf.if %cond3A_102 {
          %dma_wait3A_110 = tpu.memref_slice %arg2[%multiple_of3A_13] : memref<327680xi32, #tpu.memory_space<hbm>> -> memref<128xi32, #tpu.memory_space<hbm>>
          %dma_wait3A_111 = tpu.memref_slice %arg2[%multiple_of3A_13] : memref<327680xi32, #tpu.memory_space<hbm>> -> memref<128xi32, #tpu.memory_space<hbm>>
          tpu.wait_dma2 semaphore(%arg17 : memref<!tpu.dma_semaphore, #tpu.memory_space<semaphore_mem>>) src(%dma_wait3A_111 : memref<128xi32, #tpu.memory_space<hbm>>) dst(%arg8 : memref<128xi32, #tpu.memory_space<vmem>>)
          %dma_start3A_112 = arith.constant 0 : i32
          %dma_start3A_113 = arith.constant 0 : i32
          %dma_start3A_114 = tpu.memref_slice %arg4[%dma_start3A_112, %dma_start3A_113] : memref<10000x128xf32, #tpu.memory_space<hbm>> -> memref<10000x128xf32, #tpu.memory_space<hbm>>
          tpu.enqueue_indirect_dma source(%dma_start3A_114 : memref<10000x128xf32, #tpu.memory_space<hbm>>) target(%arg11 : memref<128x128xf32, #tpu.memory_space<vmem>>) offsets(%arg8 : memref<128xi32, #tpu.memory_space<vmem>>) semaphore(%arg13 : memref<!tpu.dma_semaphore, #tpu.memory_space<semaphore_mem>>)
        } else {
        }
        %add3A_103 = arith.constant 2 : i32
        %add3A_104 = arith.addi %scan3A_42, %add3A_103 : i32
        %lt3A_105 = arith.constant 80 : i32
        %lt3A_106 = arith.cmpi slt, %add3A_104, %lt3A_105 : i32
        %convert_element_type3A_107 = arith.extui %lt3A_106 : i1 to i32
        %cond3A_108 = arith.constant 0 : i32
        %cond3A_109 = arith.cmpi ne, %convert_element_type3A_107, %cond3A_108 : i32
        scf.if %cond3A_109 {
          %add3A_110 = arith.constant 2 : i32
          %add3A_111 = arith.addi %scan3A_42, %add3A_110 : i32
          %mul3A_112 = arith.constant 128 : i32
          %mul3A_113 = arith.muli %add3A_111, %mul3A_112 : i32
          %add3A_114 = arith.addi %multiple_of3A_13, %mul3A_113 : i32
          %dma_start3A_115 = tpu.memref_slice %arg2[%add3A_114] : memref<327680xi32, #tpu.memory_space<hbm>> -> memref<128xi32, #tpu.memory_space<hbm>>
          %dma_start3A_116 = tpu.memref_slice %arg2[%add3A_114] : memref<327680xi32, #tpu.memory_space<hbm>> -> memref<128xi32, #tpu.memory_space<hbm>>
          tpu.enqueue_dma source(%dma_start3A_116 : memref<128xi32, #tpu.memory_space<hbm>>) target(%arg7 : memref<128xi32, #tpu.memory_space<vmem>>) target_semaphore(%arg16 : memref<!tpu.dma_semaphore, #tpu.memory_space<semaphore_mem>>)
        } else {
        }
      } else {
      }
      %jit3A_61 = arith.constant 2 : i32
      %eq3A_62 = arith.constant 0 : i32
      %eq3A_63 = arith.cmpi eq, %jit3A_61, %eq3A_62 : i32
      %jit3A_64 = arith.constant 1 : i32
      %select_n3A_65 = arith.select %eq3A_63, %jit3A_64, %jit3A_61 : i32
      %rem3A_66 = arith.remsi %scan3A_42, %select_n3A_65 : i32
      %ne3A_67 = arith.constant 0 : i32
      %ne3A_68 = arith.cmpi ne, %rem3A_66, %ne3A_67 : i32
      %lt3A_69 = arith.constant 0 : i32
      %lt3A_70 = arith.cmpi slt, %rem3A_66, %lt3A_69 : i32
      %lt3A_71 = arith.constant 0 : i32
      %lt3A_72 = arith.cmpi slt, %select_n3A_65, %lt3A_71 : i32
      %ne3A_73 = arith.xori %lt3A_70, %lt3A_72 : i1
      %and3A_74 = arith.andi %ne3A_73, %ne3A_68 : i1
      %add3A_75 = arith.addi %rem3A_66, %select_n3A_65 : i32
      %select_n3A_76 = arith.select %and3A_74, %add3A_75, %rem3A_66 : i32
      %eq3A_77 = arith.constant 1 : i32
      %eq3A_78 = arith.cmpi eq, %select_n3A_76, %eq3A_77 : i32
      %convert_element_type3A_79 = arith.extui %eq3A_78 : i1 to i32
      %cond3A_80 = arith.constant 0 : i32
      %cond3A_81 = arith.cmpi ne, %convert_element_type3A_79, %cond3A_80 : i32
      scf.if %cond3A_81 {
        %dma_wait3A_83 = arith.constant 0 : i32
        %dma_wait3A_84 = arith.constant 0 : i32
        %dma_wait3A_85 = tpu.memref_slice %arg4[%dma_wait3A_83, %dma_wait3A_84] : memref<10000x128xf32, #tpu.memory_space<hbm>> -> memref<10000x128xf32, #tpu.memory_space<hbm>>
        tpu.wait_indirect_dma semaphore(%arg13 : memref<!tpu.dma_semaphore, #tpu.memory_space<semaphore_mem>>) src(%dma_wait3A_85 : memref<10000x128xf32, #tpu.memory_space<hbm>>) dst(%arg11 : memref<128x128xf32, #tpu.memory_space<vmem>>)
        %dma_start3A_86 = arith.constant 0 : i32
        %dma_start3A_87 = tpu.memref_slice %arg9[%scan3A_42, %dma_start3A_86] : memref<80x128xi32, #tpu.memory_space<vmem>> -> memref<1x128xi32, #tpu.memory_space<vmem>>
        %dma_start3A_88 = tpu.memref_squeeze %dma_start3A_87 : memref<1x128xi32, #tpu.memory_space<vmem>> -> memref<128xi32, #tpu.memory_space<vmem>>
        %dma_start3A_89 = arith.constant 0 : i32
        %dma_start3A_90 = arith.constant 0 : i32
        %dma_start3A_91 = tpu.memref_slice %arg18[%dma_start3A_89, %dma_start3A_90] : memref<10016x128xf32, #tpu.memory_space<vmem_shared>> -> memref<10016x128xf32, #tpu.memory_space<vmem_shared>>
        tpu.enqueue_indirect_dma source(%arg11 : memref<128x128xf32, #tpu.memory_space<vmem>>) target(%dma_start3A_91 : memref<10016x128xf32, #tpu.memory_space<vmem_shared>>) offsets(%dma_start3A_88 : memref<128xi32, #tpu.memory_space<vmem>>) semaphore(%arg15 : memref<!tpu.dma_semaphore, #tpu.memory_space<semaphore_mem>>) {add = true}
        %ge3A = arith.constant 1 : i32
        %ge3A_92 = arith.cmpi sge, %scan3A_42, %ge3A : i32
        %convert_element_type3A_93 = arith.extui %ge3A_92 : i1 to i32
        %cond3A_94 = arith.constant 0 : i32
        %cond3A_95 = arith.cmpi ne, %convert_element_type3A_93, %cond3A_94 : i32
        scf.if %cond3A_95 {
          %sub3A = arith.constant 1 : i32
          %sub3A_110 = arith.subi %scan3A_42, %sub3A : i32
          %dma_wait3A_111 = arith.constant 0 : i32
          %dma_wait3A_112 = tpu.memref_slice %arg9[%sub3A_110, %dma_wait3A_111] : memref<80x128xi32, #tpu.memory_space<vmem>> -> memref<1x128xi32, #tpu.memory_space<vmem>>
          %dma_wait3A_113 = tpu.memref_squeeze %dma_wait3A_112 : memref<1x128xi32, #tpu.memory_space<vmem>> -> memref<128xi32, #tpu.memory_space<vmem>>
          %dma_wait3A_114 = arith.constant 0 : i32
          %dma_wait3A_115 = arith.constant 0 : i32
          %dma_wait3A_116 = tpu.memref_slice %arg18[%dma_wait3A_114, %dma_wait3A_115] : memref<10016x128xf32, #tpu.memory_space<vmem_shared>> -> memref<10016x128xf32, #tpu.memory_space<vmem_shared>>
          tpu.wait_indirect_dma semaphore(%arg14 : memref<!tpu.dma_semaphore, #tpu.memory_space<semaphore_mem>>) src(%arg10 : memref<128x128xf32, #tpu.memory_space<vmem>>) dst(%dma_wait3A_116 : memref<10016x128xf32, #tpu.memory_space<vmem_shared>>)
        } else {
        }
        %add3A_96 = arith.constant 1 : i32
        %add3A_97 = arith.addi %scan3A_42, %add3A_96 : i32
        %lt3A_98 = arith.constant 80 : i32
        %lt3A_99 = arith.cmpi slt, %add3A_97, %lt3A_98 : i32
        %convert_element_type3A_100 = arith.extui %lt3A_99 : i1 to i32
        %cond3A_101 = arith.constant 0 : i32
        %cond3A_102 = arith.cmpi ne, %convert_element_type3A_100, %cond3A_101 : i32
        scf.if %cond3A_102 {
          %dma_wait3A_110 = tpu.memref_slice %arg2[%multiple_of3A_13] : memref<327680xi32, #tpu.memory_space<hbm>> -> memref<128xi32, #tpu.memory_space<hbm>>
          %dma_wait3A_111 = tpu.memref_slice %arg2[%multiple_of3A_13] : memref<327680xi32, #tpu.memory_space<hbm>> -> memref<128xi32, #tpu.memory_space<hbm>>
          tpu.wait_dma2 semaphore(%arg16 : memref<!tpu.dma_semaphore, #tpu.memory_space<semaphore_mem>>) src(%dma_wait3A_111 : memref<128xi32, #tpu.memory_space<hbm>>) dst(%arg7 : memref<128xi32, #tpu.memory_space<vmem>>)
          %dma_start3A_112 = arith.constant 0 : i32
          %dma_start3A_113 = arith.constant 0 : i32
          %dma_start3A_114 = tpu.memref_slice %arg4[%dma_start3A_112, %dma_start3A_113] : memref<10000x128xf32, #tpu.memory_space<hbm>> -> memref<10000x128xf32, #tpu.memory_space<hbm>>
          tpu.enqueue_indirect_dma source(%dma_start3A_114 : memref<10000x128xf32, #tpu.memory_space<hbm>>) target(%arg10 : memref<128x128xf32, #tpu.memory_space<vmem>>) offsets(%arg7 : memref<128xi32, #tpu.memory_space<vmem>>) semaphore(%arg12 : memref<!tpu.dma_semaphore, #tpu.memory_space<semaphore_mem>>)
        } else {
        }
        %add3A_103 = arith.constant 2 : i32
        %add3A_104 = arith.addi %scan3A_42, %add3A_103 : i32
        %lt3A_105 = arith.constant 80 : i32
        %lt3A_106 = arith.cmpi slt, %add3A_104, %lt3A_105 : i32
        %convert_element_type3A_107 = arith.extui %lt3A_106 : i1 to i32
        %cond3A_108 = arith.constant 0 : i32
        %cond3A_109 = arith.cmpi ne, %convert_element_type3A_107, %cond3A_108 : i32
        scf.if %cond3A_109 {
          %add3A_110 = arith.constant 2 : i32
          %add3A_111 = arith.addi %scan3A_42, %add3A_110 : i32
          %mul3A_112 = arith.constant 128 : i32
          %mul3A_113 = arith.muli %add3A_111, %mul3A_112 : i32
          %add3A_114 = arith.addi %multiple_of3A_13, %mul3A_113 : i32
          %dma_start3A_115 = tpu.memref_slice %arg2[%add3A_114] : memref<327680xi32, #tpu.memory_space<hbm>> -> memref<128xi32, #tpu.memory_space<hbm>>
          %dma_start3A_116 = tpu.memref_slice %arg2[%add3A_114] : memref<327680xi32, #tpu.memory_space<hbm>> -> memref<128xi32, #tpu.memory_space<hbm>>
          tpu.enqueue_dma source(%dma_start3A_116 : memref<128xi32, #tpu.memory_space<hbm>>) target(%arg8 : memref<128xi32, #tpu.memory_space<vmem>>) target_semaphore(%arg17 : memref<!tpu.dma_semaphore, #tpu.memory_space<semaphore_mem>>)
        } else {
        }
      } else {
      }
      %scan3A_82 = arith.constant 0 : i32
      scf.yield %scan3A_82 : i32
    }
    %scan3A_25 = arith.constant 80 : i32
    %dma_wait3A = arith.constant 79 : i32
    %dma_wait3A_26 = arith.constant 0 : i32
    %dma_wait3A_27 = tpu.memref_slice %arg9[%dma_wait3A, %dma_wait3A_26] : memref<80x128xi32, #tpu.memory_space<vmem>> -> memref<1x128xi32, #tpu.memory_space<vmem>>
    %dma_wait3A_28 = tpu.memref_squeeze %dma_wait3A_27 : memref<1x128xi32, #tpu.memory_space<vmem>> -> memref<128xi32, #tpu.memory_space<vmem>>
    %dma_wait3A_29 = arith.constant 0 : i32
    %dma_wait3A_30 = arith.constant 0 : i32
    %dma_wait3A_31 = tpu.memref_slice %arg18[%dma_wait3A_29, %dma_wait3A_30] : memref<10016x128xf32, #tpu.memory_space<vmem_shared>> -> memref<10016x128xf32, #tpu.memory_space<vmem_shared>>
    tpu.wait_indirect_dma semaphore(%arg15 : memref<!tpu.dma_semaphore, #tpu.memory_space<semaphore_mem>>) src(%arg11 : memref<128x128xf32, #tpu.memory_space<vmem>>) dst(%dma_wait3A_31 : memref<10016x128xf32, #tpu.memory_space<vmem_shared>>)
    %barrier3A_32 = arith.constant 0 : index
    tpu.barrier barrier_id(%barrier3A_32)
    %lt3A = arith.constant 15 : i32
    %lt3A_33 = arith.cmpi slt, %arg1, %lt3A : i32
    %convert_element_type3A_34 = arith.extui %lt3A_33 : i1 to i32
    %cond3A_35 = arith.constant 0 : i32
    %cond3A_36 = arith.cmpi ne, %convert_element_type3A_34, %cond3A_35 : i32
    scf.if %cond3A_36 {
      %mul3A_42 = arith.constant 632 : i32
      %mul3A_43 = arith.muli %arg1, %mul3A_42 : i32
      %multiple_of3A_44 = tpu.assume_multiple %mul3A_43, 8 : i32
      "tpu.region"() ({
        %run_scoped3A = tpu.sem_alloc : memref<!tpu.dma_semaphore, #tpu.memory_space<semaphore_mem>>
        %dma_start3A_45 = arith.constant 0 : i32
        %dma_start3A_46 = tpu.memref_slice %arg6[%arg0, %multiple_of3A_44, %dma_start3A_45] : memref<2x10000x128xf32, #tpu.memory_space<hbm>> -> memref<1x632x128xf32, #tpu.memory_space<hbm>>
        %dma_start3A_47 = tpu.memref_squeeze %dma_start3A_46 : memref<1x632x128xf32, #tpu.memory_space<hbm>> -> memref<632x128xf32, #tpu.memory_space<hbm>>
        %dma_start3A_48 = arith.constant 0 : i32
        %dma_start3A_49 = tpu.memref_slice %arg18[%multiple_of3A_44, %dma_start3A_48] : memref<10016x128xf32, #tpu.memory_space<vmem_shared>> -> memref<632x128xf32, #tpu.memory_space<vmem_shared>>
        tpu.enqueue_dma source(%dma_start3A_49 : memref<632x128xf32, #tpu.memory_space<vmem_shared>>) target(%dma_start3A_47 : memref<632x128xf32, #tpu.memory_space<hbm>>) target_semaphore(%run_scoped3A : memref<!tpu.dma_semaphore, #tpu.memory_space<semaphore_mem>>)
        %dma_wait3A_50 = arith.constant 0 : i32
        %dma_wait3A_51 = tpu.memref_slice %arg6[%arg0, %multiple_of3A_44, %dma_wait3A_50] : memref<2x10000x128xf32, #tpu.memory_space<hbm>> -> memref<1x632x128xf32, #tpu.memory_space<hbm>>
        %dma_wait3A_52 = tpu.memref_squeeze %dma_wait3A_51 : memref<1x632x128xf32, #tpu.memory_space<hbm>> -> memref<632x128xf32, #tpu.memory_space<hbm>>
        %dma_wait3A_53 = arith.constant 0 : i32
        %dma_wait3A_54 = tpu.memref_slice %arg18[%multiple_of3A_44, %dma_wait3A_53] : memref<10016x128xf32, #tpu.memory_space<vmem_shared>> -> memref<632x128xf32, #tpu.memory_space<vmem_shared>>
        tpu.wait_dma2 semaphore(%run_scoped3A : memref<!tpu.dma_semaphore, #tpu.memory_space<semaphore_mem>>) src(%dma_wait3A_54 : memref<632x128xf32, #tpu.memory_space<vmem_shared>>) dst(%dma_wait3A_52 : memref<632x128xf32, #tpu.memory_space<hbm>>)
        tpu.yield
      }) : () -> ()
    } else {
    }
    %eq3A_37 = arith.constant 15 : i32
    %eq3A_38 = arith.cmpi eq, %arg1, %eq3A_37 : i32
    %convert_element_type3A_39 = arith.extui %eq3A_38 : i1 to i32
    %cond3A_40 = arith.constant 0 : i32
    %cond3A_41 = arith.cmpi ne, %convert_element_type3A_39, %cond3A_40 : i32
    scf.if %cond3A_41 {
      "tpu.region"() ({
        %run_scoped3A = tpu.sem_alloc : memref<!tpu.dma_semaphore, #tpu.memory_space<semaphore_mem>>
        %dma_start3A_42 = arith.constant 9480 : i32
        %dma_start3A_43 = arith.constant 0 : i32
        %dma_start3A_44 = tpu.memref_slice %arg6[%arg0, %dma_start3A_42, %dma_start3A_43] : memref<2x10000x128xf32, #tpu.memory_space<hbm>> -> memref<1x520x128xf32, #tpu.memory_space<hbm>>
        %dma_start3A_45 = tpu.memref_squeeze %dma_start3A_44 : memref<1x520x128xf32, #tpu.memory_space<hbm>> -> memref<520x128xf32, #tpu.memory_space<hbm>>
        %dma_start3A_46 = arith.constant 9480 : i32
        %dma_start3A_47 = arith.constant 0 : i32
        %dma_start3A_48 = tpu.memref_slice %arg18[%dma_start3A_46, %dma_start3A_47] : memref<10016x128xf32, #tpu.memory_space<vmem_shared>> -> memref<520x128xf32, #tpu.memory_space<vmem_shared>>
        tpu.enqueue_dma source(%dma_start3A_48 : memref<520x128xf32, #tpu.memory_space<vmem_shared>>) target(%dma_start3A_45 : memref<520x128xf32, #tpu.memory_space<hbm>>) target_semaphore(%run_scoped3A : memref<!tpu.dma_semaphore, #tpu.memory_space<semaphore_mem>>)
        %dma_wait3A_49 = arith.constant 9480 : i32
        %dma_wait3A_50 = arith.constant 0 : i32
        %dma_wait3A_51 = tpu.memref_slice %arg6[%arg0, %dma_wait3A_49, %dma_wait3A_50] : memref<2x10000x128xf32, #tpu.memory_space<hbm>> -> memref<1x520x128xf32, #tpu.memory_space<hbm>>
        %dma_wait3A_52 = tpu.memref_squeeze %dma_wait3A_51 : memref<1x520x128xf32, #tpu.memory_space<hbm>> -> memref<520x128xf32, #tpu.memory_space<hbm>>
        %dma_wait3A_53 = arith.constant 9480 : i32
        %dma_wait3A_54 = arith.constant 0 : i32
        %dma_wait3A_55 = tpu.memref_slice %arg18[%dma_wait3A_53, %dma_wait3A_54] : memref<10016x128xf32, #tpu.memory_space<vmem_shared>> -> memref<520x128xf32, #tpu.memory_space<vmem_shared>>
        tpu.wait_dma2 semaphore(%run_scoped3A : memref<!tpu.dma_semaphore, #tpu.memory_space<semaphore_mem>>) src(%dma_wait3A_55 : memref<520x128xf32, #tpu.memory_space<vmem_shared>>) dst(%dma_wait3A_52 : memref<520x128xf32, #tpu.memory_space<hbm>>)
        tpu.yield
      }) : () -> ()
    } else {
    }
    return
  }
}

#map = affine_map<(d0, d1) -> (0)>
#map1 = affine_map<(d0, d1) -> (0, 0)>
#map2 = affine_map<(d0, d1) -> (0, 0, 0)>
module attributes {stable_mosaic.version = 14 : i64} {
  func.func @_edge_body(%arg0: i32, %arg1: i32, %arg2: memref<327680xi32, #tpu.memory_space<hbm>>, %arg3: memref<2560x128xi32, #tpu.memory_space<hbm>>, %arg4: memref<10000x128xf32, #tpu.memory_space<hbm>>, %arg5: memref<10000x128xf32, #tpu.memory_space<hbm>>, %arg6: memref<2x10000x128xf32, #tpu.memory_space<hbm>>, %arg7: memref<128xi32, #tpu.memory_space<vmem>>, %arg8: memref<128xi32, #tpu.memory_space<vmem>>, %arg9: memref<80x128xi32, #tpu.memory_space<vmem>>, %arg10: memref<128x128xf32, #tpu.memory_space<vmem>>, %arg11: memref<128x128xf32, #tpu.memory_space<vmem>>, %arg12: memref<!tpu.dma_semaphore, #tpu.memory_space<semaphore_mem>>, %arg13: memref<!tpu.dma_semaphore, #tpu.memory_space<semaphore_mem>>, %arg14: memref<!tpu.dma_semaphore, #tpu.memory_space<semaphore_mem>>, %arg15: memref<!tpu.dma_semaphore, #tpu.memory_space<semaphore_mem>>, %arg16: memref<!tpu.dma_semaphore, #tpu.memory_space<semaphore_mem>>, %arg17: memref<!tpu.dma_semaphore, #tpu.memory_space<semaphore_mem>>, %arg18: memref<10016x128xf32, #tpu.memory_space<vmem_shared>>) attributes {dimension_semantics = [#tpu.dimension_semantics<core_parallel>, #tpu.dimension_semantics<subcore_parallel>], iteration_bounds = array<i64: 2, 16>, scalar_prefetch = 0 : i64, scratch_operands = 12 : i64, tpu.core_type = #tpu.core_type<sc_vector_subcore>, window_params = [{transform_indices = #map}, {transform_indices = #map1}, {transform_indices = #map1}, {transform_indices = #map1}, {transform_indices = #map2}]} {
    %mul3A = arith.constant 16 : i32
    %mul3A_0 = arith.muli %arg0, %mul3A : i32
    %add3A = arith.addi %mul3A_0, %arg1 : i32
    %eq3A = arith.constant 1 : i32
    %eq3A_1 = arith.cmpi eq, %arg0, %eq3A : i32
    %convert_element_type3A = arith.extui %eq3A_1 : i1 to i32
    %cond3A = arith.constant 0 : i32
    %cond3A_2 = arith.cmpi ne, %convert_element_type3A, %cond3A : i32
    scf.if %cond3A_2 {
      %lt3A_42 = arith.constant 15 : i32
      %lt3A_43 = arith.cmpi slt, %arg1, %lt3A_42 : i32
      %convert_element_type3A_44 = arith.extui %lt3A_43 : i1 to i32
      %cond3A_45 = arith.constant 0 : i32
      %cond3A_46 = arith.cmpi ne, %convert_element_type3A_44, %cond3A_45 : i32
      scf.if %cond3A_46 {
        %mul3A_52 = arith.constant 632 : i32
        %mul3A_53 = arith.muli %arg1, %mul3A_52 : i32
        %multiple_of3A_54 = tpu.assume_multiple %mul3A_53, 8 : i32
        "tpu.region"() ({
          %run_scoped3A = tpu.sem_alloc : memref<!tpu.dma_semaphore, #tpu.memory_space<semaphore_mem>>
          %dma_start3A_55 = arith.constant 0 : i32
          %dma_start3A_56 = tpu.memref_slice %arg18[%multiple_of3A_54, %dma_start3A_55] : memref<10016x128xf32, #tpu.memory_space<vmem_shared>> -> memref<632x128xf32, #tpu.memory_space<vmem_shared>>
          %dma_start3A_57 = arith.constant 0 : i32
          %dma_start3A_58 = tpu.memref_slice %arg4[%multiple_of3A_54, %dma_start3A_57] : memref<10000x128xf32, #tpu.memory_space<hbm>> -> memref<632x128xf32, #tpu.memory_space<hbm>>
          tpu.enqueue_dma source(%dma_start3A_58 : memref<632x128xf32, #tpu.memory_space<hbm>>) target(%dma_start3A_56 : memref<632x128xf32, #tpu.memory_space<vmem_shared>>) target_semaphore(%run_scoped3A : memref<!tpu.dma_semaphore, #tpu.memory_space<semaphore_mem>>)
          %dma_wait3A_59 = arith.constant 0 : i32
          %dma_wait3A_60 = tpu.memref_slice %arg18[%multiple_of3A_54, %dma_wait3A_59] : memref<10016x128xf32, #tpu.memory_space<vmem_shared>> -> memref<632x128xf32, #tpu.memory_space<vmem_shared>>
          %dma_wait3A_61 = arith.constant 0 : i32
          %dma_wait3A_62 = tpu.memref_slice %arg4[%multiple_of3A_54, %dma_wait3A_61] : memref<10000x128xf32, #tpu.memory_space<hbm>> -> memref<632x128xf32, #tpu.memory_space<hbm>>
          tpu.wait_dma2 semaphore(%run_scoped3A : memref<!tpu.dma_semaphore, #tpu.memory_space<semaphore_mem>>) src(%dma_wait3A_62 : memref<632x128xf32, #tpu.memory_space<hbm>>) dst(%dma_wait3A_60 : memref<632x128xf32, #tpu.memory_space<vmem_shared>>)
          tpu.yield
        }) : () -> ()
      } else {
      }
      %eq3A_47 = arith.constant 15 : i32
      %eq3A_48 = arith.cmpi eq, %arg1, %eq3A_47 : i32
      %convert_element_type3A_49 = arith.extui %eq3A_48 : i1 to i32
      %cond3A_50 = arith.constant 0 : i32
      %cond3A_51 = arith.cmpi ne, %convert_element_type3A_49, %cond3A_50 : i32
      scf.if %cond3A_51 {
        "tpu.region"() ({
          %run_scoped3A = tpu.sem_alloc : memref<!tpu.dma_semaphore, #tpu.memory_space<semaphore_mem>>
          %dma_start3A_52 = arith.constant 9480 : i32
          %dma_start3A_53 = arith.constant 0 : i32
          %dma_start3A_54 = tpu.memref_slice %arg18[%dma_start3A_52, %dma_start3A_53] : memref<10016x128xf32, #tpu.memory_space<vmem_shared>> -> memref<520x128xf32, #tpu.memory_space<vmem_shared>>
          %dma_start3A_55 = arith.constant 9480 : i32
          %dma_start3A_56 = arith.constant 0 : i32
          %dma_start3A_57 = tpu.memref_slice %arg4[%dma_start3A_55, %dma_start3A_56] : memref<10000x128xf32, #tpu.memory_space<hbm>> -> memref<520x128xf32, #tpu.memory_space<hbm>>
          tpu.enqueue_dma source(%dma_start3A_57 : memref<520x128xf32, #tpu.memory_space<hbm>>) target(%dma_start3A_54 : memref<520x128xf32, #tpu.memory_space<vmem_shared>>) target_semaphore(%run_scoped3A : memref<!tpu.dma_semaphore, #tpu.memory_space<semaphore_mem>>)
          %dma_wait3A_58 = arith.constant 9480 : i32
          %dma_wait3A_59 = arith.constant 0 : i32
          %dma_wait3A_60 = tpu.memref_slice %arg18[%dma_wait3A_58, %dma_wait3A_59] : memref<10016x128xf32, #tpu.memory_space<vmem_shared>> -> memref<520x128xf32, #tpu.memory_space<vmem_shared>>
          %dma_wait3A_61 = arith.constant 9480 : i32
          %dma_wait3A_62 = arith.constant 0 : i32
          %dma_wait3A_63 = tpu.memref_slice %arg4[%dma_wait3A_61, %dma_wait3A_62] : memref<10000x128xf32, #tpu.memory_space<hbm>> -> memref<520x128xf32, #tpu.memory_space<hbm>>
          tpu.wait_dma2 semaphore(%run_scoped3A : memref<!tpu.dma_semaphore, #tpu.memory_space<semaphore_mem>>) src(%dma_wait3A_63 : memref<520x128xf32, #tpu.memory_space<hbm>>) dst(%dma_wait3A_60 : memref<520x128xf32, #tpu.memory_space<vmem_shared>>)
          tpu.yield
        }) : () -> ()
      } else {
      }
    } else {
    }
    %ne3A = arith.constant 1 : i32
    %ne3A_3 = arith.cmpi ne, %arg0, %ne3A : i32
    %convert_element_type3A_4 = arith.extui %ne3A_3 : i1 to i32
    %cond3A_5 = arith.constant 0 : i32
    %cond3A_6 = arith.cmpi ne, %convert_element_type3A_4, %cond3A_5 : i32
    scf.if %cond3A_6 {
      %lt3A_42 = arith.constant 15 : i32
      %lt3A_43 = arith.cmpi slt, %arg1, %lt3A_42 : i32
      %convert_element_type3A_44 = arith.extui %lt3A_43 : i1 to i32
      %cond3A_45 = arith.constant 0 : i32
      %cond3A_46 = arith.cmpi ne, %convert_element_type3A_44, %cond3A_45 : i32
      scf.if %cond3A_46 {
        %mul3A_52 = arith.constant 632 : i32
        %mul3A_53 = arith.muli %arg1, %mul3A_52 : i32
        %multiple_of3A_54 = tpu.assume_multiple %mul3A_53, 8 : i32
        "tpu.region"() ({
          %run_scoped3A = tpu.sem_alloc : memref<!tpu.dma_semaphore, #tpu.memory_space<semaphore_mem>>
          %dma_start3A_55 = arith.constant 0 : i32
          %dma_start3A_56 = tpu.memref_slice %arg18[%multiple_of3A_54, %dma_start3A_55] : memref<10016x128xf32, #tpu.memory_space<vmem_shared>> -> memref<632x128xf32, #tpu.memory_space<vmem_shared>>
          %dma_start3A_57 = arith.constant 0 : i32
          %dma_start3A_58 = tpu.memref_slice %arg5[%multiple_of3A_54, %dma_start3A_57] : memref<10000x128xf32, #tpu.memory_space<hbm>> -> memref<632x128xf32, #tpu.memory_space<hbm>>
          tpu.enqueue_dma source(%dma_start3A_58 : memref<632x128xf32, #tpu.memory_space<hbm>>) target(%dma_start3A_56 : memref<632x128xf32, #tpu.memory_space<vmem_shared>>) target_semaphore(%run_scoped3A : memref<!tpu.dma_semaphore, #tpu.memory_space<semaphore_mem>>)
          %dma_wait3A_59 = arith.constant 0 : i32
          %dma_wait3A_60 = tpu.memref_slice %arg18[%multiple_of3A_54, %dma_wait3A_59] : memref<10016x128xf32, #tpu.memory_space<vmem_shared>> -> memref<632x128xf32, #tpu.memory_space<vmem_shared>>
          %dma_wait3A_61 = arith.constant 0 : i32
          %dma_wait3A_62 = tpu.memref_slice %arg5[%multiple_of3A_54, %dma_wait3A_61] : memref<10000x128xf32, #tpu.memory_space<hbm>> -> memref<632x128xf32, #tpu.memory_space<hbm>>
          tpu.wait_dma2 semaphore(%run_scoped3A : memref<!tpu.dma_semaphore, #tpu.memory_space<semaphore_mem>>) src(%dma_wait3A_62 : memref<632x128xf32, #tpu.memory_space<hbm>>) dst(%dma_wait3A_60 : memref<632x128xf32, #tpu.memory_space<vmem_shared>>)
          tpu.yield
        }) : () -> ()
      } else {
      }
      %eq3A_47 = arith.constant 15 : i32
      %eq3A_48 = arith.cmpi eq, %arg1, %eq3A_47 : i32
      %convert_element_type3A_49 = arith.extui %eq3A_48 : i1 to i32
      %cond3A_50 = arith.constant 0 : i32
      %cond3A_51 = arith.cmpi ne, %convert_element_type3A_49, %cond3A_50 : i32
      scf.if %cond3A_51 {
        "tpu.region"() ({
          %run_scoped3A = tpu.sem_alloc : memref<!tpu.dma_semaphore, #tpu.memory_space<semaphore_mem>>
          %dma_start3A_52 = arith.constant 9480 : i32
          %dma_start3A_53 = arith.constant 0 : i32
          %dma_start3A_54 = tpu.memref_slice %arg18[%dma_start3A_52, %dma_start3A_53] : memref<10016x128xf32, #tpu.memory_space<vmem_shared>> -> memref<520x128xf32, #tpu.memory_space<vmem_shared>>
          %dma_start3A_55 = arith.constant 9480 : i32
          %dma_start3A_56 = arith.constant 0 : i32
          %dma_start3A_57 = tpu.memref_slice %arg5[%dma_start3A_55, %dma_start3A_56] : memref<10000x128xf32, #tpu.memory_space<hbm>> -> memref<520x128xf32, #tpu.memory_space<hbm>>
          tpu.enqueue_dma source(%dma_start3A_57 : memref<520x128xf32, #tpu.memory_space<hbm>>) target(%dma_start3A_54 : memref<520x128xf32, #tpu.memory_space<vmem_shared>>) target_semaphore(%run_scoped3A : memref<!tpu.dma_semaphore, #tpu.memory_space<semaphore_mem>>)
          %dma_wait3A_58 = arith.constant 9480 : i32
          %dma_wait3A_59 = arith.constant 0 : i32
          %dma_wait3A_60 = tpu.memref_slice %arg18[%dma_wait3A_58, %dma_wait3A_59] : memref<10016x128xf32, #tpu.memory_space<vmem_shared>> -> memref<520x128xf32, #tpu.memory_space<vmem_shared>>
          %dma_wait3A_61 = arith.constant 9480 : i32
          %dma_wait3A_62 = arith.constant 0 : i32
          %dma_wait3A_63 = tpu.memref_slice %arg5[%dma_wait3A_61, %dma_wait3A_62] : memref<10000x128xf32, #tpu.memory_space<hbm>> -> memref<520x128xf32, #tpu.memory_space<hbm>>
          tpu.wait_dma2 semaphore(%run_scoped3A : memref<!tpu.dma_semaphore, #tpu.memory_space<semaphore_mem>>) src(%dma_wait3A_63 : memref<520x128xf32, #tpu.memory_space<hbm>>) dst(%dma_wait3A_60 : memref<520x128xf32, #tpu.memory_space<vmem_shared>>)
          tpu.yield
        }) : () -> ()
      } else {
      }
    } else {
    }
    %mul3A_7 = arith.constant 80 : i32
    %mul3A_8 = arith.muli %add3A, %mul3A_7 : i32
    %multiple_of3A = tpu.assume_multiple %mul3A_8, 8 : i32
    %mul3A_9 = arith.constant 80 : i32
    %mul3A_10 = arith.muli %add3A, %mul3A_9 : i32
    %mul3A_11 = arith.constant 128 : i32
    %mul3A_12 = arith.muli %mul3A_10, %mul3A_11 : i32
    %multiple_of3A_13 = tpu.assume_multiple %mul3A_12, 8 : i32
    "tpu.region"() ({
      %run_scoped3A = tpu.sem_alloc : memref<!tpu.dma_semaphore, #tpu.memory_space<semaphore_mem>>
      %dma_start3A_42 = arith.constant 0 : i32
      %dma_start3A_43 = tpu.memref_slice %arg3[%multiple_of3A, %dma_start3A_42] : memref<2560x128xi32, #tpu.memory_space<hbm>> -> memref<80x128xi32, #tpu.memory_space<hbm>>
      %dma_start3A_44 = arith.constant 0 : i32
      %dma_start3A_45 = tpu.memref_slice %arg3[%multiple_of3A, %dma_start3A_44] : memref<2560x128xi32, #tpu.memory_space<hbm>> -> memref<80x128xi32, #tpu.memory_space<hbm>>
      tpu.enqueue_dma source(%dma_start3A_45 : memref<80x128xi32, #tpu.memory_space<hbm>>) target(%arg9 : memref<80x128xi32, #tpu.memory_space<vmem>>) target_semaphore(%run_scoped3A : memref<!tpu.dma_semaphore, #tpu.memory_space<semaphore_mem>>)
      %dma_wait3A_46 = arith.constant 0 : i32
      %dma_wait3A_47 = tpu.memref_slice %arg3[%multiple_of3A, %dma_wait3A_46] : memref<2560x128xi32, #tpu.memory_space<hbm>> -> memref<80x128xi32, #tpu.memory_space<hbm>>
      %dma_wait3A_48 = arith.constant 0 : i32
      %dma_wait3A_49 = tpu.memref_slice %arg3[%multiple_of3A, %dma_wait3A_48] : memref<2560x128xi32, #tpu.memory_space<hbm>> -> memref<80x128xi32, #tpu.memory_space<hbm>>
      tpu.wait_dma2 semaphore(%run_scoped3A : memref<!tpu.dma_semaphore, #tpu.memory_space<semaphore_mem>>) src(%dma_wait3A_49 : memref<80x128xi32, #tpu.memory_space<hbm>>) dst(%arg9 : memref<80x128xi32, #tpu.memory_space<vmem>>)
      tpu.yield
    }) : () -> ()
    "tpu.region"() ({
      %run_scoped3A = tpu.sem_alloc : memref<!tpu.dma_semaphore, #tpu.memory_space<semaphore_mem>>
      %dma_start3A_42 = tpu.memref_slice %arg2[%multiple_of3A_13] : memref<327680xi32, #tpu.memory_space<hbm>> -> memref<128xi32, #tpu.memory_space<hbm>>
      %dma_start3A_43 = tpu.memref_slice %arg2[%multiple_of3A_13] : memref<327680xi32, #tpu.memory_space<hbm>> -> memref<128xi32, #tpu.memory_space<hbm>>
      tpu.enqueue_dma source(%dma_start3A_43 : memref<128xi32, #tpu.memory_space<hbm>>) target(%arg7 : memref<128xi32, #tpu.memory_space<vmem>>) target_semaphore(%run_scoped3A : memref<!tpu.dma_semaphore, #tpu.memory_space<semaphore_mem>>)
      %dma_wait3A_44 = tpu.memref_slice %arg2[%multiple_of3A_13] : memref<327680xi32, #tpu.memory_space<hbm>> -> memref<128xi32, #tpu.memory_space<hbm>>
      %dma_wait3A_45 = tpu.memref_slice %arg2[%multiple_of3A_13] : memref<327680xi32, #tpu.memory_space<hbm>> -> memref<128xi32, #tpu.memory_space<hbm>>
      tpu.wait_dma2 semaphore(%run_scoped3A : memref<!tpu.dma_semaphore, #tpu.memory_space<semaphore_mem>>) src(%dma_wait3A_45 : memref<128xi32, #tpu.memory_space<hbm>>) dst(%arg7 : memref<128xi32, #tpu.memory_space<vmem>>)
      tpu.yield
    }) : () -> ()
    %barrier3A = arith.constant 0 : index
    tpu.barrier barrier_id(%barrier3A)
    %dma_start3A = arith.constant 0 : i32
    %dma_start3A_14 = arith.constant 0 : i32
    %dma_start3A_15 = tpu.memref_slice %arg4[%dma_start3A, %dma_start3A_14] : memref<10000x128xf32, #tpu.memory_space<hbm>> -> memref<10000x128xf32, #tpu.memory_space<hbm>>
    tpu.enqueue_indirect_dma source(%dma_start3A_15 : memref<10000x128xf32, #tpu.memory_space<hbm>>) target(%arg10 : memref<128x128xf32, #tpu.memory_space<vmem>>) offsets(%arg7 : memref<128xi32, #tpu.memory_space<vmem>>) semaphore(%arg12 : memref<!tpu.dma_semaphore, #tpu.memory_space<semaphore_mem>>)
    %add3A_16 = arith.constant 128 : i32
    %add3A_17 = arith.addi %multiple_of3A_13, %add3A_16 : i32
    %dma_start3A_18 = tpu.memref_slice %arg2[%add3A_17] : memref<327680xi32, #tpu.memory_space<hbm>> -> memref<128xi32, #tpu.memory_space<hbm>>
    %dma_start3A_19 = tpu.memref_slice %arg2[%add3A_17] : memref<327680xi32, #tpu.memory_space<hbm>> -> memref<128xi32, #tpu.memory_space<hbm>>
    tpu.enqueue_dma source(%dma_start3A_19 : memref<128xi32, #tpu.memory_space<hbm>>) target(%arg8 : memref<128xi32, #tpu.memory_space<vmem>>) target_semaphore(%arg17 : memref<!tpu.dma_semaphore, #tpu.memory_space<semaphore_mem>>)
    %scan3A = arith.constant 0 : i32
    %scan3A_20 = arith.constant 0 : i32
    %scan3A_21 = arith.constant 80 : i32
    %scan3A_22 = arith.addi %scan3A_20, %scan3A_21 : i32
    %scan3A_23 = arith.constant 1 : i32
    %scan3A_24 = scf.for %scan3A_42 = %scan3A_20 to %scan3A_22 step %scan3A_23 iter_args(%scan3A_43 = %scan3A) -> (i32)  : i32 {
      %jit3A = arith.constant 2 : i32
      %eq3A_44 = arith.constant 0 : i32
      %eq3A_45 = arith.cmpi eq, %jit3A, %eq3A_44 : i32
      %jit3A_46 = arith.constant 1 : i32
      %select_n3A = arith.select %eq3A_45, %jit3A_46, %jit3A : i32
      %rem3A = arith.remsi %scan3A_42, %select_n3A : i32
      %ne3A_47 = arith.constant 0 : i32
      %ne3A_48 = arith.cmpi ne, %rem3A, %ne3A_47 : i32
      %lt3A_49 = arith.constant 0 : i32
      %lt3A_50 = arith.cmpi slt, %rem3A, %lt3A_49 : i32
      %lt3A_51 = arith.constant 0 : i32
      %lt3A_52 = arith.cmpi slt, %select_n3A, %lt3A_51 : i32
      %ne3A_53 = arith.xori %lt3A_50, %lt3A_52 : i1
      %and3A = arith.andi %ne3A_53, %ne3A_48 : i1
      %add3A_54 = arith.addi %rem3A, %select_n3A : i32
      %select_n3A_55 = arith.select %and3A, %add3A_54, %rem3A : i32
      %eq3A_56 = arith.constant 0 : i32
      %eq3A_57 = arith.cmpi eq, %select_n3A_55, %eq3A_56 : i32
      %convert_element_type3A_58 = arith.extui %eq3A_57 : i1 to i32
      %cond3A_59 = arith.constant 0 : i32
      %cond3A_60 = arith.cmpi ne, %convert_element_type3A_58, %cond3A_59 : i32
      scf.if %cond3A_60 {
        %dma_wait3A_83 = arith.constant 0 : i32
        %dma_wait3A_84 = arith.constant 0 : i32
        %dma_wait3A_85 = tpu.memref_slice %arg4[%dma_wait3A_83, %dma_wait3A_84] : memref<10000x128xf32, #tpu.memory_space<hbm>> -> memref<10000x128xf32, #tpu.memory_space<hbm>>
        tpu.wait_indirect_dma semaphore(%arg12 : memref<!tpu.dma_semaphore, #tpu.memory_space<semaphore_mem>>) src(%dma_wait3A_85 : memref<10000x128xf32, #tpu.memory_space<hbm>>) dst(%arg10 : memref<128x128xf32, #tpu.memory_space<vmem>>)
        %dma_start3A_86 = arith.constant 0 : i32
        %dma_start3A_87 = tpu.memref_slice %arg9[%scan3A_42, %dma_start3A_86] : memref<80x128xi32, #tpu.memory_space<vmem>> -> memref<1x128xi32, #tpu.memory_space<vmem>>
        %dma_start3A_88 = tpu.memref_squeeze %dma_start3A_87 : memref<1x128xi32, #tpu.memory_space<vmem>> -> memref<128xi32, #tpu.memory_space<vmem>>
        %dma_start3A_89 = arith.constant 0 : i32
        %dma_start3A_90 = arith.constant 0 : i32
        %dma_start3A_91 = tpu.memref_slice %arg18[%dma_start3A_89, %dma_start3A_90] : memref<10016x128xf32, #tpu.memory_space<vmem_shared>> -> memref<10016x128xf32, #tpu.memory_space<vmem_shared>>
        tpu.enqueue_indirect_dma source(%arg10 : memref<128x128xf32, #tpu.memory_space<vmem>>) target(%dma_start3A_91 : memref<10016x128xf32, #tpu.memory_space<vmem_shared>>) offsets(%dma_start3A_88 : memref<128xi32, #tpu.memory_space<vmem>>) semaphore(%arg14 : memref<!tpu.dma_semaphore, #tpu.memory_space<semaphore_mem>>) {add = true}
        %ge3A = arith.constant 1 : i32
        %ge3A_92 = arith.cmpi sge, %scan3A_42, %ge3A : i32
        %convert_element_type3A_93 = arith.extui %ge3A_92 : i1 to i32
        %cond3A_94 = arith.constant 0 : i32
        %cond3A_95 = arith.cmpi ne, %convert_element_type3A_93, %cond3A_94 : i32
        scf.if %cond3A_95 {
          %sub3A = arith.constant 1 : i32
          %sub3A_110 = arith.subi %scan3A_42, %sub3A : i32
          %dma_wait3A_111 = arith.constant 0 : i32
          %dma_wait3A_112 = tpu.memref_slice %arg9[%sub3A_110, %dma_wait3A_111] : memref<80x128xi32, #tpu.memory_space<vmem>> -> memref<1x128xi32, #tpu.memory_space<vmem>>
          %dma_wait3A_113 = tpu.memref_squeeze %dma_wait3A_112 : memref<1x128xi32, #tpu.memory_space<vmem>> -> memref<128xi32, #tpu.memory_space<vmem>>
          %dma_wait3A_114 = arith.constant 0 : i32
          %dma_wait3A_115 = arith.constant 0 : i32
          %dma_wait3A_116 = tpu.memref_slice %arg18[%dma_wait3A_114, %dma_wait3A_115] : memref<10016x128xf32, #tpu.memory_space<vmem_shared>> -> memref<10016x128xf32, #tpu.memory_space<vmem_shared>>
          tpu.wait_indirect_dma semaphore(%arg15 : memref<!tpu.dma_semaphore, #tpu.memory_space<semaphore_mem>>) src(%arg11 : memref<128x128xf32, #tpu.memory_space<vmem>>) dst(%dma_wait3A_116 : memref<10016x128xf32, #tpu.memory_space<vmem_shared>>)
        } else {
        }
        %add3A_96 = arith.constant 1 : i32
        %add3A_97 = arith.addi %scan3A_42, %add3A_96 : i32
        %lt3A_98 = arith.constant 80 : i32
        %lt3A_99 = arith.cmpi slt, %add3A_97, %lt3A_98 : i32
        %convert_element_type3A_100 = arith.extui %lt3A_99 : i1 to i32
        %cond3A_101 = arith.constant 0 : i32
        %cond3A_102 = arith.cmpi ne, %convert_element_type3A_100, %cond3A_101 : i32
        scf.if %cond3A_102 {
          %dma_wait3A_110 = tpu.memref_slice %arg2[%multiple_of3A_13] : memref<327680xi32, #tpu.memory_space<hbm>> -> memref<128xi32, #tpu.memory_space<hbm>>
          %dma_wait3A_111 = tpu.memref_slice %arg2[%multiple_of3A_13] : memref<327680xi32, #tpu.memory_space<hbm>> -> memref<128xi32, #tpu.memory_space<hbm>>
          tpu.wait_dma2 semaphore(%arg17 : memref<!tpu.dma_semaphore, #tpu.memory_space<semaphore_mem>>) src(%dma_wait3A_111 : memref<128xi32, #tpu.memory_space<hbm>>) dst(%arg8 : memref<128xi32, #tpu.memory_space<vmem>>)
          %dma_start3A_112 = arith.constant 0 : i32
          %dma_start3A_113 = arith.constant 0 : i32
          %dma_start3A_114 = tpu.memref_slice %arg4[%dma_start3A_112, %dma_start3A_113] : memref<10000x128xf32, #tpu.memory_space<hbm>> -> memref<10000x128xf32, #tpu.memory_space<hbm>>
          tpu.enqueue_indirect_dma source(%dma_start3A_114 : memref<10000x128xf32, #tpu.memory_space<hbm>>) target(%arg11 : memref<128x128xf32, #tpu.memory_space<vmem>>) offsets(%arg8 : memref<128xi32, #tpu.memory_space<vmem>>) semaphore(%arg13 : memref<!tpu.dma_semaphore, #tpu.memory_space<semaphore_mem>>)
        } else {
        }
        %add3A_103 = arith.constant 2 : i32
        %add3A_104 = arith.addi %scan3A_42, %add3A_103 : i32
        %lt3A_105 = arith.constant 80 : i32
        %lt3A_106 = arith.cmpi slt, %add3A_104, %lt3A_105 : i32
        %convert_element_type3A_107 = arith.extui %lt3A_106 : i1 to i32
        %cond3A_108 = arith.constant 0 : i32
        %cond3A_109 = arith.cmpi ne, %convert_element_type3A_107, %cond3A_108 : i32
        scf.if %cond3A_109 {
          %add3A_110 = arith.constant 2 : i32
          %add3A_111 = arith.addi %scan3A_42, %add3A_110 : i32
          %mul3A_112 = arith.constant 128 : i32
          %mul3A_113 = arith.muli %add3A_111, %mul3A_112 : i32
          %add3A_114 = arith.addi %multiple_of3A_13, %mul3A_113 : i32
          %dma_start3A_115 = tpu.memref_slice %arg2[%add3A_114] : memref<327680xi32, #tpu.memory_space<hbm>> -> memref<128xi32, #tpu.memory_space<hbm>>
          %dma_start3A_116 = tpu.memref_slice %arg2[%add3A_114] : memref<327680xi32, #tpu.memory_space<hbm>> -> memref<128xi32, #tpu.memory_space<hbm>>
          tpu.enqueue_dma source(%dma_start3A_116 : memref<128xi32, #tpu.memory_space<hbm>>) target(%arg7 : memref<128xi32, #tpu.memory_space<vmem>>) target_semaphore(%arg16 : memref<!tpu.dma_semaphore, #tpu.memory_space<semaphore_mem>>)
        } else {
        }
      } else {
      }
      %jit3A_61 = arith.constant 2 : i32
      %eq3A_62 = arith.constant 0 : i32
      %eq3A_63 = arith.cmpi eq, %jit3A_61, %eq3A_62 : i32
      %jit3A_64 = arith.constant 1 : i32
      %select_n3A_65 = arith.select %eq3A_63, %jit3A_64, %jit3A_61 : i32
      %rem3A_66 = arith.remsi %scan3A_42, %select_n3A_65 : i32
      %ne3A_67 = arith.constant 0 : i32
      %ne3A_68 = arith.cmpi ne, %rem3A_66, %ne3A_67 : i32
      %lt3A_69 = arith.constant 0 : i32
      %lt3A_70 = arith.cmpi slt, %rem3A_66, %lt3A_69 : i32
      %lt3A_71 = arith.constant 0 : i32
      %lt3A_72 = arith.cmpi slt, %select_n3A_65, %lt3A_71 : i32
      %ne3A_73 = arith.xori %lt3A_70, %lt3A_72 : i1
      %and3A_74 = arith.andi %ne3A_73, %ne3A_68 : i1
      %add3A_75 = arith.addi %rem3A_66, %select_n3A_65 : i32
      %select_n3A_76 = arith.select %and3A_74, %add3A_75, %rem3A_66 : i32
      %eq3A_77 = arith.constant 1 : i32
      %eq3A_78 = arith.cmpi eq, %select_n3A_76, %eq3A_77 : i32
      %convert_element_type3A_79 = arith.extui %eq3A_78 : i1 to i32
      %cond3A_80 = arith.constant 0 : i32
      %cond3A_81 = arith.cmpi ne, %convert_element_type3A_79, %cond3A_80 : i32
      scf.if %cond3A_81 {
        %dma_wait3A_83 = arith.constant 0 : i32
        %dma_wait3A_84 = arith.constant 0 : i32
        %dma_wait3A_85 = tpu.memref_slice %arg4[%dma_wait3A_83, %dma_wait3A_84] : memref<10000x128xf32, #tpu.memory_space<hbm>> -> memref<10000x128xf32, #tpu.memory_space<hbm>>
        tpu.wait_indirect_dma semaphore(%arg13 : memref<!tpu.dma_semaphore, #tpu.memory_space<semaphore_mem>>) src(%dma_wait3A_85 : memref<10000x128xf32, #tpu.memory_space<hbm>>) dst(%arg11 : memref<128x128xf32, #tpu.memory_space<vmem>>)
        %dma_start3A_86 = arith.constant 0 : i32
        %dma_start3A_87 = tpu.memref_slice %arg9[%scan3A_42, %dma_start3A_86] : memref<80x128xi32, #tpu.memory_space<vmem>> -> memref<1x128xi32, #tpu.memory_space<vmem>>
        %dma_start3A_88 = tpu.memref_squeeze %dma_start3A_87 : memref<1x128xi32, #tpu.memory_space<vmem>> -> memref<128xi32, #tpu.memory_space<vmem>>
        %dma_start3A_89 = arith.constant 0 : i32
        %dma_start3A_90 = arith.constant 0 : i32
        %dma_start3A_91 = tpu.memref_slice %arg18[%dma_start3A_89, %dma_start3A_90] : memref<10016x128xf32, #tpu.memory_space<vmem_shared>> -> memref<10016x128xf32, #tpu.memory_space<vmem_shared>>
        tpu.enqueue_indirect_dma source(%arg11 : memref<128x128xf32, #tpu.memory_space<vmem>>) target(%dma_start3A_91 : memref<10016x128xf32, #tpu.memory_space<vmem_shared>>) offsets(%dma_start3A_88 : memref<128xi32, #tpu.memory_space<vmem>>) semaphore(%arg15 : memref<!tpu.dma_semaphore, #tpu.memory_space<semaphore_mem>>) {add = true}
        %ge3A = arith.constant 1 : i32
        %ge3A_92 = arith.cmpi sge, %scan3A_42, %ge3A : i32
        %convert_element_type3A_93 = arith.extui %ge3A_92 : i1 to i32
        %cond3A_94 = arith.constant 0 : i32
        %cond3A_95 = arith.cmpi ne, %convert_element_type3A_93, %cond3A_94 : i32
        scf.if %cond3A_95 {
          %sub3A = arith.constant 1 : i32
          %sub3A_110 = arith.subi %scan3A_42, %sub3A : i32
          %dma_wait3A_111 = arith.constant 0 : i32
          %dma_wait3A_112 = tpu.memref_slice %arg9[%sub3A_110, %dma_wait3A_111] : memref<80x128xi32, #tpu.memory_space<vmem>> -> memref<1x128xi32, #tpu.memory_space<vmem>>
          %dma_wait3A_113 = tpu.memref_squeeze %dma_wait3A_112 : memref<1x128xi32, #tpu.memory_space<vmem>> -> memref<128xi32, #tpu.memory_space<vmem>>
          %dma_wait3A_114 = arith.constant 0 : i32
          %dma_wait3A_115 = arith.constant 0 : i32
          %dma_wait3A_116 = tpu.memref_slice %arg18[%dma_wait3A_114, %dma_wait3A_115] : memref<10016x128xf32, #tpu.memory_space<vmem_shared>> -> memref<10016x128xf32, #tpu.memory_space<vmem_shared>>
          tpu.wait_indirect_dma semaphore(%arg14 : memref<!tpu.dma_semaphore, #tpu.memory_space<semaphore_mem>>) src(%arg10 : memref<128x128xf32, #tpu.memory_space<vmem>>) dst(%dma_wait3A_116 : memref<10016x128xf32, #tpu.memory_space<vmem_shared>>)
        } else {
        }
        %add3A_96 = arith.constant 1 : i32
        %add3A_97 = arith.addi %scan3A_42, %add3A_96 : i32
        %lt3A_98 = arith.constant 80 : i32
        %lt3A_99 = arith.cmpi slt, %add3A_97, %lt3A_98 : i32
        %convert_element_type3A_100 = arith.extui %lt3A_99 : i1 to i32
        %cond3A_101 = arith.constant 0 : i32
        %cond3A_102 = arith.cmpi ne, %convert_element_type3A_100, %cond3A_101 : i32
        scf.if %cond3A_102 {
          %dma_wait3A_110 = tpu.memref_slice %arg2[%multiple_of3A_13] : memref<327680xi32, #tpu.memory_space<hbm>> -> memref<128xi32, #tpu.memory_space<hbm>>
          %dma_wait3A_111 = tpu.memref_slice %arg2[%multiple_of3A_13] : memref<327680xi32, #tpu.memory_space<hbm>> -> memref<128xi32, #tpu.memory_space<hbm>>
          tpu.wait_dma2 semaphore(%arg16 : memref<!tpu.dma_semaphore, #tpu.memory_space<semaphore_mem>>) src(%dma_wait3A_111 : memref<128xi32, #tpu.memory_space<hbm>>) dst(%arg7 : memref<128xi32, #tpu.memory_space<vmem>>)
          %dma_start3A_112 = arith.constant 0 : i32
          %dma_start3A_113 = arith.constant 0 : i32
          %dma_start3A_114 = tpu.memref_slice %arg4[%dma_start3A_112, %dma_start3A_113] : memref<10000x128xf32, #tpu.memory_space<hbm>> -> memref<10000x128xf32, #tpu.memory_space<hbm>>
          tpu.enqueue_indirect_dma source(%dma_start3A_114 : memref<10000x128xf32, #tpu.memory_space<hbm>>) target(%arg10 : memref<128x128xf32, #tpu.memory_space<vmem>>) offsets(%arg7 : memref<128xi32, #tpu.memory_space<vmem>>) semaphore(%arg12 : memref<!tpu.dma_semaphore, #tpu.memory_space<semaphore_mem>>)
        } else {
        }
        %add3A_103 = arith.constant 2 : i32
        %add3A_104 = arith.addi %scan3A_42, %add3A_103 : i32
        %lt3A_105 = arith.constant 80 : i32
        %lt3A_106 = arith.cmpi slt, %add3A_104, %lt3A_105 : i32
        %convert_element_type3A_107 = arith.extui %lt3A_106 : i1 to i32
        %cond3A_108 = arith.constant 0 : i32
        %cond3A_109 = arith.cmpi ne, %convert_element_type3A_107, %cond3A_108 : i32
        scf.if %cond3A_109 {
          %add3A_110 = arith.constant 2 : i32
          %add3A_111 = arith.addi %scan3A_42, %add3A_110 : i32
          %mul3A_112 = arith.constant 128 : i32
          %mul3A_113 = arith.muli %add3A_111, %mul3A_112 : i32
          %add3A_114 = arith.addi %multiple_of3A_13, %mul3A_113 : i32
          %dma_start3A_115 = tpu.memref_slice %arg2[%add3A_114] : memref<327680xi32, #tpu.memory_space<hbm>> -> memref<128xi32, #tpu.memory_space<hbm>>
          %dma_start3A_116 = tpu.memref_slice %arg2[%add3A_114] : memref<327680xi32, #tpu.memory_space<hbm>> -> memref<128xi32, #tpu.memory_space<hbm>>
          tpu.enqueue_dma source(%dma_start3A_116 : memref<128xi32, #tpu.memory_space<hbm>>) target(%arg8 : memref<128xi32, #tpu.memory_space<vmem>>) target_semaphore(%arg17 : memref<!tpu.dma_semaphore, #tpu.memory_space<semaphore_mem>>)
        } else {
        }
      } else {
      }
      %scan3A_82 = arith.constant 0 : i32
      scf.yield %scan3A_82 : i32
    }
    %scan3A_25 = arith.constant 80 : i32
    %dma_wait3A = arith.constant 79 : i32
    %dma_wait3A_26 = arith.constant 0 : i32
    %dma_wait3A_27 = tpu.memref_slice %arg9[%dma_wait3A, %dma_wait3A_26] : memref<80x128xi32, #tpu.memory_space<vmem>> -> memref<1x128xi32, #tpu.memory_space<vmem>>
    %dma_wait3A_28 = tpu.memref_squeeze %dma_wait3A_27 : memref<1x128xi32, #tpu.memory_space<vmem>> -> memref<128xi32, #tpu.memory_space<vmem>>
    %dma_wait3A_29 = arith.constant 0 : i32
    %dma_wait3A_30 = arith.constant 0 : i32
    %dma_wait3A_31 = tpu.memref_slice %arg18[%dma_wait3A_29, %dma_wait3A_30] : memref<10016x128xf32, #tpu.memory_space<vmem_shared>> -> memref<10016x128xf32, #tpu.memory_space<vmem_shared>>
    tpu.wait_indirect_dma semaphore(%arg15 : memref<!tpu.dma_semaphore, #tpu.memory_space<semaphore_mem>>) src(%arg11 : memref<128x128xf32, #tpu.memory_space<vmem>>) dst(%dma_wait3A_31 : memref<10016x128xf32, #tpu.memory_space<vmem_shared>>)
    %barrier3A_32 = arith.constant 0 : index
    tpu.barrier barrier_id(%barrier3A_32)
    %lt3A = arith.constant 15 : i32
    %lt3A_33 = arith.cmpi slt, %arg1, %lt3A : i32
    %convert_element_type3A_34 = arith.extui %lt3A_33 : i1 to i32
    %cond3A_35 = arith.constant 0 : i32
    %cond3A_36 = arith.cmpi ne, %convert_element_type3A_34, %cond3A_35 : i32
    scf.if %cond3A_36 {
      %mul3A_42 = arith.constant 632 : i32
      %mul3A_43 = arith.muli %arg1, %mul3A_42 : i32
      %multiple_of3A_44 = tpu.assume_multiple %mul3A_43, 8 : i32
      "tpu.region"() ({
        %run_scoped3A = tpu.sem_alloc : memref<!tpu.dma_semaphore, #tpu.memory_space<semaphore_mem>>
        %dma_start3A_45 = arith.constant 0 : i32
        %dma_start3A_46 = tpu.memref_slice %arg6[%arg0, %multiple_of3A_44, %dma_start3A_45] : memref<2x10000x128xf32, #tpu.memory_space<hbm>> -> memref<1x632x128xf32, #tpu.memory_space<hbm>>
        %dma_start3A_47 = tpu.memref_squeeze %dma_start3A_46 : memref<1x632x128xf32, #tpu.memory_space<hbm>> -> memref<632x128xf32, #tpu.memory_space<hbm>>
        %dma_start3A_48 = arith.constant 0 : i32
        %dma_start3A_49 = tpu.memref_slice %arg18[%multiple_of3A_44, %dma_start3A_48] : memref<10016x128xf32, #tpu.memory_space<vmem_shared>> -> memref<632x128xf32, #tpu.memory_space<vmem_shared>>
        tpu.enqueue_dma source(%dma_start3A_49 : memref<632x128xf32, #tpu.memory_space<vmem_shared>>) target(%dma_start3A_47 : memref<632x128xf32, #tpu.memory_space<hbm>>) target_semaphore(%run_scoped3A : memref<!tpu.dma_semaphore, #tpu.memory_space<semaphore_mem>>)
        %dma_wait3A_50 = arith.constant 0 : i32
        %dma_wait3A_51 = tpu.memref_slice %arg6[%arg0, %multiple_of3A_44, %dma_wait3A_50] : memref<2x10000x128xf32, #tpu.memory_space<hbm>> -> memref<1x632x128xf32, #tpu.memory_space<hbm>>
        %dma_wait3A_52 = tpu.memref_squeeze %dma_wait3A_51 : memref<1x632x128xf32, #tpu.memory_space<hbm>> -> memref<632x128xf32, #tpu.memory_space<hbm>>
        %dma_wait3A_53 = arith.constant 0 : i32
        %dma_wait3A_54 = tpu.memref_slice %arg18[%multiple_of3A_44, %dma_wait3A_53] : memref<10016x128xf32, #tpu.memory_space<vmem_shared>> -> memref<632x128xf32, #tpu.memory_space<vmem_shared>>
        tpu.wait_dma2 semaphore(%run_scoped3A : memref<!tpu.dma_semaphore, #tpu.memory_space<semaphore_mem>>) src(%dma_wait3A_54 : memref<632x128xf32, #tpu.memory_space<vmem_shared>>) dst(%dma_wait3A_52 : memref<632x128xf32, #tpu.memory_space<hbm>>)
        tpu.yield
      }) : () -> ()
    } else {
    }
    %eq3A_37 = arith.constant 15 : i32
    %eq3A_38 = arith.cmpi eq, %arg1, %eq3A_37 : i32
    %convert_element_type3A_39 = arith.extui %eq3A_38 : i1 to i32
    %cond3A_40 = arith.constant 0 : i32
    %cond3A_41 = arith.cmpi ne, %convert_element_type3A_39, %cond3A_40 : i32
    scf.if %cond3A_41 {
      "tpu.region"() ({
        %run_scoped3A = tpu.sem_alloc : memref<!tpu.dma_semaphore, #tpu.memory_space<semaphore_mem>>
        %dma_start3A_42 = arith.constant 9480 : i32
        %dma_start3A_43 = arith.constant 0 : i32
        %dma_start3A_44 = tpu.memref_slice %arg6[%arg0, %dma_start3A_42, %dma_start3A_43] : memref<2x10000x128xf32, #tpu.memory_space<hbm>> -> memref<1x520x128xf32, #tpu.memory_space<hbm>>
        %dma_start3A_45 = tpu.memref_squeeze %dma_start3A_44 : memref<1x520x128xf32, #tpu.memory_space<hbm>> -> memref<520x128xf32, #tpu.memory_space<hbm>>
        %dma_start3A_46 = arith.constant 9480 : i32
        %dma_start3A_47 = arith.constant 0 : i32
        %dma_start3A_48 = tpu.memref_slice %arg18[%dma_start3A_46, %dma_start3A_47] : memref<10016x128xf32, #tpu.memory_space<vmem_shared>> -> memref<520x128xf32, #tpu.memory_space<vmem_shared>>
        tpu.enqueue_dma source(%dma_start3A_48 : memref<520x128xf32, #tpu.memory_space<vmem_shared>>) target(%dma_start3A_45 : memref<520x128xf32, #tpu.memory_space<hbm>>) target_semaphore(%run_scoped3A : memref<!tpu.dma_semaphore, #tpu.memory_space<semaphore_mem>>)
        %dma_wait3A_49 = arith.constant 9480 : i32
        %dma_wait3A_50 = arith.constant 0 : i32
        %dma_wait3A_51 = tpu.memref_slice %arg6[%arg0, %dma_wait3A_49, %dma_wait3A_50] : memref<2x10000x128xf32, #tpu.memory_space<hbm>> -> memref<1x520x128xf32, #tpu.memory_space<hbm>>
        %dma_wait3A_52 = tpu.memref_squeeze %dma_wait3A_51 : memref<1x520x128xf32, #tpu.memory_space<hbm>> -> memref<520x128xf32, #tpu.memory_space<hbm>>
        %dma_wait3A_53 = arith.constant 9480 : i32
        %dma_wait3A_54 = arith.constant 0 : i32
        %dma_wait3A_55 = tpu.memref_slice %arg18[%dma_wait3A_53, %dma_wait3A_54] : memref<10016x128xf32, #tpu.memory_space<vmem_shared>> -> memref<520x128xf32, #tpu.memory_space<vmem_shared>>
        tpu.wait_dma2 semaphore(%run_scoped3A : memref<!tpu.dma_semaphore, #tpu.memory_space<semaphore_mem>>) src(%dma_wait3A_55 : memref<520x128xf32, #tpu.memory_space<vmem_shared>>) dst(%dma_wait3A_52 : memref<520x128xf32, #tpu.memory_space<hbm>>)
        tpu.yield
      }) : () -> ()
    } else {
    }
    return
  }
}

module attributes {stable_mosaic.version = 14 : i64} {
  func.func @_t1_body(%arg0: i32, %arg1: memref<1000x128xf32, #tpu.memory_space<vmem>>, %arg2: memref<128x128xf32, #tpu.memory_space<vmem>>, %arg3: memref<1000x16xf32, #tpu.memory_space<vmem>>, %arg4: memref<1000x16xf32, #tpu.memory_space<vmem>>, %arg5: memref<1000x128xf32, #tpu.memory_space<vmem>>) attributes {dimension_semantics = [#tpu.dimension_semantics<arbitrary>], iteration_bounds = array<i64: 10>, scalar_prefetch = 0 : i64, scratch_operands = 0 : i64, tpu.core_type = #tpu.core_type<tc>, window_params = [{transform_indices = @transform_0, window_bounds = array<i64: 1000, 128>}, {pipeline_mode = #tpu.pipeline_mode<synchronous>, transform_indices = @transform_1, window_bounds = array<i64: 128, 128>}, {transform_indices = @transform_2, window_bounds = array<i64: 1000, 16>}, {transform_indices = @transform_3, window_bounds = array<i64: 1000, 16>}, {transform_indices = @transform_4, window_bounds = array<i64: 1000, 128>}]} {
    %get3A = arith.constant 0 : index
    %get3A_0 = arith.constant 0 : index
    %get3A_1 = vector.load %arg1[%get3A, %get3A_0] : memref<1000x128xf32, #tpu.memory_space<vmem>>, vector<1000x128xf32>
    %get3A_2 = arith.constant 0 : index
    %get3A_3 = arith.constant 0 : index
    %get3A_4 = vector.load %arg2[%get3A_2, %get3A_3] : memref<128x128xf32, #tpu.memory_space<vmem>>, vector<128x128xf32>
    %dot_general3A = arith.constant dense<0.000000e+00> : vector<1000x128xf32>
    %dot_general3A_5 = tpu.matmul %get3A_1, %get3A_4, %dot_general3A {dimension_numbers = #tpu.dot_dimension_numbers<[1], [0], [0], [1], [0, 0, 1, 1], [], []>, transpose_lhs_hint = false} : vector<1000x128xf32>, vector<128x128xf32>, vector<1000x128xf32> -> vector<1000x128xf32>
    %get3A_6 = arith.constant 0 : index
    %get3A_7 = arith.constant 0 : index
    %get3A_8 = vector.load %arg3[%get3A_6, %get3A_7] : memref<1000x16xf32, #tpu.memory_space<vmem>>, vector<1000x1xf32>
    %get3A_9 = arith.constant 0 : index
    %get3A_10 = arith.constant 0 : index
    %get3A_11 = vector.load %arg4[%get3A_9, %get3A_10] : memref<1000x16xf32, #tpu.memory_space<vmem>>, vector<1000x1xf32>
    %add3A = arith.addf %get3A_8, %get3A_11 : vector<1000x1xf32>
    %add3A_12 = arith.constant 1.000000e+00 : f32
    %add3A_13 = vector.broadcast %add3A_12 : f32 to vector<1000x1xf32>
    %add3A_14 = arith.addf %add3A, %add3A_13 : vector<1000x1xf32>
    %rsqrt3A = math.rsqrt %add3A_14 : vector<1000x1xf32>
    %mul3A = vector.broadcast %rsqrt3A : vector<1000x1xf32> to vector<1000x128xf32>
    %mul3A_15 = arith.mulf %dot_general3A_5, %mul3A : vector<1000x128xf32>
    %swap3A = arith.constant 0 : index
    %swap3A_16 = arith.constant 0 : index
    %swap3A_17 = vector.load %arg5[%swap3A, %swap3A_16] : memref<1000x128xf32, #tpu.memory_space<vmem>>, vector<1000x128xf32>
    tpu.vector_store %arg5[%swap3A, %swap3A_16], %mul3A_15 {strides = array<i32>} : memref<1000x128xf32, #tpu.memory_space<vmem>>, vector<1000x128xf32>,
    return
  }
  func.func @transform_0(%arg0: i32) -> (i32, i32) {
    %c0_i32 = arith.constant 0 : i32
    %c0_i32_0 = arith.constant 0 : i32
    return %arg0, %c0_i32 : i32, i32
  }
  func.func @transform_1(%arg0: i32) -> (i32, i32) {
    %c0_i32 = arith.constant 0 : i32
    %c0_i32_0 = arith.constant 0 : i32
    %c0_i32_1 = arith.constant 0 : i32
    return %c0_i32, %c0_i32_0 : i32, i32
  }
  func.func @transform_2(%arg0: i32) -> (i32, i32) {
    %c0_i32 = arith.constant 0 : i32
    %c0_i32_0 = arith.constant 0 : i32
    return %arg0, %c0_i32 : i32, i32
  }
  func.func @transform_3(%arg0: i32) -> (i32, i32) {
    %c0_i32 = arith.constant 0 : i32
    %c0_i32_0 = arith.constant 0 : i32
    return %arg0, %c0_i32 : i32, i32
  }
  func.func @transform_4(%arg0: i32) -> (i32, i32) {
    %c0_i32 = arith.constant 0 : i32
    %c0_i32_0 = arith.constant 0 : i32
    return %arg0, %c0_i32 : i32, i32
  }
}

module attributes {stable_mosaic.version = 14 : i64} {
  func.func @_t2_body(%arg0: i32, %arg1: memref<1000x128xf32, #tpu.memory_space<vmem>>, %arg2: memref<1000x128xf32, #tpu.memory_space<vmem>>, %arg3: memref<1000x16xf32, #tpu.memory_space<vmem>>, %arg4: memref<1000x16xf32, #tpu.memory_space<vmem>>, %arg5: memref<1x128xf32, #tpu.memory_space<vmem>>, %arg6: memref<128x128xf32, #tpu.memory_space<vmem>>, %arg7: memref<1000x128xf32, #tpu.memory_space<vmem>>) attributes {dimension_semantics = [#tpu.dimension_semantics<arbitrary>], iteration_bounds = array<i64: 10>, scalar_prefetch = 0 : i64, scratch_operands = 0 : i64, tpu.core_type = #tpu.core_type<tc>, window_params = [{transform_indices = @transform_0, window_bounds = array<i64: 1000, 128>}, {transform_indices = @transform_1, window_bounds = array<i64: 1000, 128>}, {transform_indices = @transform_2, window_bounds = array<i64: 1000, 16>}, {transform_indices = @transform_3, window_bounds = array<i64: 1000, 16>}, {pipeline_mode = #tpu.pipeline_mode<synchronous>, transform_indices = @transform_4, window_bounds = array<i64: 1, 128>}, {pipeline_mode = #tpu.pipeline_mode<synchronous>, transform_indices = @transform_5, window_bounds = array<i64: 128, 128>}, {transform_indices = @transform_6, window_bounds = array<i64: 1000, 128>}]} {
    %get3A = arith.constant 0 : index
    %get3A_0 = arith.constant 0 : index
    %get3A_1 = vector.load %arg3[%get3A, %get3A_0] : memref<1000x16xf32, #tpu.memory_space<vmem>>, vector<1000x1xf32>
    %get3A_2 = arith.constant 0 : index
    %get3A_3 = arith.constant 0 : index
    %get3A_4 = vector.load %arg4[%get3A_2, %get3A_3] : memref<1000x16xf32, #tpu.memory_space<vmem>>, vector<1000x1xf32>
    %add3A = arith.addf %get3A_1, %get3A_4 : vector<1000x1xf32>
    %add3A_5 = arith.constant 1.000000e+00 : f32
    %add3A_6 = vector.broadcast %add3A_5 : f32 to vector<1000x1xf32>
    %add3A_7 = arith.addf %add3A, %add3A_6 : vector<1000x1xf32>
    %rsqrt3A = math.rsqrt %add3A_7 : vector<1000x1xf32>
    %get3A_8 = arith.constant 0 : index
    %get3A_9 = arith.constant 0 : index
    %get3A_10 = vector.load %arg1[%get3A_8, %get3A_9] : memref<1000x128xf32, #tpu.memory_space<vmem>>, vector<1000x128xf32>
    %get3A_11 = arith.constant 0 : index
    %get3A_12 = arith.constant 0 : index
    %get3A_13 = vector.load %arg2[%get3A_11, %get3A_12] : memref<1000x128xf32, #tpu.memory_space<vmem>>, vector<1000x128xf32>
    %add3A_14 = arith.addf %get3A_10, %get3A_13 : vector<1000x128xf32>
    %mul3A = vector.broadcast %rsqrt3A : vector<1000x1xf32> to vector<1000x128xf32>
    %mul3A_15 = arith.mulf %add3A_14, %mul3A : vector<1000x128xf32>
    %get3A_16 = arith.constant 0 : index
    %get3A_17 = arith.constant 0 : index
    %get3A_18 = vector.load %arg5[%get3A_16, %get3A_17] : memref<1x128xf32, #tpu.memory_space<vmem>>, vector<1x128xf32>
    %add3A_19 = vector.broadcast %get3A_18 : vector<1x128xf32> to vector<1000x128xf32>
    %add3A_20 = arith.addf %mul3A_15, %add3A_19 : vector<1000x128xf32>
    %max3A = arith.constant 0.000000e+00 : f32
    %max3A_21 = vector.broadcast %max3A : f32 to vector<1000x128xf32>
    %max3A_22 = arith.maximumf %add3A_20, %max3A_21 : vector<1000x128xf32>
    %get3A_23 = arith.constant 0 : index
    %get3A_24 = arith.constant 0 : index
    %get3A_25 = vector.load %arg6[%get3A_23, %get3A_24] : memref<128x128xf32, #tpu.memory_space<vmem>>, vector<128x128xf32>
    %dot_general3A = arith.constant dense<0.000000e+00> : vector<1000x128xf32>
    %dot_general3A_26 = tpu.matmul %max3A_22, %get3A_25, %dot_general3A {dimension_numbers = #tpu.dot_dimension_numbers<[1], [0], [0], [1], [0, 0, 1, 1], [], []>, transpose_lhs_hint = false} : vector<1000x128xf32>, vector<128x128xf32>, vector<1000x128xf32> -> vector<1000x128xf32>
    %mul3A_27 = vector.broadcast %rsqrt3A : vector<1000x1xf32> to vector<1000x128xf32>
    %mul3A_28 = arith.mulf %dot_general3A_26, %mul3A_27 : vector<1000x128xf32>
    %swap3A = arith.constant 0 : index
    %swap3A_29 = arith.constant 0 : index
    %swap3A_30 = vector.load %arg7[%swap3A, %swap3A_29] : memref<1000x128xf32, #tpu.memory_space<vmem>>, vector<1000x128xf32>
    tpu.vector_store %arg7[%swap3A, %swap3A_29], %mul3A_28 {strides = array<i32>} : memref<1000x128xf32, #tpu.memory_space<vmem>>, vector<1000x128xf32>,
    return
  }
  func.func @transform_0(%arg0: i32) -> (i32, i32) {
    %c0_i32 = arith.constant 0 : i32
    %c0_i32_0 = arith.constant 0 : i32
    return %arg0, %c0_i32 : i32, i32
  }
  func.func @transform_1(%arg0: i32) -> (i32, i32) {
    %c0_i32 = arith.constant 0 : i32
    %c0_i32_0 = arith.constant 0 : i32
    return %arg0, %c0_i32 : i32, i32
  }
  func.func @transform_2(%arg0: i32) -> (i32, i32) {
    %c0_i32 = arith.constant 0 : i32
    %c0_i32_0 = arith.constant 0 : i32
    return %arg0, %c0_i32 : i32, i32
  }
  func.func @transform_3(%arg0: i32) -> (i32, i32) {
    %c0_i32 = arith.constant 0 : i32
    %c0_i32_0 = arith.constant 0 : i32
    return %arg0, %c0_i32 : i32, i32
  }
  func.func @transform_4(%arg0: i32) -> (i32, i32) {
    %c0_i32 = arith.constant 0 : i32
    %c0_i32_0 = arith.constant 0 : i32
    %c0_i32_1 = arith.constant 0 : i32
    return %c0_i32, %c0_i32_0 : i32, i32
  }
  func.func @transform_5(%arg0: i32) -> (i32, i32) {
    %c0_i32 = arith.constant 0 : i32
    %c0_i32_0 = arith.constant 0 : i32
    %c0_i32_1 = arith.constant 0 : i32
    return %c0_i32, %c0_i32_0 : i32, i32
  }
  func.func @transform_6(%arg0: i32) -> (i32, i32) {
    %c0_i32 = arith.constant 0 : i32
    %c0_i32_0 = arith.constant 0 : i32
    return %arg0, %c0_i32 : i32, i32
  }
}

module attributes {stable_mosaic.version = 14 : i64} {
  func.func @_t3_body(%arg0: i32, %arg1: memref<1000x128xf32, #tpu.memory_space<vmem>>, %arg2: memref<1000x128xf32, #tpu.memory_space<vmem>>, %arg3: memref<1000x16xf32, #tpu.memory_space<vmem>>, %arg4: memref<1000x16xf32, #tpu.memory_space<vmem>>, %arg5: memref<1x128xf32, #tpu.memory_space<vmem>>, %arg6: memref<1x1x1000xi32, #tpu.memory_space<vmem>>, %arg7: memref<128x10xf32, #tpu.memory_space<vmem>>, %arg8: memref<1x10xf32, #tpu.memory_space<vmem>>, %arg9: memref<128x10xf32, #tpu.memory_space<vmem>>, %arg10: memref<128x128xf32, #tpu.memory_space<vmem>>, %arg11: memref<128x128xf32, #tpu.memory_space<vmem>>) attributes {dimension_semantics = [#tpu.dimension_semantics<arbitrary>], iteration_bounds = array<i64: 10>, scalar_prefetch = 0 : i64, scratch_operands = 0 : i64, tpu.core_type = #tpu.core_type<tc>, window_params = [{transform_indices = @transform_0, window_bounds = array<i64: 1000, 128>}, {transform_indices = @transform_1, window_bounds = array<i64: 1000, 128>}, {transform_indices = @transform_2, window_bounds = array<i64: 1000, 16>}, {transform_indices = @transform_3, window_bounds = array<i64: 1000, 16>}, {pipeline_mode = #tpu.pipeline_mode<synchronous>, transform_indices = @transform_4, window_bounds = array<i64: 1, 128>}, {transform_indices = @transform_5, window_bounds = array<i64: 1, 1, 1000>}, {pipeline_mode = #tpu.pipeline_mode<synchronous>, transform_indices = @transform_6, window_bounds = array<i64: 128, 10>}, {pipeline_mode = #tpu.pipeline_mode<synchronous>, transform_indices = @transform_7, window_bounds = array<i64: 1, 10>}, {pipeline_mode = #tpu.pipeline_mode<synchronous>, transform_indices = @transform_8, window_bounds = array<i64: 128, 10>}, {pipeline_mode = #tpu.pipeline_mode<synchronous>, transform_indices = @transform_9, window_bounds = array<i64: 128, 128>}, {pipeline_mode = #tpu.pipeline_mode<synchronous>, transform_indices = @transform_10, window_bounds = array<i64: 128, 128>}]} {
    %eq3A = arith.constant 0 : i32
    %eq3A_0 = arith.cmpi eq, %arg0, %eq3A : i32
    %convert_element_type3A = arith.extui %eq3A_0 : i1 to i32
    %cond3A = arith.constant 0 : i32
    %cond3A_1 = arith.cmpi ne, %convert_element_type3A, %cond3A : i32
    scf.if %cond3A_1 {
      %broadcast_in_dim3A_55 = arith.constant 0.000000e+00 : f32
      %broadcast_in_dim3A_56 = vector.broadcast %broadcast_in_dim3A_55 : f32 to vector<128x128xf32>
      %swap3A_57 = arith.constant 0 : index
      %swap3A_58 = arith.constant 0 : index
      %swap3A_59 = vector.load %arg10[%swap3A_57, %swap3A_58] : memref<128x128xf32, #tpu.memory_space<vmem>>, vector<128x128xf32>
      tpu.vector_store %arg10[%swap3A_57, %swap3A_58], %broadcast_in_dim3A_56 {strides = array<i32>} : memref<128x128xf32, #tpu.memory_space<vmem>>, vector<128x128xf32>,
      %broadcast_in_dim3A_60 = arith.constant 0.000000e+00 : f32
      %broadcast_in_dim3A_61 = vector.broadcast %broadcast_in_dim3A_60 : f32 to vector<128x128xf32>
      %swap3A_62 = arith.constant 0 : index
      %swap3A_63 = arith.constant 0 : index
      %swap3A_64 = vector.load %arg11[%swap3A_62, %swap3A_63] : memref<128x128xf32, #tpu.memory_space<vmem>>, vector<128x128xf32>
      tpu.vector_store %arg11[%swap3A_62, %swap3A_63], %broadcast_in_dim3A_61 {strides = array<i32>} : memref<128x128xf32, #tpu.memory_space<vmem>>, vector<128x128xf32>,
    } else {
    }
    %get3A = arith.constant 0 : index
    %get3A_2 = arith.constant 0 : index
    %get3A_3 = vector.load %arg3[%get3A, %get3A_2] : memref<1000x16xf32, #tpu.memory_space<vmem>>, vector<1000x1xf32>
    %get3A_4 = arith.constant 0 : index
    %get3A_5 = arith.constant 0 : index
    %get3A_6 = vector.load %arg4[%get3A_4, %get3A_5] : memref<1000x16xf32, #tpu.memory_space<vmem>>, vector<1000x1xf32>
    %add3A = arith.addf %get3A_3, %get3A_6 : vector<1000x1xf32>
    %add3A_7 = arith.constant 1.000000e+00 : f32
    %add3A_8 = vector.broadcast %add3A_7 : f32 to vector<1000x1xf32>
    %add3A_9 = arith.addf %add3A, %add3A_8 : vector<1000x1xf32>
    %rsqrt3A = math.rsqrt %add3A_9 : vector<1000x1xf32>
    %get3A_10 = arith.constant 0 : index
    %get3A_11 = arith.constant 0 : index
    %get3A_12 = vector.load %arg1[%get3A_10, %get3A_11] : memref<1000x128xf32, #tpu.memory_space<vmem>>, vector<1000x128xf32>
    %get3A_13 = arith.constant 0 : index
    %get3A_14 = arith.constant 0 : index
    %get3A_15 = vector.load %arg2[%get3A_13, %get3A_14] : memref<1000x128xf32, #tpu.memory_space<vmem>>, vector<1000x128xf32>
    %add3A_16 = arith.addf %get3A_12, %get3A_15 : vector<1000x128xf32>
    %mul3A = vector.broadcast %rsqrt3A : vector<1000x1xf32> to vector<1000x128xf32>
    %mul3A_17 = arith.mulf %add3A_16, %mul3A : vector<1000x128xf32>
    %get3A_18 = arith.constant 0 : index
    %get3A_19 = arith.constant 0 : index
    %get3A_20 = vector.load %arg5[%get3A_18, %get3A_19] : memref<1x128xf32, #tpu.memory_space<vmem>>, vector<1x128xf32>
    %add3A_21 = vector.broadcast %get3A_20 : vector<1x128xf32> to vector<1000x128xf32>
    %add3A_22 = arith.addf %mul3A_17, %add3A_21 : vector<1000x128xf32>
    %get3A_23 = arith.constant 0 : index
    %get3A_24 = arith.constant 0 : index
    %get3A_25 = arith.constant 0 : index
    %get3A_26 = vector.load %arg6[%get3A_23, %get3A_24, %get3A_25] : memref<1x1x1000xi32, #tpu.memory_space<vmem>>, vector<1x1x1000xi32>
    %get3A_27 = vector.shape_cast %get3A_26 : vector<1x1x1000xi32> to vector<1x1000xi32>
    %iota3A = tpu.iota {dimensions = array<i32: 0>} : vector<128x1xi32>
    %eq3A_28 = vector.broadcast %iota3A : vector<128x1xi32> to vector<128x1000xi32>
    %eq3A_29 = vector.broadcast %get3A_27 : vector<1x1000xi32> to vector<128x1000xi32>
    %eq3A_30 = arith.cmpi eq, %eq3A_28, %eq3A_29 : vector<128x1000xi32>
    %convert_element_type3A_31 = arith.extui %eq3A_30 : vector<128x1000xi1> to vector<128x1000xi32>
    %convert_element_type3A_32 = arith.sitofp %convert_element_type3A_31 : vector<128x1000xi32> to vector<128x1000xf32>
    %get3A_33 = arith.constant 0 : index
    %get3A_34 = arith.constant 0 : index
    %get3A_35 = vector.load %arg10[%get3A_33, %get3A_34] : memref<128x128xf32, #tpu.memory_space<vmem>>, vector<128x128xf32>
    %dot_general3A = arith.constant dense<0.000000e+00> : vector<128x128xf32>
    %dot_general3A_36 = tpu.matmul %convert_element_type3A_32, %add3A_22, %dot_general3A {dimension_numbers = #tpu.dot_dimension_numbers<[1], [0], [0], [1], [0, 0, 1, 1], [], []>, transpose_lhs_hint = false} : vector<128x1000xf32>, vector<1000x128xf32>, vector<128x128xf32> -> vector<128x128xf32>
    %add3A_37 = arith.addf %get3A_35, %dot_general3A_36 : vector<128x128xf32>
    %swap3A = arith.constant 0 : index
    %swap3A_38 = arith.constant 0 : index
    %swap3A_39 = vector.load %arg10[%swap3A, %swap3A_38] : memref<128x128xf32, #tpu.memory_space<vmem>>, vector<128x128xf32>
    tpu.vector_store %arg10[%swap3A, %swap3A_38], %add3A_37 {strides = array<i32>} : memref<128x128xf32, #tpu.memory_space<vmem>>, vector<128x128xf32>,
    %broadcast_in_dim3A = arith.constant 1.000000e+00 : f32
    %broadcast_in_dim3A_40 = vector.broadcast %broadcast_in_dim3A : f32 to vector<1000x128xf32>
    %get3A_41 = arith.constant 0 : index
    %get3A_42 = arith.constant 0 : index
    %get3A_43 = vector.load %arg11[%get3A_41, %get3A_42] : memref<128x128xf32, #tpu.memory_space<vmem>>, vector<128x128xf32>
    %dot_general3A_44 = arith.constant dense<0.000000e+00> : vector<128x128xf32>
    %dot_general3A_45 = tpu.matmul %convert_element_type3A_32, %broadcast_in_dim3A_40, %dot_general3A_44 {dimension_numbers = #tpu.dot_dimension_numbers<[1], [0], [0], [1], [0, 0, 1, 1], [], []>, transpose_lhs_hint = false} : vector<128x1000xf32>, vector<1000x128xf32>, vector<128x128xf32> -> vector<128x128xf32>
    %add3A_46 = arith.addf %get3A_43, %dot_general3A_45 : vector<128x128xf32>
    %swap3A_47 = arith.constant 0 : index
    %swap3A_48 = arith.constant 0 : index
    %swap3A_49 = vector.load %arg11[%swap3A_47, %swap3A_48] : memref<128x128xf32, #tpu.memory_space<vmem>>, vector<128x128xf32>
    tpu.vector_store %arg11[%swap3A_47, %swap3A_48], %add3A_46 {strides = array<i32>} : memref<128x128xf32, #tpu.memory_space<vmem>>, vector<128x128xf32>,
    %eq3A_50 = arith.constant 9 : i32
    %eq3A_51 = arith.cmpi eq, %arg0, %eq3A_50 : i32
    %convert_element_type3A_52 = arith.extui %eq3A_51 : i1 to i32
    %cond3A_53 = arith.constant 0 : i32
    %cond3A_54 = arith.cmpi ne, %convert_element_type3A_52, %cond3A_53 : i32
    scf.if %cond3A_54 {
      %get3A_55 = arith.constant 0 : index
      %get3A_56 = arith.constant 0 : index
      %get3A_57 = vector.load %arg10[%get3A_55, %get3A_56] : memref<128x128xf32, #tpu.memory_space<vmem>>, vector<128x128xf32>
      %get3A_58 = arith.constant 0 : index
      %get3A_59 = arith.constant 0 : index
      %get3A_60 = vector.load %arg11[%get3A_58, %get3A_59] : memref<128x128xf32, #tpu.memory_space<vmem>>, vector<128x128xf32>
      %max3A = arith.constant 1.000000e+00 : f32
      %max3A_61 = vector.broadcast %max3A : f32 to vector<128x128xf32>
      %max3A_62 = arith.maximumf %get3A_60, %max3A_61 : vector<128x128xf32>
      %div3A = arith.divf %get3A_57, %max3A_62 : vector<128x128xf32>
      %get3A_63 = arith.constant 0 : index
      %get3A_64 = arith.constant 0 : index
      %get3A_65 = vector.load %arg7[%get3A_63, %get3A_64] : memref<128x10xf32, #tpu.memory_space<vmem>>, vector<128x10xf32>
      %dot_general3A_66 = arith.constant dense<0.000000e+00> : vector<128x10xf32>
      %dot_general3A_67 = tpu.matmul %div3A, %get3A_65, %dot_general3A_66 {dimension_numbers = #tpu.dot_dimension_numbers<[1], [0], [0], [1], [0, 0, 1, 1], [], []>, transpose_lhs_hint = false} : vector<128x128xf32>, vector<128x10xf32>, vector<128x10xf32> -> vector<128x10xf32>
      %get3A_68 = arith.constant 0 : index
      %get3A_69 = arith.constant 0 : index
      %get3A_70 = vector.load %arg8[%get3A_68, %get3A_69] : memref<1x10xf32, #tpu.memory_space<vmem>>, vector<1x10xf32>
      %add3A_71 = vector.broadcast %get3A_70 : vector<1x10xf32> to vector<128x10xf32>
      %add3A_72 = arith.addf %dot_general3A_67, %add3A_71 : vector<128x10xf32>
      %swap3A_73 = arith.constant 0 : index
      %swap3A_74 = arith.constant 0 : index
      %swap3A_75 = vector.load %arg9[%swap3A_73, %swap3A_74] : memref<128x10xf32, #tpu.memory_space<vmem>>, vector<128x10xf32>
      tpu.vector_store %arg9[%swap3A_73, %swap3A_74], %add3A_72 {strides = array<i32>} : memref<128x10xf32, #tpu.memory_space<vmem>>, vector<128x10xf32>,
    } else {
    }
    return
  }
  func.func @transform_0(%arg0: i32) -> (i32, i32) {
    %c0_i32 = arith.constant 0 : i32
    %c0_i32_0 = arith.constant 0 : i32
    return %arg0, %c0_i32 : i32, i32
  }
  func.func @transform_1(%arg0: i32) -> (i32, i32) {
    %c0_i32 = arith.constant 0 : i32
    %c0_i32_0 = arith.constant 0 : i32
    return %arg0, %c0_i32 : i32, i32
  }
  func.func @transform_2(%arg0: i32) -> (i32, i32) {
    %c0_i32 = arith.constant 0 : i32
    %c0_i32_0 = arith.constant 0 : i32
    return %arg0, %c0_i32 : i32, i32
  }
  func.func @transform_3(%arg0: i32) -> (i32, i32) {
    %c0_i32 = arith.constant 0 : i32
    %c0_i32_0 = arith.constant 0 : i32
    return %arg0, %c0_i32 : i32, i32
  }
  func.func @transform_4(%arg0: i32) -> (i32, i32) {
    %c0_i32 = arith.constant 0 : i32
    %c0_i32_0 = arith.constant 0 : i32
    %c0_i32_1 = arith.constant 0 : i32
    return %c0_i32, %c0_i32_0 : i32, i32
  }
  func.func @transform_5(%arg0: i32) -> (i32, i32, i32) {
    %c0_i32 = arith.constant 0 : i32
    %c0_i32_0 = arith.constant 0 : i32
    %c0_i32_1 = arith.constant 0 : i32
    return %arg0, %c0_i32, %c0_i32_0 : i32, i32, i32
  }
  func.func @transform_6(%arg0: i32) -> (i32, i32) {
    %c0_i32 = arith.constant 0 : i32
    %c0_i32_0 = arith.constant 0 : i32
    %c0_i32_1 = arith.constant 0 : i32
    return %c0_i32, %c0_i32_0 : i32, i32
  }
  func.func @transform_7(%arg0: i32) -> (i32, i32) {
    %c0_i32 = arith.constant 0 : i32
    %c0_i32_0 = arith.constant 0 : i32
    %c0_i32_1 = arith.constant 0 : i32
    return %c0_i32, %c0_i32_0 : i32, i32
  }
  func.func @transform_8(%arg0: i32) -> (i32, i32) {
    %c0_i32 = arith.constant 0 : i32
    %c0_i32_0 = arith.constant 0 : i32
    %c0_i32_1 = arith.constant 0 : i32
    return %c0_i32, %c0_i32_0 : i32, i32
  }
  func.func @transform_9(%arg0: i32) -> (i32, i32) {
    %c0_i32 = arith.constant 0 : i32
    %c0_i32_0 = arith.constant 0 : i32
    %c0_i32_1 = arith.constant 0 : i32
    return %c0_i32, %c0_i32_0 : i32, i32
  }
  func.func @transform_10(%arg0: i32) -> (i32, i32) {
    %c0_i32 = arith.constant 0 : i32
    %c0_i32_0 = arith.constant 0 : i32
    %c0_i32_1 = arith.constant 0 : i32
    return %c0_i32, %c0_i32_0 : i32, i32
  }
}

</mosaic_0001>

<sc_bundles>
// kernel: _run.10.cloned.1.call-start
scs
__scs_entry_jumppad:
0x0: {  	(pc) =	sbr.rel $0x88, $3  }
0x1: {  	(tag) =	ssettag $0x0;
	lr =	simm.s32 $0x1  }
0x2: {  	[smem:$0x3F96] =	sst lr;
	_ =	strace $0xD0000000  }
0x3: {  	_ = 	snop  }
0x4: {  	_ = 	snop  }
0x5: {  	_ = 	snop  }
0x6: {  	_ = 	snop  }
0x7: {  	_ = 	snop  }
__scs_overlays_trampoline_lowered:
0x8: {  	[smem:$0x3FA5] =	sst s0  }
0x9: {  	[smem:$0x3FA6] =	sst s1  }
0xa: {  	[smem:$0x3FA7] =	sst s2  }
0xb: {  	[smem:$0x3FA8] =	sst s3  }
0xc: {  	[smem:$0x3FA9] =	sst s4  }
0xd: {  	[smem:$0x3FAA] =	sst s5  }
0xe: {  	[smem:$0x3FAB] =	sst s6  }
0xf: {  	[smem:$0x3FAC] =	sst s7  }
0x10: {  	[smem:$0x3FAD] =	sst s8  }
0x11: {  	[smem:$0x3FAE] =	sst s9;
	s0 =	simm.s32 @!p0 $0x0  }
0x12: {  	s1 =	sld [smem:$0x3F94];
	s0 =	simm.s32 @p0 $0x1  }
0x13: {  	[smem:$0x3FAF] =	sst s0;
	s0 =	simm.s32 @!p1 $0x0  }
0x14: {  	s2 =	sld [smem:$0x3F93];
	s0 =	simm.s32 @p1 $0x1  }
0x15: {  	[smem:$0x3FB0] =	sst s0;
	s0 =	simm.s32 @!p2 $0x0  }
0x16: {  	s3 =	sld [smem:$0x3FDB];
	s0 =	simm.s32 @p2 $0x1  }
0x17: {  	s4 =	simm.s32 $0x1BF5;
	[smem:$0x3FB2] =	sst s0  }
0x18: {  	s0 =	sld [smem:$0x3F95];
	_ =	swait.ge [sflag:s4], $0x0  }
0x19: {  	s7 =	sld [smem:$0x3F96]  }
0x1a: {  	s8 =	sadd.s32 $0xFFFFE003, lr  }
0x1b: {  	s9 =	sadd.s32 $0xFFFFFEF7, lr;
	s5 =	simm.s32 $0xFFFFFFFF;
	p2 =	slt.u32 s8, $0xFFFFF086  }
0x1c: {  	p1 =	slt.u32 s9, $0xF7A;
	s5 =	simm.s32 @!p2 $0x0  }
0x1d: {  	s5 =	simm.s32 @p1 $0x1;
	p0 =	seq.s32 s7, s2  }
0x1e: {  	s7 =	smul.u32 @!p0 $0xF7A, s2;
	p2 =	seq.s32 @!p0 s5, $0x0  }
0x1f: {  	s9 =	smul.u32 $0xF7A, s1;
	s8 =	simm.s32 @!p0 $0x1BF5;
	p2 =	por !p2, p0  }
0x20: {  	[sflag:s8] =	ssyncset.s32 @!p0 $0xFFFFF086;
	s6 =	sadd.s32 @!p0 s3, s7;
	s7 =	simm.s32 @!p0 $0x108  }
0x21: {  	s3 =	sadd.s32 s3, s9;
	s6 =	sadd.s32 @!p0 $0x88, s6;
	s7 =	simm.s32 @p2 $0x1082  }
0x22: {  	[simem:s7], [sflag:s8] =	dma.local @!p0 [hbm:s6], $0xF7A  }
0x23: {  	s9 =	sor.u32 $0xD0000000, s2;
	s6 =	simm.s32 $0x108;
	_ =	swait.ge @!p0 [sflag:s8], $0x0  }
0x24: {  	s3 =	sadd.s32 $0x88, s3;
	s6 =	simm.s32 @!p1 $0x1082;
	[sflag:s4] =	ssyncset.s32 $0xFFFFF086  }
0x25: {  	[simem:s6], [sflag:s4] =	dma.local [hbm:s3], $0xF7A  }
0x26: {  	[smem:$0x3F96] =	sst s1;
	(tag) =	ssettag s2;
	_ =	strace s9  }
0x27: {  	s1 =	sld [smem:$0x3FA6]  }
0x28: {  	s2 =	sld [smem:$0x3FA7]  }
0x29: {  	s4 =	sld [smem:$0x3FA9]  }
0x2a: {  	p0 =	seq.s32 s5, $0x0;
	s5 =	sld [smem:$0x3FAA]  }
0x2b: {  	s6 =	sld [smem:$0x3FAB]  }
0x2c: {  	s7 =	sld [smem:$0x3FAC]  }
0x2d: {  	s3 =	simm.s32 $0x108;
	s8 =	sld [smem:$0x3FAD]  }
0x2e: {  	s3 =	simm.s32 @!p0 $0x1082;
	s9 =	sld [smem:$0x3FAE]  }
0x2f: {  	lr =	sadd.s32 s0, s3;
	s0 =	sld [smem:$0x3FA5]  }
0x30: {  	s3 =	sld [smem:$0x3FA8]  }
0x31: {  	[smem:$0x3FB1] =	sst s10  }
0x32: {  	s10 =	sld [smem:$0x3FAF];
	_ =	sdelay $0x3  }
0x33: {  	p0 =	seq.s32 s10, $0x1;
	s10 =	sld [smem:$0x3FB1];
	_ =	sdelay $0x3  }
0x34: {  	[smem:$0x3FB1] =	sst s10  }
0x35: {  	s10 =	sld [smem:$0x3FB0];
	_ =	sdelay $0x3  }
0x36: {  	p1 =	seq.s32 s10, $0x1;
	s10 =	sld [smem:$0x3FB1];
	_ =	sdelay $0x3  }
0x37: {  	[smem:$0x3FB1] =	sst s10  }
0x38: {  	s10 =	sld [smem:$0x3FB2]  }
0x39: {  	_ = 	snop;
	(pc) =	sbr.ind lr, $3  }
0x3a: {  	_ = 	snop  }
0x3b: {  	_ = 	snop  }
0x3c: {  	p2 =	seq.s32 s10, $0x1;
	s10 =	sld [smem:$0x3FB1]  }
0x3d: {  	_ =	shalt  }
0x3e: {  	_ =	shalt  }
0x3f: {  	_ =	shalt  }
0x40: {  	_ =	shalt  }
0x41: {  	_ =	shalt  }
0x42: {  	_ =	shalt  }
0x43: {  	_ =	shalt  }
0x44: {  	_ =	shalt  }
0x45: {  	_ =	shalt  }
0x46: {  	_ =	shalt  }
0x47: {  	_ =	shalt  }
0x48: {  	_ =	shalt  }
0x49: {  	_ =	shalt  }
0x4a: {  	_ =	shalt  }
0x4b: {  	_ =	shalt  }
0x4c: {  	_ =	shalt  }
0x4d: {  	_ =	shalt  }
0x4e: {  	_ =	shalt  }
0x4f: {  	_ =	shalt  }
0x50: {  	_ =	shalt  }
0x51: {  	_ =	shalt  }
0x52: {  	_ =	shalt  }
0x53: {  	_ =	shalt  }
0x54: {  	_ =	shalt  }
0x55: {  	_ =	shalt  }
0x56: {  	_ =	shalt  }
0x57: {  	_ =	shalt  }
0x58: {  	_ =	shalt  }
0x59: {  	_ =	shalt  }
0x5a: {  	_ =	shalt  }
0x5b: {  	_ =	shalt  }
0x5c: {  	_ =	shalt  }
0x5d: {  	_ =	shalt  }
0x5e: {  	_ =	shalt  }
0x5f: {  	_ =	shalt  }
0x60: {  	_ =	shalt  }
0x61: {  	_ =	shalt  }
0x62: {  	_ =	shalt  }
0x63: {  	_ =	shalt  }
0x64: {  	_ =	shalt  }
0x65: {  	_ =	shalt  }
0x66: {  	_ =	shalt  }
0x67: {  	_ =	shalt  }
0x68: {  	_ =	shalt  }
0x69: {  	_ =	shalt  }
0x6a: {  	_ =	shalt  }
0x6b: {  	_ =	shalt  }
0x6c: {  	_ =	shalt  }
0x6d: {  	_ =	shalt  }
0x6e: {  	_ =	shalt  }
0x6f: {  	_ =	shalt  }
0x70: {  	_ =	shalt  }
0x71: {  	_ =	shalt  }
0x72: {  	_ =	shalt  }
0x73: {  	_ =	shalt  }
0x74: {  	_ =	shalt  }
0x75: {  	_ =	shalt  }
0x76: {  	_ =	shalt  }
0x77: {  	_ =	shalt  }
0x78: {  	_ =	shalt  }
0x79: {  	_ =	shalt  }
0x7a: {  	_ =	shalt  }
0x7b: {  	_ =	shalt  }
0x7c: {  	_ =	shalt  }
0x7d: {  	_ =	shalt  }
0x7e: {  	_ =	shalt  }
0x7f: {  	_ =	shalt  }
0x80: {  	_ =	shalt  }
0x81: {  	_ =	shalt  }
0x82: {  	_ =	shalt  }
0x83: {  	_ =	shalt  }
0x84: {  	_ =	shalt  }
0x85: {  	_ =	shalt  }
0x86: {  	_ =	shalt  }
0x87: {  	_ =	shalt  }
.Lfunc_end0:
.L_simem_size_0:
called_computation_lowered:
.L_overlay_start_0:
0x88: {  	s2 =	sld [smem:$0x3FD9]  }
0x89: {  	s3 =	sld [smem:$0x3FFE];
	_ =	sdelay $0x1  }
0x8a: {  	s1 =	srdreg.scid  }
0x8b: {  	s0 =	sand.u32 $0x1, s1  }
0x8c: {  	s16 =	sshll.u32 s0, $0xA;
	s2 =	sadd.s32 s3, s2  }
0x8d: {  	s2 =	sadd.s32 s2, s16  }
0x8e: {  	[smem:$0x3FBD] =	sst s2  }
0x8f: {  	_ = 	snop  }
0x90: {  	(tm) =	ssettm $0x1  }
0x91: {  	s17 =	sld [smem:$0x3FFB];
	_ =	sdelay $0x3  }
0x92: {  	_ =	strace s17  }
0x93: {  	s2 =	sld [smem:$0x3FFC];
	_ =	sdelay $0x3  }
0x94: {  	_ =	strace s2  }
0x95: {  	s2 =	sld [smem:$0x3FFD];
	_ =	sdelay $0x3  }
0x96: {  	_ =	strace s2  }
0x97: {  	_ =	strace $0x8FFFFFFF  }
0x98: {  	s18 =	sld [smem:$0x3FDB];
	_ =	sdelay $0x1  }
0x99: {  	s19 =	simm.s32 $_scs_section_size  }
0x9a: {  	s4 =	simm.s32 $_size__tile_overlayer_lowered;
	s5 =	simm.s32 $_tile_overlayer_lowered  }
0x9b: {  	s22 =	simm.s32 $0x1BFF;
	s21 =	sshll.u32 s5, $0x1;
	s2 =	sadd.s32 s19, s18  }
0x9c: {  	s6 =	simm.s32 $0x0;
	s20 =	sshll.u32 s4, $0x1;
	s4 =	sadd.s32 s21, s2  }
0x9d: {  	[timem:s6], [sflag:s22] =	dma.local [hbm:s4], s20  }
0x9e: {  	_ =	swait.ge [sflag:s22], s20  }
0x9f: {  	s3 =	ssub.s32 $0x0, s20;
	[sflag:s22] =	ssyncset.done $0x0  }
0xa0: {  	[sflag:s22] =	ssyncadd.s32 s3;
	_ =	sdelay $0x1  }
0xa1: {  	s23 =	simm.s32 $0x1B8B  }
0xa2: {  	_ =	swait.ge [sflag:s23], $0x1  }
0xa3: {  	[sflag:s23] =	ssyncset.done $0x0  }
0xa4: {  	s25 =	simm.s32 $0x1B8E;
	s24 =	sld [smem:$0x3FFE];
	[sflag:s23] =	ssyncadd.s32 $0xFFFFFFFF  }
0xa5: {  	s26 =	simm.s32 $execute0_lowered;
	[smem:$0x3FD2] =	sst s25  }
0xa6: {  	s4 =	sshll.u32 s26, $0x1;
	_ =	strace $0x80000046;
	[dreg:$0x1] =	wrdreg $0xFFFFFFFF  }
0xa7: {  	s28 =	simm.s32 $_size_execute0_lowered;
	s2 =	sadd.s32 s2, s4;
	[dreg:$0x0] =	wrdreg $0x0  }
0xa8: {  	s4 =	sshll.u32 s28, $0x1;
	[dreg:$0x2] =	wrdreg s2  }
0xa9: {  	[dreg:$0x3] =	wrdreg s4  }
0xaa: {  	[dreg:$0x4] =	wrdreg $0xC0  }
0xab: {  	_ =	task [dreg:s6], $0x5FFFF  }
0xac: {  	[dreg:$0x1] =	wrdreg $0xFFFFFFFF  }
0xad: {  	[dreg:$0x0] =	wrdreg $0x60  }
0xae: {  	[dreg:$0x2] =	wrdreg s24  }
0xaf: {  	[dreg:$0x3] =	wrdreg $0x68000  }
0xb0: {  	[dreg:$0x4] =	wrdreg $0x9  }
0xb1: {  	_ =	task.clear_ibuf [dreg:s6], $0x5FFFF;
	_ =	strace $0x90000046  }
0xb2: {  	s29 =	simm.s32 $0x9;
	_ =	strace $0x80000048  }
0xb3: {  	_ =	swait.ge [sflag:s29], $0x1  }
0xb4: {  	[sflag:s29] =	ssyncadd.s32 $0xFFFFFFFF  }
0xb5: {  	_ =	strace $0x90000048  }
0xb6: {  	_ =	sfence  }
0xb7: {  	s30 =	sld [smem:$0x0];
	_ =	sdelay $0x2  }
0xb8: {  	s31 =	sshll.u32 s1, $0xD;
	s1 =	sshrl.u32 s1, $0x2  }
0xb9: {  	s3 =	sand.u32 $0x4000, s31;
	s1 =	sadd.s32 s1, s30  }
0xba: {  	s0 =	sor.u32 s3, s0;
	s1 =	sshll.u32 s1, $0x11  }
0xbb: {  	s0 =	sor.u32 s1, s0  }
0xbc: {  	s0 =	sadd.s32 $0x8F2B, s0  }
0xbd: {  	[sflag:s0] =	ssyncadd.remote.s32 $0x1  }
0xbe: {  	_ =	sfence.sel $0xFFFF  }
0xbf: {  	[dreg:$0x0] =	wrdreg $0xFFFFFFFF;
	(pc) =	sbr.abs _section_cstart, $3  }
0xc0: {  	[dreg:$0x1] =	wrdreg $0xFFFFFFFF  }
0xc1: {  	_ =	task.clear_ibuf [dreg:s6], $0x2FFFF;
	_ =	strace $0x9FFFFFFF  }
0xc2: {  	(tm) =	ssettm $0x7FFFFFFF  }
0xc3: {  	_ =	shalt  }
tec
execute0_lowered:
.L_overlay_start_1:
0x0: {  	(tag) =	ssettag $0x1  }
0x1: {  	s6 =	rddreg [dreg:$0x0]  }
0x2: {  	s0 =	srdreg.scid;
	s2 =	rddreg [dreg:$0x1]  }
0x3: {  	s3 =	simm.s32 $0x0;
	s16 =	simm.s32 $0x80;
	s17 =	simm.s32 $0x4080  }
0x4: {  	s18 =	simm.s32 $0x2;
	s5 =	sand.u32 $0x1, s0;
	s0 =	stileid.u32  }
0x5: {  	s19 =	simm.s32 $0x1;
	s20 =	simm.s32 $0x0;
	s7 =	smul.u32 $0x2780, s0  }
0x6: {  	[smem:$0x7FF] =	sst s3;
	s11 =	sadd.s32 $0x35600, s6;
	s10 =	smul.u32 $0x4F000, s0  }
0x7: {  	s15 =	sadd.s32 $0x128400, s2;
	s1 =	sshll.u32 s5, $0x4;
	s13 =	smul.u32 $0x138800, s5  }
0x8: {  	s9 =	ssub.s32 $0x2, s5;
	s28 =	smul.u32 $0x13C00, s0;
	p0 =	seq.s32 s0, $0xF  }
0x9: {  	s4 =	sor.u32 s0, s1;
	s1 =	rddreg [dreg:$0x2];
	_ =	strace $0x80000047  }
0xa: {  	s12 =	sshrl.u32 s9, $0x1;
	s4 =	smul.u32 $0x500, s4;
	s7 =	sadd.s32 s7, s6  }
0xb: {  	s12 =	ssub.s32 s9, s12;
	s26 =	sshrl.u32 s10, $0x2;
	s9 =	sadd.s32 s28, s13  }
0xc: {  	s29 =	sshrl.u32 s13, $0x3;
	s14 =	sadd.s32 s26, s2;
	s5 =	sadd.s32 $0xDC00, s7  }
0xd: {  	s30 =	sshrl.u32 s9, $0x3;
	s31 =	sadd.s32 s11, s29;
	s10 =	smax.u32 s12, $0x1  }
0xe: {  	s12 =	sshll.u32 @!p0 s0, $0x6;
	s8 =	sadd.s32 s4, s6;
	s4 =	sadd.s32 $0x34E00, s6  }
0xf: {  	s6 =	sadd.s32 $0x32C80, s6;
	s9 =	sadd.s32 $0x25080, s31;
	s12 =	sor.u32 @!p0 $0x1C03, s12  }
0x10: {  	s13 =	sshrl.u32 @!p0 s14, $0x3;
	s14 =	simm.s32 $0x3;
	s7 =	sadd.s32 $0x3C00, s8  }
0x11: {  	s8 =	sadd.s32 s11, s30;
	s11 =	sshrl.u32 @p0 s15, $0x3;
	s15 =	simm.s32 $0x4000  }
.LBB2_1:
0x12: {  	s21 =	simm.s32 @p0 $0x1FC3  }
0x13: {  	[spmem:s11], [sflag:s21] =	dma.local @p0 [hbm:s6], $0x2080  }
0x14: {  	s21 =	simm.s32 @p0 $0x3  }
0x15: {  	_ =	swait.ge @p0 [sflag:s21], $0x2080  }
0x16: {  	[sflag:s21] =	ssyncset.done @p0 $0x0  }
0x17: {  	[sflag:s21] =	ssyncadd.s32 @p0 $0xFFFFDF80;
	s21 =	simm.s32 @!p0 $0x3  }
0x18: {  	[spmem:s13], [sflag:s12] =	dma.local @!p0 [hbm:s5], $0x2780  }
0x19: {  	_ =	swait.ge @!p0 [sflag:s21], $0x2780  }
0x1a: {  	[sflag:s21] =	ssyncset.done @!p0 $0x0  }
0x1b: {  	[sflag:s21] =	ssyncadd.s32 @!p0 $0xFFFFD880  }
0x1c: {  	[tilespmem:s3], [sflag:$0x3] =	stream.linear.gather [hbm4b:s4+s3], $0x4000, $0x38;
	[tilespmem:$0x1A100] =	vst v63  }
0x1d: {  	_ =	swait.ge [sflag:s14], $0x4000  }
0x1e: {  	[sflag:s14] =	ssyncset.done $0x0  }
0x1f: {  	[sflag:s14] =	ssyncadd.s32 $0xFFFFC000  }
0x20: {  	[bflag:$0x0] =	sbarrier.arrive $0xFFFF  }
0x21: {  	[tilespmem:s15], [sflag:$0x3] =	stream.linear.gather [hbm4b:s7+s3], $0x2800, $0x38;
	[tilespmem:$0x1A100] =	vst v63  }
0x22: {  	_ =	swait.ge [sflag:s14], $0x2800  }
0x23: {  	s31 =	sand.u32 $0x1, s18;
	[sflag:s14] =	ssyncset.done $0x0  }
0x24: {  	s23 =	simm.s32 $0x2;
	p1 =	seq.s32 s31, $0x1;
	[sflag:s14] =	ssyncadd.s32 $0xFFFFD800  }
0x25: {  	[spmem:s2] =	stream.indirect.scatter.add.f32 [tilespmem:s3], [sflag:$0x1], $0x80, s15, s16, $0xb8;
	[tilespmem:$0x1A100] =	vst v63  }
0x26: {  	s22 =	simm.s32 $0x3;
	s23 =	simm.s32 @!p1 $0x1  }
0x27: {  	[spmem:s2] =	stream.indirect.scatter.add.f32 [tilespmem:s3], [sflag:$0x2], $0x80, s17, s16, $0xb8;
	[tilespmem:$0x1A100] =	vst v63  }
0x28: {  	s22 =	sand.u32 $0x1, s22;
	_ =	swait.ge [sflag:s23], $0x4000  }
0x29: {  	p1 =	seq.s32 s22, $0x1;
	s22 =	simm.s32 $0x2;
	[sflag:s23] =	ssyncset.done $0x0  }
0x2a: {  	s22 =	simm.s32 @!p1 $0x1;
	s21 =	simm.s32 $0x4100;
	[sflag:s23] =	ssyncadd.s32 $0xFFFFC000  }
0x2b: {  	[spmem:s2] =	stream.indirect.scatter.add.f32 [tilespmem:s3], [sflag:s23], $0x80, s21, s16, $0xb8;
	[tilespmem:$0x1A100] =	vst v63  }
0x2c: {  	s23 =	simm.s32 $0x4;
	_ =	swait.ge [sflag:s22], $0x4000  }
.LBB2_2:
0x2d: {  	s24 =	sand.u32 $0x1, s23  }
0x2e: {  	p1 =	seq.s32 s24, $0x1;
	s24 =	simm.s32 $0x2  }
0x2f: {  	s24 =	simm.s32 @!p1 $0x1;
	p1 =	sne.s32 s23, $0x4F  }
.Ltmp0:
0x30: {  	[sflag:s22] =	ssyncset.done $0x0;
	(pc) =	sbr.rel @p1 .LBB2_2-.Ltmp0, $4  }
0x31: {  	s21 =	sadd.s32 $0x80, s21;
	[sflag:s22] =	ssyncadd.s32 $0xFFFFC000  }
0x32: {  	[spmem:s2] =	stream.indirect.scatter.add.f32 [tilespmem:s3], [sflag:s22], $0x80, s21, s16, $0xb8;
	[tilespmem:$0x1A100] =	vst v63  }
0x33: {  	s22 =	smov.u32 s24;
	_ =	swait.ge [sflag:s24], $0x4000  }
0x34: {  	s23 =	sadd.s32 $0x1, s23  }
0x35: {  	[sflag:s22] =	ssyncset.done $0x0  }
0x36: {  	s21 =	sadd.s32 $0x80, s21;
	[sflag:s22] =	ssyncadd.s32 $0xFFFFC000  }
0x37: {  	[spmem:s2] =	stream.indirect.scatter.add.f32 [tilespmem:s3], [sflag:s22], $0x80, s21, s16, $0xb8;
	[tilespmem:$0x1A100] =	vst v63  }
0x38: {  	_ =	swait.ge [sflag:s19], $0x4000  }
0x39: {  	[sflag:s19] =	ssyncset.done $0x0  }
0x3a: {  	[sflag:s19] =	ssyncadd.s32 $0xFFFFC000  }
0x3b: {  	_ =	swait.ge [sflag:s18], $0x4000  }
0x3c: {  	[sflag:s18] =	ssyncset.done $0x0  }
0x3d: {  	[sflag:s18] =	ssyncadd.s32 $0xFFFFC000  }
0x3e: {  	s21 =	simm.s32 @p0 $0x1FC3;
	[bflag:$0x0] =	sbarrier.arrive $0xFFFF  }
0x3f: {  	[hbm:s9], [sflag:s21] =	dma.local @p0 [spmem:s11], $0x2080  }
0x40: {  	s21 =	simm.s32 @p0 $0x3  }
0x41: {  	s20 =	sadd.s32 $0x1, s20;
	_ =	swait.ge @p0 [sflag:s21], $0x2080  }
0x42: {  	p1 =	sne.s32 s20, s10;
	[sflag:s21] =	ssyncset.done @p0 $0x0  }
.Ltmp1:
0x43: {  	[sflag:s21] =	ssyncadd.s32 @p0 $0xFFFFDF80;
	s21 =	simm.s32 @!p0 $0x3;
	(pc) =	sbr.rel @p1 .LBB2_1-.Ltmp1, $4  }
0x44: {  	[hbm:s8], [sflag:s12] =	dma.local @!p0 [spmem:s13], $0x2780  }
0x45: {  	_ =	swait.ge @!p0 [sflag:s21], $0x2780  }
0x46: {  	[sflag:s21] =	ssyncset.done @!p0 $0x0  }
0x47: {  	[sflag:s21] =	ssyncadd.s32 @!p0 $0xFFFFD880  }
0x48: {  	_ =	sfence.sel $0x180000  }
0x49: {  	[bflag:$0x0] =	sbarrier.arrive $0xFFFF  }
0x4a: {  	p0 =	sne.s32 s0, $0x0;
	_ =	strace $0x90000047  }
0x4b: {  	s0 =	sadd.s32 @!p0 $0x100000, s1;
	[bflag:$0x2] =	sbarrier.arrive $0xFFFF  }
0x4c: {  	[sflag:s0] =	ssyncadd.tile.s32 @!p0 $0x1;
	_ =	shalt  }
.Lfunc_end2:
_tile_overlayer_lowered:
.L_overlay_start_2:
0x4d: {  	(tag) =	ssettag $0x2  }
0x4e: {  	s0 =	rddreg [dreg:$0x0];
	s2 =	stileid.u32  }
0x4f: {  	s1 =	rddreg [dreg:$0x1];
	p0 =	sne.s32 s2, $0x0  }
0x50: {  	s3 =	rddreg [dreg:$0x2];
	[bflag:$0x3] =	sbarrier.arrive $0xFFFF;
	s2 =	simm.s32 @!p0 $0x1C03  }
0x51: {  	[timem:s3], [sflag:s2] =	dma.local @!p0 [hbm:s0], s1  }
0x52: {  	s0 =	simm.s32 @!p0 $0x3  }
0x53: {  	_ =	swait.ge @!p0 [sflag:s0], s1  }
0x54: {  	s1 =	ssub.s32 @!p0 $0x0, s1;
	[sflag:s0] =	ssyncset.done @!p0 $0x0  }
0x55: {  	[sflag:s0] =	ssyncadd.s32 @!p0 s1  }
0x56: {  	[bflag:$0x3] =	sbarrier.arrive $0xFFFF  }
0x57: {  	_ =	shalt  }

// kernel: _run.13.cloned.1.call-start
scs
__scs_entry_jumppad:
0x0: {  	(pc) =	sbr.rel $0x88, $3  }
0x1: {  	(tag) =	ssettag $0x0;
	lr =	simm.s32 $0x1  }
0x2: {  	[smem:$0x3F96] =	sst lr;
	_ =	strace $0xD0000000  }
0x3: {  	_ = 	snop  }
0x4: {  	_ = 	snop  }
0x5: {  	_ = 	snop  }
0x6: {  	_ = 	snop  }
0x7: {  	_ = 	snop  }
__scs_overlays_trampoline_lowered:
0x8: {  	[smem:$0x3FA5] =	sst s0  }
0x9: {  	[smem:$0x3FA6] =	sst s1  }
0xa: {  	[smem:$0x3FA7] =	sst s2  }
0xb: {  	[smem:$0x3FA8] =	sst s3  }
0xc: {  	[smem:$0x3FA9] =	sst s4  }
0xd: {  	[smem:$0x3FAA] =	sst s5  }
0xe: {  	[smem:$0x3FAB] =	sst s6  }
0xf: {  	[smem:$0x3FAC] =	sst s7  }
0x10: {  	[smem:$0x3FAD] =	sst s8  }
0x11: {  	[smem:$0x3FAE] =	sst s9;
	s0 =	simm.s32 @!p0 $0x0  }
0x12: {  	s1 =	sld [smem:$0x3F94];
	s0 =	simm.s32 @p0 $0x1  }
0x13: {  	[smem:$0x3FAF] =	sst s0;
	s0 =	simm.s32 @!p1 $0x0  }
0x14: {  	s2 =	sld [smem:$0x3F93];
	s0 =	simm.s32 @p1 $0x1  }
0x15: {  	[smem:$0x3FB0] =	sst s0;
	s0 =	simm.s32 @!p2 $0x0  }
0x16: {  	s3 =	sld [smem:$0x3FDB];
	s0 =	simm.s32 @p2 $0x1  }
0x17: {  	s4 =	simm.s32 $0x1BF5;
	[smem:$0x3FB2] =	sst s0  }
0x18: {  	s0 =	sld [smem:$0x3F95];
	_ =	swait.ge [sflag:s4], $0x0  }
0x19: {  	s7 =	sld [smem:$0x3F96]  }
0x1a: {  	s8 =	sadd.s32 $0xFFFFE003, lr  }
0x1b: {  	s9 =	sadd.s32 $0xFFFFFEF7, lr;
	s5 =	simm.s32 $0xFFFFFFFF;
	p2 =	slt.u32 s8, $0xFFFFF086  }
0x1c: {  	p1 =	slt.u32 s9, $0xF7A;
	s5 =	simm.s32 @!p2 $0x0  }
0x1d: {  	s5 =	simm.s32 @p1 $0x1;
	p0 =	seq.s32 s7, s2  }
0x1e: {  	s7 =	smul.u32 @!p0 $0xF7A, s2;
	p2 =	seq.s32 @!p0 s5, $0x0  }
0x1f: {  	s9 =	smul.u32 $0xF7A, s1;
	s8 =	simm.s32 @!p0 $0x1BF5;
	p2 =	por !p2, p0  }
0x20: {  	[sflag:s8] =	ssyncset.s32 @!p0 $0xFFFFF086;
	s6 =	sadd.s32 @!p0 s3, s7;
	s7 =	simm.s32 @!p0 $0x108  }
0x21: {  	s3 =	sadd.s32 s3, s9;
	s6 =	sadd.s32 @!p0 $0x88, s6;
	s7 =	simm.s32 @p2 $0x1082  }
0x22: {  	[simem:s7], [sflag:s8] =	dma.local @!p0 [hbm:s6], $0xF7A  }
0x23: {  	s9 =	sor.u32 $0xD0000000, s2;
	s6 =	simm.s32 $0x108;
	_ =	swait.ge @!p0 [sflag:s8], $0x0  }
0x24: {  	s3 =	sadd.s32 $0x88, s3;
	s6 =	simm.s32 @!p1 $0x1082;
	[sflag:s4] =	ssyncset.s32 $0xFFFFF086  }
0x25: {  	[simem:s6], [sflag:s4] =	dma.local [hbm:s3], $0xF7A  }
0x26: {  	[smem:$0x3F96] =	sst s1;
	(tag) =	ssettag s2;
	_ =	strace s9  }
0x27: {  	s1 =	sld [smem:$0x3FA6]  }
0x28: {  	s2 =	sld [smem:$0x3FA7]  }
0x29: {  	s4 =	sld [smem:$0x3FA9]  }
0x2a: {  	p0 =	seq.s32 s5, $0x0;
	s5 =	sld [smem:$0x3FAA]  }
0x2b: {  	s6 =	sld [smem:$0x3FAB]  }
0x2c: {  	s7 =	sld [smem:$0x3FAC]  }
0x2d: {  	s3 =	simm.s32 $0x108;
	s8 =	sld [smem:$0x3FAD]  }
0x2e: {  	s3 =	simm.s32 @!p0 $0x1082;
	s9 =	sld [smem:$0x3FAE]  }
0x2f: {  	lr =	sadd.s32 s0, s3;
	s0 =	sld [smem:$0x3FA5]  }
0x30: {  	s3 =	sld [smem:$0x3FA8]  }
0x31: {  	[smem:$0x3FB1] =	sst s10  }
0x32: {  	s10 =	sld [smem:$0x3FAF];
	_ =	sdelay $0x3  }
0x33: {  	p0 =	seq.s32 s10, $0x1;
	s10 =	sld [smem:$0x3FB1];
	_ =	sdelay $0x3  }
0x34: {  	[smem:$0x3FB1] =	sst s10  }
0x35: {  	s10 =	sld [smem:$0x3FB0];
	_ =	sdelay $0x3  }
0x36: {  	p1 =	seq.s32 s10, $0x1;
	s10 =	sld [smem:$0x3FB1];
	_ =	sdelay $0x3  }
0x37: {  	[smem:$0x3FB1] =	sst s10  }
0x38: {  	s10 =	sld [smem:$0x3FB2]  }
0x39: {  	_ = 	snop;
	(pc) =	sbr.ind lr, $3  }
0x3a: {  	_ = 	snop  }
0x3b: {  	_ = 	snop  }
0x3c: {  	p2 =	seq.s32 s10, $0x1;
	s10 =	sld [smem:$0x3FB1]  }
0x3d: {  	_ =	shalt  }
0x3e: {  	_ =	shalt  }
0x3f: {  	_ =	shalt  }
0x40: {  	_ =	shalt  }
0x41: {  	_ =	shalt  }
0x42: {  	_ =	shalt  }
0x43: {  	_ =	shalt  }
0x44: {  	_ =	shalt  }
0x45: {  	_ =	shalt  }
0x46: {  	_ =	shalt  }
0x47: {  	_ =	shalt  }
0x48: {  	_ =	shalt  }
0x49: {  	_ =	shalt  }
0x4a: {  	_ =	shalt  }
0x4b: {  	_ =	shalt  }
0x4c: {  	_ =	shalt  }
0x4d: {  	_ =	shalt  }
0x4e: {  	_ =	shalt  }
0x4f: {  	_ =	shalt  }
0x50: {  	_ =	shalt  }
0x51: {  	_ =	shalt  }
0x52: {  	_ =	shalt  }
0x53: {  	_ =	shalt  }
0x54: {  	_ =	shalt  }
0x55: {  	_ =	shalt  }
0x56: {  	_ =	shalt  }
0x57: {  	_ =	shalt  }
0x58: {  	_ =	shalt  }
0x59: {  	_ =	shalt  }
0x5a: {  	_ =	shalt  }
0x5b: {  	_ =	shalt  }
0x5c: {  	_ =	shalt  }
0x5d: {  	_ =	shalt  }
0x5e: {  	_ =	shalt  }
0x5f: {  	_ =	shalt  }
0x60: {  	_ =	shalt  }
0x61: {  	_ =	shalt  }
0x62: {  	_ =	shalt  }
0x63: {  	_ =	shalt  }
0x64: {  	_ =	shalt  }
0x65: {  	_ =	shalt  }
0x66: {  	_ =	shalt  }
0x67: {  	_ =	shalt  }
0x68: {  	_ =	shalt  }
0x69: {  	_ =	shalt  }
0x6a: {  	_ =	shalt  }
0x6b: {  	_ =	shalt  }
0x6c: {  	_ =	shalt  }
0x6d: {  	_ =	shalt  }
0x6e: {  	_ =	shalt  }
0x6f: {  	_ =	shalt  }
0x70: {  	_ =	shalt  }
0x71: {  	_ =	shalt  }
0x72: {  	_ =	shalt  }
0x73: {  	_ =	shalt  }
0x74: {  	_ =	shalt  }
0x75: {  	_ =	shalt  }
0x76: {  	_ =	shalt  }
0x77: {  	_ =	shalt  }
0x78: {  	_ =	shalt  }
0x79: {  	_ =	shalt  }
0x7a: {  	_ =	shalt  }
0x7b: {  	_ =	shalt  }
0x7c: {  	_ =	shalt  }
0x7d: {  	_ =	shalt  }
0x7e: {  	_ =	shalt  }
0x7f: {  	_ =	shalt  }
0x80: {  	_ =	shalt  }
0x81: {  	_ =	shalt  }
0x82: {  	_ =	shalt  }
0x83: {  	_ =	shalt  }
0x84: {  	_ =	shalt  }
0x85: {  	_ =	shalt  }
0x86: {  	_ =	shalt  }
0x87: {  	_ =	shalt  }
.Lfunc_end0:
.L_simem_size_0:
called_computation.1_lowered:
.L_overlay_start_0:
0x88: {  	s2 =	sld [smem:$0x3FD9]  }
0x89: {  	s3 =	sld [smem:$0x3FFE];
	_ =	sdelay $0x1  }
0x8a: {  	s1 =	srdreg.scid  }
0x8b: {  	s0 =	sand.u32 $0x1, s1  }
0x8c: {  	s16 =	sshll.u32 s0, $0xA;
	s2 =	sadd.s32 s3, s2  }
0x8d: {  	s2 =	sadd.s32 s2, s16  }
0x8e: {  	[smem:$0x3FBD] =	sst s2  }
0x8f: {  	_ = 	snop  }
0x90: {  	(tm) =	ssettm $0x1  }
0x91: {  	s17 =	sld [smem:$0x3FFB];
	_ =	sdelay $0x3  }
0x92: {  	_ =	strace s17  }
0x93: {  	s2 =	sld [smem:$0x3FFC];
	_ =	sdelay $0x3  }
0x94: {  	_ =	strace s2  }
0x95: {  	s2 =	sld [smem:$0x3FFD];
	_ =	sdelay $0x3  }
0x96: {  	_ =	strace s2  }
0x97: {  	_ =	strace $0x8FFFFFFF  }
0x98: {  	s18 =	sld [smem:$0x3FDB];
	_ =	sdelay $0x1  }
0x99: {  	s19 =	simm.s32 $_scs_section_size  }
0x9a: {  	s4 =	simm.s32 $_size__tile_overlayer_lowered;
	s5 =	simm.s32 $_tile_overlayer_lowered  }
0x9b: {  	s22 =	simm.s32 $0x1BFF;
	s21 =	sshll.u32 s5, $0x1;
	s2 =	sadd.s32 s19, s18  }
0x9c: {  	s6 =	simm.s32 $0x0;
	s20 =	sshll.u32 s4, $0x1;
	s4 =	sadd.s32 s21, s2  }
0x9d: {  	[timem:s6], [sflag:s22] =	dma.local [hbm:s4], s20  }
0x9e: {  	_ =	swait.ge [sflag:s22], s20  }
0x9f: {  	s3 =	ssub.s32 $0x0, s20;
	[sflag:s22] =	ssyncset.done $0x0  }
0xa0: {  	[sflag:s22] =	ssyncadd.s32 s3;
	_ =	sdelay $0x1  }
0xa1: {  	s23 =	simm.s32 $0x1B8B  }
0xa2: {  	_ =	swait.ge [sflag:s23], $0x1  }
0xa3: {  	[sflag:s23] =	ssyncset.done $0x0  }
0xa4: {  	s25 =	simm.s32 $0x1B8E;
	s24 =	sld [smem:$0x3FFE];
	[sflag:s23] =	ssyncadd.s32 $0xFFFFFFFF  }
0xa5: {  	s26 =	simm.s32 $execute0_lowered;
	[smem:$0x3FD2] =	sst s25  }
0xa6: {  	s4 =	sshll.u32 s26, $0x1;
	_ =	strace $0x80000049;
	[dreg:$0x1] =	wrdreg $0xFFFFFFFF  }
0xa7: {  	s28 =	simm.s32 $_size_execute0_lowered;
	s2 =	sadd.s32 s2, s4;
	[dreg:$0x0] =	wrdreg $0x0  }
0xa8: {  	s4 =	sshll.u32 s28, $0x1;
	[dreg:$0x2] =	wrdreg s2  }
0xa9: {  	[dreg:$0x3] =	wrdreg s4  }
0xaa: {  	[dreg:$0x4] =	wrdreg $0xC0  }
0xab: {  	_ =	task [dreg:s6], $0x5FFFF  }
0xac: {  	[dreg:$0x1] =	wrdreg $0xFFFFFFFF  }
0xad: {  	[dreg:$0x0] =	wrdreg $0x60  }
0xae: {  	[dreg:$0x2] =	wrdreg s24  }
0xaf: {  	[dreg:$0x3] =	wrdreg $0xA9000  }
0xb0: {  	[dreg:$0x4] =	wrdreg $0x9  }
0xb1: {  	_ =	task.clear_ibuf [dreg:s6], $0x5FFFF;
	_ =	strace $0x90000049  }
0xb2: {  	s29 =	simm.s32 $0x9;
	_ =	strace $0x8000004B  }
0xb3: {  	_ =	swait.ge [sflag:s29], $0x1  }
0xb4: {  	[sflag:s29] =	ssyncadd.s32 $0xFFFFFFFF  }
0xb5: {  	_ =	strace $0x9000004B  }
0xb6: {  	_ =	sfence  }
0xb7: {  	s30 =	sld [smem:$0x0];
	_ =	sdelay $0x2  }
0xb8: {  	s31 =	sshll.u32 s1, $0xD;
	s1 =	sshrl.u32 s1, $0x2  }
0xb9: {  	s3 =	sand.u32 $0x4000, s31;
	s1 =	sadd.s32 s1, s30  }
0xba: {  	s0 =	sor.u32 s3, s0;
	s1 =	sshll.u32 s1, $0x11  }
0xbb: {  	s0 =	sor.u32 s1, s0  }
0xbc: {  	s0 =	sadd.s32 $0x8F2B, s0  }
0xbd: {  	[sflag:s0] =	ssyncadd.remote.s32 $0x1  }
0xbe: {  	_ =	sfence.sel $0xFFFF  }
0xbf: {  	[dreg:$0x0] =	wrdreg $0xFFFFFFFF;
	(pc) =	sbr.abs _section_cstart, $3  }
0xc0: {  	[dreg:$0x1] =	wrdreg $0xFFFFFFFF  }
0xc1: {  	_ =	task.clear_ibuf [dreg:s6], $0x2FFFF;
	_ =	strace $0x9FFFFFFF  }
0xc2: {  	(tm) =	ssettm $0x7FFFFFFF  }
0xc3: {  	_ =	shalt  }
tec
execute0_lowered:
.L_overlay_start_1:
0x0: {  	(tag) =	ssettag $0x1  }
0x1: {  	s0 =	srdreg.scid;
	s1 =	rddreg [dreg:$0x0]  }
0x2: {  	s2 =	rddreg [dreg:$0x1];
	s10 =	stileid.u32  }
0x3: {  	s3 =	simm.s32 $0x0;
	s28 =	simm.s32 $0x6900;
	s29 =	simm.s32 $0x4  }
0x4: {  	s30 =	simm.s32 $0x2;
	s31 =	simm.s32 $0x3;
	s0 =	sand.u32 $0x1, s0  }
0x5: {  	[smem:$0x7FF] =	sst s3;
	s6 =	sadd.s32 $0x83800, s1;
	s7 =	smul.u32 $0x2780, s10  }
0x6: {  	s14 =	sadd.s32 $0x8D800, s1;
	s17 =	sadd.s32 $0x81080, s1;
	s4 =	sshll.u32 s0, $0x4  }
0x7: {  	_ =	strace $0x8000004A;
	s9 =	ssub.s32 $0x2, s0;
	s16 =	smul.u32 $0x138800, s0  }
0x8: {  	[dreg:$0x4] =	wrdreg s17;
	s23 =	smul.u32 $0x28000, s0;
	p3 =	seq.s32 s0, $0x0  }
0x9: {  	s5 =	sor.u32 s10, s4;
	s10 =	smul.u32 $0x4F000, s10;
	s12 =	sshrl.u32 s9, $0x1  }
0xa: {  	s11 =	sadd.s32 s7, s1;
	s4 =	smul.u32 $0x500, s5;
	s9 =	ssub.s32 s9, s12  }
0xb: {  	s15 =	smul.u32 $0x2800, s5;
	s11 =	sadd.s32 $0xDC00, s11;
	s22 =	sshrl.u32 s16, $0x3  }
0xc: {  	s10 =	sshrl.u32 s10, $0x2;
	[dreg:$0x5] =	wrdreg s11;
	s11 =	stileid.u32  }
0xd: {  	s8 =	sadd.s32 s4, s1;
	s4 =	sadd.s32 $0x5C000, s1;
	s5 =	sadd.s32 s10, s2  }
0xe: {  	s18 =	sshrl.u32 s15, $0x3;
	s17 =	smul.u32 $0x13C00, s11;
	s1 =	sadd.s32 $0x32C80, s1  }
0xf: {  	p1 =	seq.s32 @p3 s11, $0xF;
	p4 =	seq.s32 @!p3 s11, $0xF;
	s7 =	sadd.s32 s4, s7  }
0x10: {  	s10 =	sadd.s32 s6, s18;
	[dreg:$0x6] =	wrdreg s1;
	s19 =	sadd.s32 $0x3C00, s8  }
0x11: {  	s8 =	sadd.s32 s14, s22;
	s18 =	smul.u32 $0x2800, s11;
	p0 =	por p1, !p3  }
0x12: {  	p1 =	por !p1, !p3;
	p2 =	por !p4, p3;
	p3 =	por p4, p3  }
0x13: {  	s22 =	simm.s32 $0x100;
	p4 =	seq.s32 s11, $0xF;
	[dreg:$0x3] =	wrdreg s7  }
0x14: {  	s7 =	sadd.s32 $0x128400, s2;
	[dreg:$0x7] =	wrdreg s19;
	s20 =	sadd.s32 $0x10, s10  }
0x15: {  	s21 =	sadd.s32 s17, s16;
	s19 =	sor.u32 $0x100, s15;
	s15 =	sadd.s32 $0x25080, s8  }
0x16: {  	s16 =	smax.u32 s9, $0x1;
	s0 =	sshll.u32 @!p0 s11, $0x6;
	[dreg:$0x8] =	wrdreg s20  }
0x17: {  	s1 =	sshrl.u32 s21, $0x3;
	s24 =	sadd.s32 s18, s23;
	s25 =	sshrl.u32 s19, $0x3  }
.Ltmp0:
0x18: {  	s19 =	sshrl.u32 @!p1 s7, $0x3;
	s20 =	sor.u32 @!p0 $0x1C07, s0;
	(pc) =	sbr.rel .LBB2_1-.Ltmp0, $4  }
0x19: {  	s21 =	sshrl.u32 @!p0 s5, $0x3;
	s23 =	simm.s32 $0x7;
	s0 =	simm.s32 $0x5  }
0x1a: {  	s14 =	sadd.s32 s14, s1;
	s1 =	sor.u32 $0x180, s24;
	s17 =	sadd.s32 s6, s25  }
0x1b: {  	s24 =	simm.s32 $0x80;
	s25 =	simm.s32 $0x2900;
	s26 =	sshrl.u32 s1, $0x3  }
0x1c: {  	s9 =	sadd.s32 s26, s6;
	s26 =	simm.s32 $0x6;
	s6 =	simm.s32 $0x0  }
.LBB2_6:
0x1d: {  	_ =	swait.ge [sflag:s29], $0x4000  }
0x1e: {  	[sflag:s29] =	ssyncset.done $0x0  }
0x1f: {  	[sflag:s29] =	ssyncadd.s32 $0xFFFFC000  }
0x20: {  	s1 =	sshrl.u32 @p4 s7, $0x3;
	s8 =	simm.s32 @p4 $0x1FC7;
	[bflag:$0x0] =	sbarrier.arrive $0xFFFF  }
0x21: {  	[hbm:s15], [sflag:s8] =	dma.local @p4 [spmem:s1], $0x2080  }
0x22: {  	s1 =	simm.s32 @p4 $0x7  }
0x23: {  	s11 =	stileid.u32;
	s6 =	sadd.s32 $0x1, s6;
	_ =	swait.ge @p4 [sflag:s1], $0x2080  }
0x24: {  	p5 =	sne.s32 s6, s16;
	s8 =	sshll.u32 @!p4 s11, $0x6;
	[sflag:s1] =	ssyncset.done @p4 $0x0  }
0x25: {  	[sflag:s1] =	ssyncadd.s32 @p4 $0xFFFFDF80;
	s1 =	sor.u32 @!p4 $0x1C07, s8;
	s8 =	sshrl.u32 @!p4 s5, $0x3  }
0x26: {  	[hbm:s14], [sflag:s1] =	dma.local @!p4 [spmem:s8], $0x2780  }
.Ltmp1:
0x27: {  	_ = 	snop;
	(pc) =	sbr.rel @!p5 .LBB2_7-.Ltmp1, $4  }
0x28: {  	s1 =	simm.s32 @!p4 $0x7  }
0x29: {  	_ =	swait.ge @!p4 [sflag:s1], $0x2780  }
0x2a: {  	[sflag:s1] =	ssyncset.done @!p4 $0x0  }
0x2b: {  	[sflag:s1] =	ssyncadd.s32 @!p4 $0xFFFFD880  }
.LBB2_1:
0x2c: {  	s1 =	simm.s32 @!p1 $0x1FC7;
	s8 =	rddreg [dreg:$0x6]  }
0x2d: {  	[spmem:s19], [sflag:s1] =	dma.local @!p1 [hbm:s8], $0x2080  }
0x2e: {  	s1 =	simm.s32 @!p1 $0x7  }
0x2f: {  	_ =	swait.ge @!p1 [sflag:s1], $0x2080  }
0x30: {  	[sflag:s1] =	ssyncset.done @!p1 $0x0  }
0x31: {  	[sflag:s1] =	ssyncadd.s32 @!p1 $0xFFFFDF80;
	s1 =	rddreg [dreg:$0x5]  }
0x32: {  	[spmem:s21], [sflag:s20] =	dma.local @!p0 [hbm:s1], $0x2780  }
0x33: {  	s1 =	simm.s32 @!p0 $0x7  }
0x34: {  	_ =	swait.ge @!p0 [sflag:s1], $0x2780  }
0x35: {  	s8 =	simm.s32 @!p2 $0x1FC7;
	[sflag:s1] =	ssyncset.done @!p0 $0x0  }
0x36: {  	s12 =	rddreg [dreg:$0x4];
	[sflag:s1] =	ssyncadd.s32 @!p0 $0xFFFFD880;
	s1 =	sshrl.u32 @!p2 s7, $0x3  }
0x37: {  	[spmem:s1], [sflag:s8] =	dma.local @!p2 [hbm:s12], $0x2080  }
0x38: {  	s1 =	simm.s32 @!p2 $0x7  }
0x39: {  	_ =	swait.ge @!p2 [sflag:s1], $0x2080  }
0x3a: {  	s8 =	sshll.u32 @!p3 s11, $0x6;
	[sflag:s1] =	ssyncset.done @!p2 $0x0;
	s11 =	rddreg [dreg:$0x3]  }
0x3b: {  	[sflag:s1] =	ssyncadd.s32 @!p2 $0xFFFFDF80;
	s1 =	sor.u32 @!p3 $0x1C07, s8;
	s8 =	sshrl.u32 @!p3 s5, $0x3  }
0x3c: {  	[spmem:s8], [sflag:s1] =	dma.local @!p3 [hbm:s11], $0x2780  }
0x3d: {  	s1 =	simm.s32 @!p3 $0x7  }
0x3e: {  	_ =	swait.ge @!p3 [sflag:s1], $0x2780  }
0x3f: {  	[sflag:s1] =	ssyncset.done @!p3 $0x0  }
0x40: {  	s13 =	rddreg [dreg:$0x7];
	[sflag:s1] =	ssyncadd.s32 @!p3 $0xFFFFD880  }
0x41: {  	[tilespmem:s22], [sflag:$0x7] =	stream.linear.gather [hbm4b:s13+s3], $0x2800, $0x38;
	[tilespmem:$0x1E200] =	vst v63  }
0x42: {  	_ =	swait.ge [sflag:s23], $0x2800  }
0x43: {  	[sflag:s23] =	ssyncset.done $0x0  }
0x44: {  	[sflag:s23] =	ssyncadd.s32 $0xFFFFD800  }
0x45: {  	[tilespmem:s3], [sflag:$0x7] =	stream.linear.gather [hbm4b:s10+s3], $0x80, $0x38;
	[tilespmem:$0x1E200] =	vst v63  }
0x46: {  	_ =	swait.ge [sflag:s23], $0x80  }
0x47: {  	[sflag:s23] =	ssyncset.done $0x0  }
0x48: {  	[sflag:s23] =	ssyncadd.s32 $0xFFFFFF80  }
0x49: {  	[bflag:$0x0] =	sbarrier.arrive $0xFFFF  }
0x4a: {  	[tilespmem:s25], [sflag:$0x1] =	stream.indirect.gather [hbm4b:s4+s24], $0x80, s3, s24, $0xb8;
	[tilespmem:$0x1E200] =	vst v63  }
0x4b: {  	s8 =	simm.s32 $0x1;
	s18 =	rddreg [dreg:$0x8]  }
0x4c: {  	[tilespmem:s24], [sflag:$0x6] =	stream.linear.gather [hbm4b:s18+s3], $0x80, $0x38;
	[tilespmem:$0x1E200] =	vst v63  }
0x4d: {  	_ =	swait.ge [sflag:s8], $0x4000  }
0x4e: {  	[sflag:s8] =	ssyncset.done $0x0  }
0x4f: {  	[sflag:s8] =	ssyncadd.s32 $0xFFFFC000  }
0x50: {  	[spmem:s2] =	stream.indirect.scatter.add.f32 [tilespmem:s25], [sflag:$0x3], $0x80, s22, s24, $0xb8;
	[tilespmem:$0x1E200] =	vst v63  }
0x51: {  	_ =	swait.ge [sflag:s26], $0x80  }
.Ltmp2:
0x52: {  	[sflag:s26] =	ssyncset.done $0x0;
	(pc) =	sbr.rel .LBB2_2-.Ltmp2, $4  }
0x53: {  	[sflag:s26] =	ssyncadd.s32 $0xFFFFFF80  }
0x54: {  	[tilespmem:s28], [sflag:$0x2] =	stream.indirect.gather [hbm4b:s4+s24], $0x80, s24, s24, $0xb8;
	[tilespmem:$0x1E200] =	vst v63  }
0x55: {  	s1 =	simm.s32 $0x180;
	s18 =	smov.u32 s9  }
0x56: {  	[tilespmem:s3], [sflag:$0x5] =	stream.linear.gather [hbm4b:s17+s3], $0x80, $0x38;
	[tilespmem:$0x1E200] =	vst v63  }
.LBB2_5:
0x57: {  	s8 =	sadd.s32 $0x1, s8  }
0x58: {  	p5 =	sne.s32 s8, $0x50  }
.Ltmp3:
0x59: {  	_ = 	snop;
	(pc) =	sbr.rel @!p5 .LBB2_6-.Ltmp3, $2  }
0x5a: {  	_ =	sdelay $0x2  }
0x5b: {  	s18 =	sadd.s32 $0x10, s18;
	s1 =	sadd.s32 $0x80, s1  }
.LBB2_2:
0x5c: {  	s11 =	sand.u32 $0x1, s8  }
0x5d: {  	p5 =	seq.s32 s11, $0x1  }
0x5e: {  	s12 =	simm.s32 @!p5 $0x1  }
0x5f: {  	_ =	swait.ge @!p5 [sflag:s12], $0x4000  }
0x60: {  	[sflag:s12] =	ssyncset.done @!p5 $0x0  }
0x61: {  	s13 =	simm.s32 @!p5 $0x2900;
	[sflag:s12] =	ssyncadd.s32 @!p5 $0xFFFFC000;
	s12 =	simm.s32 @!p5 $0x80  }
0x62: {  	[spmem:s2] =	stream.indirect.scatter.add.f32 @!p5 [tilespmem:s13], [sflag:$0x3], $0x80, s1, s12, $0xb8;
	[tilespmem:$0x1E200] =	vst v63  }
0x63: {  	s13 =	simm.s32 @!p5 $0x4  }
0x64: {  	_ =	swait.ge @!p5 [sflag:s13], $0x4000  }
0x65: {  	[sflag:s13] =	ssyncset.done @!p5 $0x0  }
0x66: {  	[sflag:s13] =	ssyncadd.s32 @!p5 $0xFFFFC000;
	s13 =	simm.s32 @!p5 $0x6  }
0x67: {  	_ =	swait.ge @!p5 [sflag:s13], $0x80  }
0x68: {  	p6 =	sgt.u32 @!p5 s8, $0x4D;
	[sflag:s13] =	ssyncset.done @!p5 $0x0  }
0x69: {  	p6 =	por p6, p5;
	[sflag:s13] =	ssyncadd.s32 @!p5 $0xFFFFFF80;
	s13 =	simm.s32 @!p5 $0x6900  }
0x6a: {  	[tilespmem:s13], [sflag:$0x2] =	stream.indirect.gather @!p5 [hbm4b:s4+s12], $0x80, s12, s12, $0xb8;
	[tilespmem:$0x1E200] =	vst v63  }
0x6b: {  	s12 =	simm.s32 @!p6 $0x0  }
0x6c: {  	[tilespmem:s12], [sflag:$0x5] =	stream.linear.gather @!p6 [hbm4b:s18+s12], $0x80, $0x38;
	[tilespmem:$0x1E200] =	vst v63  }
0x6d: {  	p6 =	seq.s32 @!p5 s11, $0x0  }
0x6e: {  	p5 =	por p5, !p6  }
.Ltmp4:
0x6f: {  	_ = 	snop;
	(pc) =	sbr.rel @!p5 .LBB2_5-.Ltmp4, $1  }
0x70: {  	_ =	sdelay $0x3  }
0x71: {  	_ =	swait.ge [sflag:s30], $0x4000  }
0x72: {  	p5 =	seq.s32 s8, $0x4F;
	[sflag:s30] =	ssyncset.done $0x0  }
.Ltmp5:
0x73: {  	[sflag:s30] =	ssyncadd.s32 $0xFFFFC000;
	(pc) =	sbr.rel @p5 .LBB2_6-.Ltmp5, $4  }
0x74: {  	[spmem:s2] =	stream.indirect.scatter.add.f32 [tilespmem:s28], [sflag:$0x4], $0x80, s1, s24, $0xb8;
	[tilespmem:$0x1E200] =	vst v63  }
0x75: {  	_ =	swait.ge [sflag:s31], $0x4000  }
0x76: {  	[sflag:s31] =	ssyncset.done $0x0  }
0x77: {  	[sflag:s31] =	ssyncadd.s32 $0xFFFFC000  }
0x78: {  	_ =	swait.ge [sflag:s0], $0x80  }
.Ltmp6:
0x79: {  	[sflag:s0] =	ssyncset.done $0x0;
	(pc) =	sbr.rel .LBB2_5-.Ltmp6, $4  }
0x7a: {  	p5 =	sgt.u32 s8, $0x4D;
	[sflag:s0] =	ssyncadd.s32 $0xFFFFFF80  }
0x7b: {  	[tilespmem:s25], [sflag:$0x1] =	stream.indirect.gather [hbm4b:s4+s24], $0x80, s3, s24, $0xb8;
	[tilespmem:$0x1E200] =	vst v63  }
0x7c: {  	s11 =	simm.s32 @!p5 $0x0;
	s12 =	simm.s32 @!p5 $0x80  }
0x7d: {  	[tilespmem:s12], [sflag:$0x6] =	stream.linear.gather @!p5 [hbm4b:s18+s11], $0x80, $0x38;
	[tilespmem:$0x1E200] =	vst v63  }
.LBB2_7:
0x7e: {  	_ =	sfence.sel $0x180000  }
0x7f: {  	[bflag:$0x0] =	sbarrier.arrive $0xFFFF  }
0x80: {  	_ =	strace $0x9000004A  }
0x81: {  	[bflag:$0x2] =	sbarrier.arrive $0xFFFF  }
0x82: {  	p0 =	sne.s32 s11, $0x0;
	s0 =	rddreg [dreg:$0x2]  }
0x83: {  	s0 =	sadd.s32 @!p0 $0x100000, s0  }
0x84: {  	[sflag:s0] =	ssyncadd.tile.s32 @!p0 $0x1;
	_ =	shalt  }
.Lfunc_end2:
_tile_overlayer_lowered:
.L_overlay_start_2:
0x85: {  	(tag) =	ssettag $0x2  }
0x86: {  	s0 =	rddreg [dreg:$0x0];
	s2 =	stileid.u32  }
0x87: {  	s1 =	rddreg [dreg:$0x1];
	p0 =	sne.s32 s2, $0x0  }
0x88: {  	s3 =	rddreg [dreg:$0x2];
	[bflag:$0x3] =	sbarrier.arrive $0xFFFF;
	s2 =	simm.s32 @!p0 $0x1C07  }
0x89: {  	[timem:s3], [sflag:s2] =	dma.local @!p0 [hbm:s0], s1  }
0x8a: {  	s0 =	simm.s32 @!p0 $0x7  }
0x8b: {  	_ =	swait.ge @!p0 [sflag:s0], s1  }
0x8c: {  	s1 =	ssub.s32 @!p0 $0x0, s1;
	[sflag:s0] =	ssyncset.done @!p0 $0x0  }
0x8d: {  	[sflag:s0] =	ssyncadd.s32 @!p0 s1  }
0x8e: {  	[bflag:$0x3] =	sbarrier.arrive $0xFFFF  }
0x8f: {  	_ =	shalt  }

// kernel: _run.16.cloned.1.call-start
scs
__scs_entry_jumppad:
0x0: {  	(pc) =	sbr.rel $0x88, $3  }
0x1: {  	(tag) =	ssettag $0x0;
	lr =	simm.s32 $0x1  }
0x2: {  	[smem:$0x3F96] =	sst lr;
	_ =	strace $0xD0000000  }
0x3: {  	_ = 	snop  }
0x4: {  	_ = 	snop  }
0x5: {  	_ = 	snop  }
0x6: {  	_ = 	snop  }
0x7: {  	_ = 	snop  }
__scs_overlays_trampoline_lowered:
0x8: {  	[smem:$0x3FA5] =	sst s0  }
0x9: {  	[smem:$0x3FA6] =	sst s1  }
0xa: {  	[smem:$0x3FA7] =	sst s2  }
0xb: {  	[smem:$0x3FA8] =	sst s3  }
0xc: {  	[smem:$0x3FA9] =	sst s4  }
0xd: {  	[smem:$0x3FAA] =	sst s5  }
0xe: {  	[smem:$0x3FAB] =	sst s6  }
0xf: {  	[smem:$0x3FAC] =	sst s7  }
0x10: {  	[smem:$0x3FAD] =	sst s8  }
0x11: {  	[smem:$0x3FAE] =	sst s9;
	s0 =	simm.s32 @!p0 $0x0  }
0x12: {  	s1 =	sld [smem:$0x3F94];
	s0 =	simm.s32 @p0 $0x1  }
0x13: {  	[smem:$0x3FAF] =	sst s0;
	s0 =	simm.s32 @!p1 $0x0  }
0x14: {  	s2 =	sld [smem:$0x3F93];
	s0 =	simm.s32 @p1 $0x1  }
0x15: {  	[smem:$0x3FB0] =	sst s0;
	s0 =	simm.s32 @!p2 $0x0  }
0x16: {  	s3 =	sld [smem:$0x3FDB];
	s0 =	simm.s32 @p2 $0x1  }
0x17: {  	s4 =	simm.s32 $0x1BF5;
	[smem:$0x3FB2] =	sst s0  }
0x18: {  	s0 =	sld [smem:$0x3F95];
	_ =	swait.ge [sflag:s4], $0x0  }
0x19: {  	s7 =	sld [smem:$0x3F96]  }
0x1a: {  	s8 =	sadd.s32 $0xFFFFE003, lr  }
0x1b: {  	s9 =	sadd.s32 $0xFFFFFEF7, lr;
	s5 =	simm.s32 $0xFFFFFFFF;
	p2 =	slt.u32 s8, $0xFFFFF086  }
0x1c: {  	p1 =	slt.u32 s9, $0xF7A;
	s5 =	simm.s32 @!p2 $0x0  }
0x1d: {  	s5 =	simm.s32 @p1 $0x1;
	p0 =	seq.s32 s7, s2  }
0x1e: {  	s7 =	smul.u32 @!p0 $0xF7A, s2;
	p2 =	seq.s32 @!p0 s5, $0x0  }
0x1f: {  	s9 =	smul.u32 $0xF7A, s1;
	s8 =	simm.s32 @!p0 $0x1BF5;
	p2 =	por !p2, p0  }
0x20: {  	[sflag:s8] =	ssyncset.s32 @!p0 $0xFFFFF086;
	s6 =	sadd.s32 @!p0 s3, s7;
	s7 =	simm.s32 @!p0 $0x108  }
0x21: {  	s3 =	sadd.s32 s3, s9;
	s6 =	sadd.s32 @!p0 $0x88, s6;
	s7 =	simm.s32 @p2 $0x1082  }
0x22: {  	[simem:s7], [sflag:s8] =	dma.local @!p0 [hbm:s6], $0xF7A  }
0x23: {  	s9 =	sor.u32 $0xD0000000, s2;
	s6 =	simm.s32 $0x108;
	_ =	swait.ge @!p0 [sflag:s8], $0x0  }
0x24: {  	s3 =	sadd.s32 $0x88, s3;
	s6 =	simm.s32 @!p1 $0x1082;
	[sflag:s4] =	ssyncset.s32 $0xFFFFF086  }
0x25: {  	[simem:s6], [sflag:s4] =	dma.local [hbm:s3], $0xF7A  }
0x26: {  	[smem:$0x3F96] =	sst s1;
	(tag) =	ssettag s2;
	_ =	strace s9  }
0x27: {  	s1 =	sld [smem:$0x3FA6]  }
0x28: {  	s2 =	sld [smem:$0x3FA7]  }
0x29: {  	s4 =	sld [smem:$0x3FA9]  }
0x2a: {  	p0 =	seq.s32 s5, $0x0;
	s5 =	sld [smem:$0x3FAA]  }
0x2b: {  	s6 =	sld [smem:$0x3FAB]  }
0x2c: {  	s7 =	sld [smem:$0x3FAC]  }
0x2d: {  	s3 =	simm.s32 $0x108;
	s8 =	sld [smem:$0x3FAD]  }
0x2e: {  	s3 =	simm.s32 @!p0 $0x1082;
	s9 =	sld [smem:$0x3FAE]  }
0x2f: {  	lr =	sadd.s32 s0, s3;
	s0 =	sld [smem:$0x3FA5]  }
0x30: {  	s3 =	sld [smem:$0x3FA8]  }
0x31: {  	[smem:$0x3FB1] =	sst s10  }
0x32: {  	s10 =	sld [smem:$0x3FAF];
	_ =	sdelay $0x3  }
0x33: {  	p0 =	seq.s32 s10, $0x1;
	s10 =	sld [smem:$0x3FB1];
	_ =	sdelay $0x3  }
0x34: {  	[smem:$0x3FB1] =	sst s10  }
0x35: {  	s10 =	sld [smem:$0x3FB0];
	_ =	sdelay $0x3  }
0x36: {  	p1 =	seq.s32 s10, $0x1;
	s10 =	sld [smem:$0x3FB1];
	_ =	sdelay $0x3  }
0x37: {  	[smem:$0x3FB1] =	sst s10  }
0x38: {  	s10 =	sld [smem:$0x3FB2]  }
0x39: {  	_ = 	snop;
	(pc) =	sbr.ind lr, $3  }
0x3a: {  	_ = 	snop  }
0x3b: {  	_ = 	snop  }
0x3c: {  	p2 =	seq.s32 s10, $0x1;
	s10 =	sld [smem:$0x3FB1]  }
0x3d: {  	_ =	shalt  }
0x3e: {  	_ =	shalt  }
0x3f: {  	_ =	shalt  }
0x40: {  	_ =	shalt  }
0x41: {  	_ =	shalt  }
0x42: {  	_ =	shalt  }
0x43: {  	_ =	shalt  }
0x44: {  	_ =	shalt  }
0x45: {  	_ =	shalt  }
0x46: {  	_ =	shalt  }
0x47: {  	_ =	shalt  }
0x48: {  	_ =	shalt  }
0x49: {  	_ =	shalt  }
0x4a: {  	_ =	shalt  }
0x4b: {  	_ =	shalt  }
0x4c: {  	_ =	shalt  }
0x4d: {  	_ =	shalt  }
0x4e: {  	_ =	shalt  }
0x4f: {  	_ =	shalt  }
0x50: {  	_ =	shalt  }
0x51: {  	_ =	shalt  }
0x52: {  	_ =	shalt  }
0x53: {  	_ =	shalt  }
0x54: {  	_ =	shalt  }
0x55: {  	_ =	shalt  }
0x56: {  	_ =	shalt  }
0x57: {  	_ =	shalt  }
0x58: {  	_ =	shalt  }
0x59: {  	_ =	shalt  }
0x5a: {  	_ =	shalt  }
0x5b: {  	_ =	shalt  }
0x5c: {  	_ =	shalt  }
0x5d: {  	_ =	shalt  }
0x5e: {  	_ =	shalt  }
0x5f: {  	_ =	shalt  }
0x60: {  	_ =	shalt  }
0x61: {  	_ =	shalt  }
0x62: {  	_ =	shalt  }
0x63: {  	_ =	shalt  }
0x64: {  	_ =	shalt  }
0x65: {  	_ =	shalt  }
0x66: {  	_ =	shalt  }
0x67: {  	_ =	shalt  }
0x68: {  	_ =	shalt  }
0x69: {  	_ =	shalt  }
0x6a: {  	_ =	shalt  }
0x6b: {  	_ =	shalt  }
0x6c: {  	_ =	shalt  }
0x6d: {  	_ =	shalt  }
0x6e: {  	_ =	shalt  }
0x6f: {  	_ =	shalt  }
0x70: {  	_ =	shalt  }
0x71: {  	_ =	shalt  }
0x72: {  	_ =	shalt  }
0x73: {  	_ =	shalt  }
0x74: {  	_ =	shalt  }
0x75: {  	_ =	shalt  }
0x76: {  	_ =	shalt  }
0x77: {  	_ =	shalt  }
0x78: {  	_ =	shalt  }
0x79: {  	_ =	shalt  }
0x7a: {  	_ =	shalt  }
0x7b: {  	_ =	shalt  }
0x7c: {  	_ =	shalt  }
0x7d: {  	_ =	shalt  }
0x7e: {  	_ =	shalt  }
0x7f: {  	_ =	shalt  }
0x80: {  	_ =	shalt  }
0x81: {  	_ =	shalt  }
0x82: {  	_ =	shalt  }
0x83: {  	_ =	shalt  }
0x84: {  	_ =	shalt  }
0x85: {  	_ =	shalt  }
0x86: {  	_ =	shalt  }
0x87: {  	_ =	shalt  }
.Lfunc_end0:
.L_simem_size_0:
called_computation.2_lowered:
.L_overlay_start_0:
0x88: {  	s2 =	sld [smem:$0x3FD9]  }
0x89: {  	s3 =	sld [smem:$0x3FFE];
	_ =	sdelay $0x1  }
0x8a: {  	s1 =	srdreg.scid  }
0x8b: {  	s0 =	sand.u32 $0x1, s1  }
0x8c: {  	s16 =	sshll.u32 s0, $0xA;
	s2 =	sadd.s32 s3, s2  }
0x8d: {  	s2 =	sadd.s32 s2, s16  }
0x8e: {  	[smem:$0x3FBD] =	sst s2  }
0x8f: {  	_ = 	snop  }
0x90: {  	(tm) =	ssettm $0x1  }
0x91: {  	s17 =	sld [smem:$0x3FFB];
	_ =	sdelay $0x3  }
0x92: {  	_ =	strace s17  }
0x93: {  	s2 =	sld [smem:$0x3FFC];
	_ =	sdelay $0x3  }
0x94: {  	_ =	strace s2  }
0x95: {  	s2 =	sld [smem:$0x3FFD];
	_ =	sdelay $0x3  }
0x96: {  	_ =	strace s2  }
0x97: {  	_ =	strace $0x8FFFFFFF  }
0x98: {  	s18 =	sld [smem:$0x3FDB];
	_ =	sdelay $0x1  }
0x99: {  	s19 =	simm.s32 $_scs_section_size  }
0x9a: {  	s4 =	simm.s32 $_size__tile_overlayer_lowered;
	s5 =	simm.s32 $_tile_overlayer_lowered  }
0x9b: {  	s22 =	simm.s32 $0x1BFF;
	s21 =	sshll.u32 s5, $0x1;
	s2 =	sadd.s32 s19, s18  }
0x9c: {  	s6 =	simm.s32 $0x0;
	s20 =	sshll.u32 s4, $0x1;
	s4 =	sadd.s32 s21, s2  }
0x9d: {  	[timem:s6], [sflag:s22] =	dma.local [hbm:s4], s20  }
0x9e: {  	_ =	swait.ge [sflag:s22], s20  }
0x9f: {  	s3 =	ssub.s32 $0x0, s20;
	[sflag:s22] =	ssyncset.done $0x0  }
0xa0: {  	[sflag:s22] =	ssyncadd.s32 s3;
	_ =	sdelay $0x1  }
0xa1: {  	s23 =	simm.s32 $0x1B8B  }
0xa2: {  	_ =	swait.ge [sflag:s23], $0x1  }
0xa3: {  	[sflag:s23] =	ssyncset.done $0x0  }
0xa4: {  	s25 =	simm.s32 $0x1B8E;
	s24 =	sld [smem:$0x3FFE];
	[sflag:s23] =	ssyncadd.s32 $0xFFFFFFFF  }
0xa5: {  	s26 =	simm.s32 $execute0_lowered;
	[smem:$0x3FD2] =	sst s25  }
0xa6: {  	s4 =	sshll.u32 s26, $0x1;
	_ =	strace $0x8000004C;
	[dreg:$0x1] =	wrdreg $0xFFFFFFFF  }
0xa7: {  	s28 =	simm.s32 $_size_execute0_lowered;
	s2 =	sadd.s32 s2, s4;
	[dreg:$0x0] =	wrdreg $0x0  }
0xa8: {  	s4 =	sshll.u32 s28, $0x1;
	[dreg:$0x2] =	wrdreg s2  }
0xa9: {  	[dreg:$0x3] =	wrdreg s4  }
0xaa: {  	[dreg:$0x4] =	wrdreg $0xC0  }
0xab: {  	_ =	task [dreg:s6], $0x5FFFF  }
0xac: {  	[dreg:$0x1] =	wrdreg $0xFFFFFFFF  }
0xad: {  	[dreg:$0x0] =	wrdreg $0x60  }
0xae: {  	[dreg:$0x2] =	wrdreg s24  }
0xaf: {  	[dreg:$0x3] =	wrdreg $0xA9000  }
0xb0: {  	[dreg:$0x4] =	wrdreg $0x9  }
0xb1: {  	_ =	task.clear_ibuf [dreg:s6], $0x5FFFF;
	_ =	strace $0x9000004C  }
0xb2: {  	s29 =	simm.s32 $0x9;
	_ =	strace $0x8000004E  }
0xb3: {  	_ =	swait.ge [sflag:s29], $0x1  }
0xb4: {  	[sflag:s29] =	ssyncadd.s32 $0xFFFFFFFF  }
0xb5: {  	_ =	strace $0x9000004E  }
0xb6: {  	_ =	sfence  }
0xb7: {  	s30 =	sld [smem:$0x0];
	_ =	sdelay $0x2  }
0xb8: {  	s31 =	sshll.u32 s1, $0xD;
	s1 =	sshrl.u32 s1, $0x2  }
0xb9: {  	s3 =	sand.u32 $0x4000, s31;
	s1 =	sadd.s32 s1, s30  }
0xba: {  	s0 =	sor.u32 s3, s0;
	s1 =	sshll.u32 s1, $0x11  }
0xbb: {  	s0 =	sor.u32 s1, s0  }
0xbc: {  	s0 =	sadd.s32 $0x8F2B, s0  }
0xbd: {  	[sflag:s0] =	ssyncadd.remote.s32 $0x1  }
0xbe: {  	_ =	sfence.sel $0xFFFF  }
0xbf: {  	[dreg:$0x0] =	wrdreg $0xFFFFFFFF;
	(pc) =	sbr.abs _section_cstart, $3  }
0xc0: {  	[dreg:$0x1] =	wrdreg $0xFFFFFFFF  }
0xc1: {  	_ =	task.clear_ibuf [dreg:s6], $0x2FFFF;
	_ =	strace $0x9FFFFFFF  }
0xc2: {  	(tm) =	ssettm $0x7FFFFFFF  }
0xc3: {  	_ =	shalt  }
tec
execute0_lowered:
.L_overlay_start_1:
0x0: {  	(tag) =	ssettag $0x1  }
0x1: {  	s0 =	srdreg.scid;
	s1 =	rddreg [dreg:$0x0]  }
0x2: {  	s2 =	rddreg [dreg:$0x1];
	s10 =	stileid.u32  }
0x3: {  	s3 =	simm.s32 $0x0;
	s28 =	simm.s32 $0x6900;
	s29 =	simm.s32 $0x4  }
0x4: {  	s30 =	simm.s32 $0x2;
	s31 =	simm.s32 $0x3;
	s0 =	sand.u32 $0x1, s0  }
0x5: {  	[smem:$0x7FF] =	sst s3;
	s6 =	sadd.s32 $0x83800, s1;
	s7 =	smul.u32 $0x2780, s10  }
0x6: {  	s14 =	sadd.s32 $0x8D800, s1;
	s17 =	sadd.s32 $0x81080, s1;
	s4 =	sshll.u32 s0, $0x4  }
0x7: {  	_ =	strace $0x8000004D;
	s9 =	ssub.s32 $0x2, s0;
	s16 =	smul.u32 $0x138800, s0  }
0x8: {  	[dreg:$0x4] =	wrdreg s17;
	s23 =	smul.u32 $0x28000, s0;
	p3 =	seq.s32 s0, $0x0  }
0x9: {  	s5 =	sor.u32 s10, s4;
	s10 =	smul.u32 $0x4F000, s10;
	s12 =	sshrl.u32 s9, $0x1  }
0xa: {  	s11 =	sadd.s32 s7, s1;
	s4 =	smul.u32 $0x500, s5;
	s9 =	ssub.s32 s9, s12  }
0xb: {  	s15 =	smul.u32 $0x2800, s5;
	s11 =	sadd.s32 $0xDC00, s11;
	s22 =	sshrl.u32 s16, $0x3  }
0xc: {  	s10 =	sshrl.u32 s10, $0x2;
	[dreg:$0x5] =	wrdreg s11;
	s11 =	stileid.u32  }
0xd: {  	s8 =	sadd.s32 s4, s1;
	s4 =	sadd.s32 $0x5C000, s1;
	s5 =	sadd.s32 s10, s2  }
0xe: {  	s18 =	sshrl.u32 s15, $0x3;
	s17 =	smul.u32 $0x13C00, s11;
	s1 =	sadd.s32 $0x32C80, s1  }
0xf: {  	p1 =	seq.s32 @p3 s11, $0xF;
	p4 =	seq.s32 @!p3 s11, $0xF;
	s7 =	sadd.s32 s4, s7  }
0x10: {  	s10 =	sadd.s32 s6, s18;
	[dreg:$0x6] =	wrdreg s1;
	s19 =	sadd.s32 $0x3C00, s8  }
0x11: {  	s8 =	sadd.s32 s14, s22;
	s18 =	smul.u32 $0x2800, s11;
	p0 =	por p1, !p3  }
0x12: {  	p1 =	por !p1, !p3;
	p2 =	por !p4, p3;
	p3 =	por p4, p3  }
0x13: {  	s22 =	simm.s32 $0x100;
	p4 =	seq.s32 s11, $0xF;
	[dreg:$0x3] =	wrdreg s7  }
0x14: {  	s7 =	sadd.s32 $0x128400, s2;
	[dreg:$0x7] =	wrdreg s19;
	s20 =	sadd.s32 $0x10, s10  }
0x15: {  	s21 =	sadd.s32 s17, s16;
	s19 =	sor.u32 $0x100, s15;
	s15 =	sadd.s32 $0x25080, s8  }
0x16: {  	s16 =	smax.u32 s9, $0x1;
	s0 =	sshll.u32 @!p0 s11, $0x6;
	[dreg:$0x8] =	wrdreg s20  }
0x17: {  	s1 =	sshrl.u32 s21, $0x3;
	s24 =	sadd.s32 s18, s23;
	s25 =	sshrl.u32 s19, $0x3  }
.Ltmp0:
0x18: {  	s19 =	sshrl.u32 @!p1 s7, $0x3;
	s20 =	sor.u32 @!p0 $0x1C07, s0;
	(pc) =	sbr.rel .LBB2_1-.Ltmp0, $4  }
0x19: {  	s21 =	sshrl.u32 @!p0 s5, $0x3;
	s23 =	simm.s32 $0x7;
	s0 =	simm.s32 $0x5  }
0x1a: {  	s14 =	sadd.s32 s14, s1;
	s1 =	sor.u32 $0x180, s24;
	s17 =	sadd.s32 s6, s25  }
0x1b: {  	s24 =	simm.s32 $0x80;
	s25 =	simm.s32 $0x2900;
	s26 =	sshrl.u32 s1, $0x3  }
0x1c: {  	s9 =	sadd.s32 s26, s6;
	s26 =	simm.s32 $0x6;
	s6 =	simm.s32 $0x0  }
.LBB2_6:
0x1d: {  	_ =	swait.ge [sflag:s29], $0x4000  }
0x1e: {  	[sflag:s29] =	ssyncset.done $0x0  }
0x1f: {  	[sflag:s29] =	ssyncadd.s32 $0xFFFFC000  }
0x20: {  	s1 =	sshrl.u32 @p4 s7, $0x3;
	s8 =	simm.s32 @p4 $0x1FC7;
	[bflag:$0x0] =	sbarrier.arrive $0xFFFF  }
0x21: {  	[hbm:s15], [sflag:s8] =	dma.local @p4 [spmem:s1], $0x2080  }
0x22: {  	s1 =	simm.s32 @p4 $0x7  }
0x23: {  	s11 =	stileid.u32;
	s6 =	sadd.s32 $0x1, s6;
	_ =	swait.ge @p4 [sflag:s1], $0x2080  }
0x24: {  	p5 =	sne.s32 s6, s16;
	s8 =	sshll.u32 @!p4 s11, $0x6;
	[sflag:s1] =	ssyncset.done @p4 $0x0  }
0x25: {  	[sflag:s1] =	ssyncadd.s32 @p4 $0xFFFFDF80;
	s1 =	sor.u32 @!p4 $0x1C07, s8;
	s8 =	sshrl.u32 @!p4 s5, $0x3  }
0x26: {  	[hbm:s14], [sflag:s1] =	dma.local @!p4 [spmem:s8], $0x2780  }
.Ltmp1:
0x27: {  	_ = 	snop;
	(pc) =	sbr.rel @!p5 .LBB2_7-.Ltmp1, $4  }
0x28: {  	s1 =	simm.s32 @!p4 $0x7  }
0x29: {  	_ =	swait.ge @!p4 [sflag:s1], $0x2780  }
0x2a: {  	[sflag:s1] =	ssyncset.done @!p4 $0x0  }
0x2b: {  	[sflag:s1] =	ssyncadd.s32 @!p4 $0xFFFFD880  }
.LBB2_1:
0x2c: {  	s1 =	simm.s32 @!p1 $0x1FC7;
	s8 =	rddreg [dreg:$0x6]  }
0x2d: {  	[spmem:s19], [sflag:s1] =	dma.local @!p1 [hbm:s8], $0x2080  }
0x2e: {  	s1 =	simm.s32 @!p1 $0x7  }
0x2f: {  	_ =	swait.ge @!p1 [sflag:s1], $0x2080  }
0x30: {  	[sflag:s1] =	ssyncset.done @!p1 $0x0  }
0x31: {  	[sflag:s1] =	ssyncadd.s32 @!p1 $0xFFFFDF80;
	s1 =	rddreg [dreg:$0x5]  }
0x32: {  	[spmem:s21], [sflag:s20] =	dma.local @!p0 [hbm:s1], $0x2780  }
0x33: {  	s1 =	simm.s32 @!p0 $0x7  }
0x34: {  	_ =	swait.ge @!p0 [sflag:s1], $0x2780  }
0x35: {  	s8 =	simm.s32 @!p2 $0x1FC7;
	[sflag:s1] =	ssyncset.done @!p0 $0x0  }
0x36: {  	s12 =	rddreg [dreg:$0x4];
	[sflag:s1] =	ssyncadd.s32 @!p0 $0xFFFFD880;
	s1 =	sshrl.u32 @!p2 s7, $0x3  }
0x37: {  	[spmem:s1], [sflag:s8] =	dma.local @!p2 [hbm:s12], $0x2080  }
0x38: {  	s1 =	simm.s32 @!p2 $0x7  }
0x39: {  	_ =	swait.ge @!p2 [sflag:s1], $0x2080  }
0x3a: {  	s8 =	sshll.u32 @!p3 s11, $0x6;
	[sflag:s1] =	ssyncset.done @!p2 $0x0;
	s11 =	rddreg [dreg:$0x3]  }
0x3b: {  	[sflag:s1] =	ssyncadd.s32 @!p2 $0xFFFFDF80;
	s1 =	sor.u32 @!p3 $0x1C07, s8;
	s8 =	sshrl.u32 @!p3 s5, $0x3  }
0x3c: {  	[spmem:s8], [sflag:s1] =	dma.local @!p3 [hbm:s11], $0x2780  }
0x3d: {  	s1 =	simm.s32 @!p3 $0x7  }
0x3e: {  	_ =	swait.ge @!p3 [sflag:s1], $0x2780  }
0x3f: {  	[sflag:s1] =	ssyncset.done @!p3 $0x0  }
0x40: {  	s13 =	rddreg [dreg:$0x7];
	[sflag:s1] =	ssyncadd.s32 @!p3 $0xFFFFD880  }
0x41: {  	[tilespmem:s22], [sflag:$0x7] =	stream.linear.gather [hbm4b:s13+s3], $0x2800, $0x38;
	[tilespmem:$0x1E200] =	vst v63  }
0x42: {  	_ =	swait.ge [sflag:s23], $0x2800  }
0x43: {  	[sflag:s23] =	ssyncset.done $0x0  }
0x44: {  	[sflag:s23] =	ssyncadd.s32 $0xFFFFD800  }
0x45: {  	[tilespmem:s3], [sflag:$0x7] =	stream.linear.gather [hbm4b:s10+s3], $0x80, $0x38;
	[tilespmem:$0x1E200] =	vst v63  }
0x46: {  	_ =	swait.ge [sflag:s23], $0x80  }
0x47: {  	[sflag:s23] =	ssyncset.done $0x0  }
0x48: {  	[sflag:s23] =	ssyncadd.s32 $0xFFFFFF80  }
0x49: {  	[bflag:$0x0] =	sbarrier.arrive $0xFFFF  }
0x4a: {  	[tilespmem:s25], [sflag:$0x1] =	stream.indirect.gather [hbm4b:s4+s24], $0x80, s3, s24, $0xb8;
	[tilespmem:$0x1E200] =	vst v63  }
0x4b: {  	s8 =	simm.s32 $0x1;
	s18 =	rddreg [dreg:$0x8]  }
0x4c: {  	[tilespmem:s24], [sflag:$0x6] =	stream.linear.gather [hbm4b:s18+s3], $0x80, $0x38;
	[tilespmem:$0x1E200] =	vst v63  }
0x4d: {  	_ =	swait.ge [sflag:s8], $0x4000  }
0x4e: {  	[sflag:s8] =	ssyncset.done $0x0  }
0x4f: {  	[sflag:s8] =	ssyncadd.s32 $0xFFFFC000  }
0x50: {  	[spmem:s2] =	stream.indirect.scatter.add.f32 [tilespmem:s25], [sflag:$0x3], $0x80, s22, s24, $0xb8;
	[tilespmem:$0x1E200] =	vst v63  }
0x51: {  	_ =	swait.ge [sflag:s26], $0x80  }
.Ltmp2:
0x52: {  	[sflag:s26] =	ssyncset.done $0x0;
	(pc) =	sbr.rel .LBB2_2-.Ltmp2, $4  }
0x53: {  	[sflag:s26] =	ssyncadd.s32 $0xFFFFFF80  }
0x54: {  	[tilespmem:s28], [sflag:$0x2] =	stream.indirect.gather [hbm4b:s4+s24], $0x80, s24, s24, $0xb8;
	[tilespmem:$0x1E200] =	vst v63  }
0x55: {  	s1 =	simm.s32 $0x180;
	s18 =	smov.u32 s9  }
0x56: {  	[tilespmem:s3], [sflag:$0x5] =	stream.linear.gather [hbm4b:s17+s3], $0x80, $0x38;
	[tilespmem:$0x1E200] =	vst v63  }
.LBB2_5:
0x57: {  	s8 =	sadd.s32 $0x1, s8  }
0x58: {  	p5 =	sne.s32 s8, $0x50  }
.Ltmp3:
0x59: {  	_ = 	snop;
	(pc) =	sbr.rel @!p5 .LBB2_6-.Ltmp3, $2  }
0x5a: {  	_ =	sdelay $0x2  }
0x5b: {  	s18 =	sadd.s32 $0x10, s18;
	s1 =	sadd.s32 $0x80, s1  }
.LBB2_2:
0x5c: {  	s11 =	sand.u32 $0x1, s8  }
0x5d: {  	p5 =	seq.s32 s11, $0x1  }
0x5e: {  	s12 =	simm.s32 @!p5 $0x1  }
0x5f: {  	_ =	swait.ge @!p5 [sflag:s12], $0x4000  }
0x60: {  	[sflag:s12] =	ssyncset.done @!p5 $0x0  }
0x61: {  	s13 =	simm.s32 @!p5 $0x2900;
	[sflag:s12] =	ssyncadd.s32 @!p5 $0xFFFFC000;
	s12 =	simm.s32 @!p5 $0x80  }
0x62: {  	[spmem:s2] =	stream.indirect.scatter.add.f32 @!p5 [tilespmem:s13], [sflag:$0x3], $0x80, s1, s12, $0xb8;
	[tilespmem:$0x1E200] =	vst v63  }
0x63: {  	s13 =	simm.s32 @!p5 $0x4  }
0x64: {  	_ =	swait.ge @!p5 [sflag:s13], $0x4000  }
0x65: {  	[sflag:s13] =	ssyncset.done @!p5 $0x0  }
0x66: {  	[sflag:s13] =	ssyncadd.s32 @!p5 $0xFFFFC000;
	s13 =	simm.s32 @!p5 $0x6  }
0x67: {  	_ =	swait.ge @!p5 [sflag:s13], $0x80  }
0x68: {  	p6 =	sgt.u32 @!p5 s8, $0x4D;
	[sflag:s13] =	ssyncset.done @!p5 $0x0  }
0x69: {  	p6 =	por p6, p5;
	[sflag:s13] =	ssyncadd.s32 @!p5 $0xFFFFFF80;
	s13 =	simm.s32 @!p5 $0x6900  }
0x6a: {  	[tilespmem:s13], [sflag:$0x2] =	stream.indirect.gather @!p5 [hbm4b:s4+s12], $0x80, s12, s12, $0xb8;
	[tilespmem:$0x1E200] =	vst v63  }
0x6b: {  	s12 =	simm.s32 @!p6 $0x0  }
0x6c: {  	[tilespmem:s12], [sflag:$0x5] =	stream.linear.gather @!p6 [hbm4b:s18+s12], $0x80, $0x38;
	[tilespmem:$0x1E200] =	vst v63  }
0x6d: {  	p6 =	seq.s32 @!p5 s11, $0x0  }
0x6e: {  	p5 =	por p5, !p6  }
.Ltmp4:
0x6f: {  	_ = 	snop;
	(pc) =	sbr.rel @!p5 .LBB2_5-.Ltmp4, $1  }
0x70: {  	_ =	sdelay $0x3  }
0x71: {  	_ =	swait.ge [sflag:s30], $0x4000  }
0x72: {  	p5 =	seq.s32 s8, $0x4F;
	[sflag:s30] =	ssyncset.done $0x0  }
.Ltmp5:
0x73: {  	[sflag:s30] =	ssyncadd.s32 $0xFFFFC000;
	(pc) =	sbr.rel @p5 .LBB2_6-.Ltmp5, $4  }
0x74: {  	[spmem:s2] =	stream.indirect.scatter.add.f32 [tilespmem:s28], [sflag:$0x4], $0x80, s1, s24, $0xb8;
	[tilespmem:$0x1E200] =	vst v63  }
0x75: {  	_ =	swait.ge [sflag:s31], $0x4000  }
0x76: {  	[sflag:s31] =	ssyncset.done $0x0  }
0x77: {  	[sflag:s31] =	ssyncadd.s32 $0xFFFFC000  }
0x78: {  	_ =	swait.ge [sflag:s0], $0x80  }
.Ltmp6:
0x79: {  	[sflag:s0] =	ssyncset.done $0x0;
	(pc) =	sbr.rel .LBB2_5-.Ltmp6, $4  }
0x7a: {  	p5 =	sgt.u32 s8, $0x4D;
	[sflag:s0] =	ssyncadd.s32 $0xFFFFFF80  }
0x7b: {  	[tilespmem:s25], [sflag:$0x1] =	stream.indirect.gather [hbm4b:s4+s24], $0x80, s3, s24, $0xb8;
	[tilespmem:$0x1E200] =	vst v63  }
0x7c: {  	s11 =	simm.s32 @!p5 $0x0;
	s12 =	simm.s32 @!p5 $0x80  }
0x7d: {  	[tilespmem:s12], [sflag:$0x6] =	stream.linear.gather @!p5 [hbm4b:s18+s11], $0x80, $0x38;
	[tilespmem:$0x1E200] =	vst v63  }
.LBB2_7:
0x7e: {  	_ =	sfence.sel $0x180000  }
0x7f: {  	[bflag:$0x0] =	sbarrier.arrive $0xFFFF  }
0x80: {  	_ =	strace $0x9000004D  }
0x81: {  	[bflag:$0x2] =	sbarrier.arrive $0xFFFF  }
0x82: {  	p0 =	sne.s32 s11, $0x0;
	s0 =	rddreg [dreg:$0x2]  }
0x83: {  	s0 =	sadd.s32 @!p0 $0x100000, s0  }
0x84: {  	[sflag:s0] =	ssyncadd.tile.s32 @!p0 $0x1;
	_ =	shalt  }
.Lfunc_end2:
_tile_overlayer_lowered:
.L_overlay_start_2:
0x85: {  	(tag) =	ssettag $0x2  }
0x86: {  	s0 =	rddreg [dreg:$0x0];
	s2 =	stileid.u32  }
0x87: {  	s1 =	rddreg [dreg:$0x1];
	p0 =	sne.s32 s2, $0x0  }
0x88: {  	s3 =	rddreg [dreg:$0x2];
	[bflag:$0x3] =	sbarrier.arrive $0xFFFF;
	s2 =	simm.s32 @!p0 $0x1C07  }
0x89: {  	[timem:s3], [sflag:s2] =	dma.local @!p0 [hbm:s0], s1  }
0x8a: {  	s0 =	simm.s32 @!p0 $0x7  }
0x8b: {  	_ =	swait.ge @!p0 [sflag:s0], s1  }
0x8c: {  	s1 =	ssub.s32 @!p0 $0x0, s1;
	[sflag:s0] =	ssyncset.done @!p0 $0x0  }
0x8d: {  	[sflag:s0] =	ssyncadd.s32 @!p0 s1  }
0x8e: {  	[bflag:$0x3] =	sbarrier.arrive $0xFFFF  }
0x8f: {  	_ =	shalt  }

// kernel: _run.19.cloned.1.call-start
scs
__scs_entry_jumppad:
0x0: {  	(pc) =	sbr.rel $0x88, $3  }
0x1: {  	(tag) =	ssettag $0x0;
	lr =	simm.s32 $0x1  }
0x2: {  	[smem:$0x3F96] =	sst lr;
	_ =	strace $0xD0000000  }
0x3: {  	_ = 	snop  }
0x4: {  	_ = 	snop  }
0x5: {  	_ = 	snop  }
0x6: {  	_ = 	snop  }
0x7: {  	_ = 	snop  }
__scs_overlays_trampoline_lowered:
0x8: {  	[smem:$0x3FA5] =	sst s0  }
0x9: {  	[smem:$0x3FA6] =	sst s1  }
0xa: {  	[smem:$0x3FA7] =	sst s2  }
0xb: {  	[smem:$0x3FA8] =	sst s3  }
0xc: {  	[smem:$0x3FA9] =	sst s4  }
0xd: {  	[smem:$0x3FAA] =	sst s5  }
0xe: {  	[smem:$0x3FAB] =	sst s6  }
0xf: {  	[smem:$0x3FAC] =	sst s7  }
0x10: {  	[smem:$0x3FAD] =	sst s8  }
0x11: {  	[smem:$0x3FAE] =	sst s9;
	s0 =	simm.s32 @!p0 $0x0  }
0x12: {  	s1 =	sld [smem:$0x3F94];
	s0 =	simm.s32 @p0 $0x1  }
0x13: {  	[smem:$0x3FAF] =	sst s0;
	s0 =	simm.s32 @!p1 $0x0  }
0x14: {  	s2 =	sld [smem:$0x3F93];
	s0 =	simm.s32 @p1 $0x1  }
0x15: {  	[smem:$0x3FB0] =	sst s0;
	s0 =	simm.s32 @!p2 $0x0  }
0x16: {  	s3 =	sld [smem:$0x3FDB];
	s0 =	simm.s32 @p2 $0x1  }
0x17: {  	s4 =	simm.s32 $0x1BF5;
	[smem:$0x3FB2] =	sst s0  }
0x18: {  	s0 =	sld [smem:$0x3F95];
	_ =	swait.ge [sflag:s4], $0x0  }
0x19: {  	s7 =	sld [smem:$0x3F96]  }
0x1a: {  	s8 =	sadd.s32 $0xFFFFE003, lr  }
0x1b: {  	s9 =	sadd.s32 $0xFFFFFEF7, lr;
	s5 =	simm.s32 $0xFFFFFFFF;
	p2 =	slt.u32 s8, $0xFFFFF086  }
0x1c: {  	p1 =	slt.u32 s9, $0xF7A;
	s5 =	simm.s32 @!p2 $0x0  }
0x1d: {  	s5 =	simm.s32 @p1 $0x1;
	p0 =	seq.s32 s7, s2  }
0x1e: {  	s7 =	smul.u32 @!p0 $0xF7A, s2;
	p2 =	seq.s32 @!p0 s5, $0x0  }
0x1f: {  	s9 =	smul.u32 $0xF7A, s1;
	s8 =	simm.s32 @!p0 $0x1BF5;
	p2 =	por !p2, p0  }
0x20: {  	[sflag:s8] =	ssyncset.s32 @!p0 $0xFFFFF086;
	s6 =	sadd.s32 @!p0 s3, s7;
	s7 =	simm.s32 @!p0 $0x108  }
0x21: {  	s3 =	sadd.s32 s3, s9;
	s6 =	sadd.s32 @!p0 $0x88, s6;
	s7 =	simm.s32 @p2 $0x1082  }
0x22: {  	[simem:s7], [sflag:s8] =	dma.local @!p0 [hbm:s6], $0xF7A  }
0x23: {  	s9 =	sor.u32 $0xD0000000, s2;
	s6 =	simm.s32 $0x108;
	_ =	swait.ge @!p0 [sflag:s8], $0x0  }
0x24: {  	s3 =	sadd.s32 $0x88, s3;
	s6 =	simm.s32 @!p1 $0x1082;
	[sflag:s4] =	ssyncset.s32 $0xFFFFF086  }
0x25: {  	[simem:s6], [sflag:s4] =	dma.local [hbm:s3], $0xF7A  }
0x26: {  	[smem:$0x3F96] =	sst s1;
	(tag) =	ssettag s2;
	_ =	strace s9  }
0x27: {  	s1 =	sld [smem:$0x3FA6]  }
0x28: {  	s2 =	sld [smem:$0x3FA7]  }
0x29: {  	s4 =	sld [smem:$0x3FA9]  }
0x2a: {  	p0 =	seq.s32 s5, $0x0;
	s5 =	sld [smem:$0x3FAA]  }
0x2b: {  	s6 =	sld [smem:$0x3FAB]  }
0x2c: {  	s7 =	sld [smem:$0x3FAC]  }
0x2d: {  	s3 =	simm.s32 $0x108;
	s8 =	sld [smem:$0x3FAD]  }
0x2e: {  	s3 =	simm.s32 @!p0 $0x1082;
	s9 =	sld [smem:$0x3FAE]  }
0x2f: {  	lr =	sadd.s32 s0, s3;
	s0 =	sld [smem:$0x3FA5]  }
0x30: {  	s3 =	sld [smem:$0x3FA8]  }
0x31: {  	[smem:$0x3FB1] =	sst s10  }
0x32: {  	s10 =	sld [smem:$0x3FAF];
	_ =	sdelay $0x3  }
0x33: {  	p0 =	seq.s32 s10, $0x1;
	s10 =	sld [smem:$0x3FB1];
	_ =	sdelay $0x3  }
0x34: {  	[smem:$0x3FB1] =	sst s10  }
0x35: {  	s10 =	sld [smem:$0x3FB0];
	_ =	sdelay $0x3  }
0x36: {  	p1 =	seq.s32 s10, $0x1;
	s10 =	sld [smem:$0x3FB1];
	_ =	sdelay $0x3  }
0x37: {  	[smem:$0x3FB1] =	sst s10  }
0x38: {  	s10 =	sld [smem:$0x3FB2]  }
0x39: {  	_ = 	snop;
	(pc) =	sbr.ind lr, $3  }
0x3a: {  	_ = 	snop  }
0x3b: {  	_ = 	snop  }
0x3c: {  	p2 =	seq.s32 s10, $0x1;
	s10 =	sld [smem:$0x3FB1]  }
0x3d: {  	_ =	shalt  }
0x3e: {  	_ =	shalt  }
0x3f: {  	_ =	shalt  }
0x40: {  	_ =	shalt  }
0x41: {  	_ =	shalt  }
0x42: {  	_ =	shalt  }
0x43: {  	_ =	shalt  }
0x44: {  	_ =	shalt  }
0x45: {  	_ =	shalt  }
0x46: {  	_ =	shalt  }
0x47: {  	_ =	shalt  }
0x48: {  	_ =	shalt  }
0x49: {  	_ =	shalt  }
0x4a: {  	_ =	shalt  }
0x4b: {  	_ =	shalt  }
0x4c: {  	_ =	shalt  }
0x4d: {  	_ =	shalt  }
0x4e: {  	_ =	shalt  }
0x4f: {  	_ =	shalt  }
0x50: {  	_ =	shalt  }
0x51: {  	_ =	shalt  }
0x52: {  	_ =	shalt  }
0x53: {  	_ =	shalt  }
0x54: {  	_ =	shalt  }
0x55: {  	_ =	shalt  }
0x56: {  	_ =	shalt  }
0x57: {  	_ =	shalt  }
0x58: {  	_ =	shalt  }
0x59: {  	_ =	shalt  }
0x5a: {  	_ =	shalt  }
0x5b: {  	_ =	shalt  }
0x5c: {  	_ =	shalt  }
0x5d: {  	_ =	shalt  }
0x5e: {  	_ =	shalt  }
0x5f: {  	_ =	shalt  }
0x60: {  	_ =	shalt  }
0x61: {  	_ =	shalt  }
0x62: {  	_ =	shalt  }
0x63: {  	_ =	shalt  }
0x64: {  	_ =	shalt  }
0x65: {  	_ =	shalt  }
0x66: {  	_ =	shalt  }
0x67: {  	_ =	shalt  }
0x68: {  	_ =	shalt  }
0x69: {  	_ =	shalt  }
0x6a: {  	_ =	shalt  }
0x6b: {  	_ =	shalt  }
0x6c: {  	_ =	shalt  }
0x6d: {  	_ =	shalt  }
0x6e: {  	_ =	shalt  }
0x6f: {  	_ =	shalt  }
0x70: {  	_ =	shalt  }
0x71: {  	_ =	shalt  }
0x72: {  	_ =	shalt  }
0x73: {  	_ =	shalt  }
0x74: {  	_ =	shalt  }
0x75: {  	_ =	shalt  }
0x76: {  	_ =	shalt  }
0x77: {  	_ =	shalt  }
0x78: {  	_ =	shalt  }
0x79: {  	_ =	shalt  }
0x7a: {  	_ =	shalt  }
0x7b: {  	_ =	shalt  }
0x7c: {  	_ =	shalt  }
0x7d: {  	_ =	shalt  }
0x7e: {  	_ =	shalt  }
0x7f: {  	_ =	shalt  }
0x80: {  	_ =	shalt  }
0x81: {  	_ =	shalt  }
0x82: {  	_ =	shalt  }
0x83: {  	_ =	shalt  }
0x84: {  	_ =	shalt  }
0x85: {  	_ =	shalt  }
0x86: {  	_ =	shalt  }
0x87: {  	_ =	shalt  }
.Lfunc_end0:
.L_simem_size_0:
called_computation.3_lowered:
.L_overlay_start_0:
0x88: {  	s2 =	sld [smem:$0x3FD9]  }
0x89: {  	s3 =	sld [smem:$0x3FFE];
	_ =	sdelay $0x1  }
0x8a: {  	s1 =	srdreg.scid  }
0x8b: {  	s0 =	sand.u32 $0x1, s1  }
0x8c: {  	s16 =	sshll.u32 s0, $0xA;
	s2 =	sadd.s32 s3, s2  }
0x8d: {  	s2 =	sadd.s32 s2, s16  }
0x8e: {  	[smem:$0x3FBD] =	sst s2  }
0x8f: {  	_ = 	snop  }
0x90: {  	(tm) =	ssettm $0x1  }
0x91: {  	s17 =	sld [smem:$0x3FFB];
	_ =	sdelay $0x3  }
0x92: {  	_ =	strace s17  }
0x93: {  	s2 =	sld [smem:$0x3FFC];
	_ =	sdelay $0x3  }
0x94: {  	_ =	strace s2  }
0x95: {  	s2 =	sld [smem:$0x3FFD];
	_ =	sdelay $0x3  }
0x96: {  	_ =	strace s2  }
0x97: {  	_ =	strace $0x8FFFFFFF  }
0x98: {  	s18 =	sld [smem:$0x3FDB];
	_ =	sdelay $0x1  }
0x99: {  	s19 =	simm.s32 $_scs_section_size  }
0x9a: {  	s4 =	simm.s32 $_size__tile_overlayer_lowered;
	s5 =	simm.s32 $_tile_overlayer_lowered  }
0x9b: {  	s22 =	simm.s32 $0x1BFF;
	s21 =	sshll.u32 s5, $0x1;
	s2 =	sadd.s32 s19, s18  }
0x9c: {  	s6 =	simm.s32 $0x0;
	s20 =	sshll.u32 s4, $0x1;
	s4 =	sadd.s32 s21, s2  }
0x9d: {  	[timem:s6], [sflag:s22] =	dma.local [hbm:s4], s20  }
0x9e: {  	_ =	swait.ge [sflag:s22], s20  }
0x9f: {  	s3 =	ssub.s32 $0x0, s20;
	[sflag:s22] =	ssyncset.done $0x0  }
0xa0: {  	[sflag:s22] =	ssyncadd.s32 s3;
	_ =	sdelay $0x1  }
0xa1: {  	s23 =	simm.s32 $0x1B8B  }
0xa2: {  	_ =	swait.ge [sflag:s23], $0x1  }
0xa3: {  	[sflag:s23] =	ssyncset.done $0x0  }
0xa4: {  	s25 =	simm.s32 $0x1B8E;
	s24 =	sld [smem:$0x3FFE];
	[sflag:s23] =	ssyncadd.s32 $0xFFFFFFFF  }
0xa5: {  	s26 =	simm.s32 $execute0_lowered;
	[smem:$0x3FD2] =	sst s25  }
0xa6: {  	s4 =	sshll.u32 s26, $0x1;
	_ =	strace $0x8000004F;
	[dreg:$0x1] =	wrdreg $0xFFFFFFFF  }
0xa7: {  	s28 =	simm.s32 $_size_execute0_lowered;
	s2 =	sadd.s32 s2, s4;
	[dreg:$0x0] =	wrdreg $0x0  }
0xa8: {  	s4 =	sshll.u32 s28, $0x1;
	[dreg:$0x2] =	wrdreg s2  }
0xa9: {  	[dreg:$0x3] =	wrdreg s4  }
0xaa: {  	[dreg:$0x4] =	wrdreg $0xC0  }
0xab: {  	_ =	task [dreg:s6], $0x5FFFF  }
0xac: {  	[dreg:$0x1] =	wrdreg $0xFFFFFFFF  }
0xad: {  	[dreg:$0x0] =	wrdreg $0x60  }
0xae: {  	[dreg:$0x2] =	wrdreg s24  }
0xaf: {  	[dreg:$0x3] =	wrdreg $0xA9000  }
0xb0: {  	[dreg:$0x4] =	wrdreg $0x9  }
0xb1: {  	_ =	task.clear_ibuf [dreg:s6], $0x5FFFF;
	_ =	strace $0x9000004F  }
0xb2: {  	s29 =	simm.s32 $0x9;
	_ =	strace $0x80000051  }
0xb3: {  	_ =	swait.ge [sflag:s29], $0x1  }
0xb4: {  	[sflag:s29] =	ssyncadd.s32 $0xFFFFFFFF  }
0xb5: {  	_ =	strace $0x90000051  }
0xb6: {  	_ =	sfence  }
0xb7: {  	s30 =	sld [smem:$0x0];
	_ =	sdelay $0x2  }
0xb8: {  	s31 =	sshll.u32 s1, $0xD;
	s1 =	sshrl.u32 s1, $0x2  }
0xb9: {  	s3 =	sand.u32 $0x4000, s31;
	s1 =	sadd.s32 s1, s30  }
0xba: {  	s0 =	sor.u32 s3, s0;
	s1 =	sshll.u32 s1, $0x11  }
0xbb: {  	s0 =	sor.u32 s1, s0  }
0xbc: {  	s0 =	sadd.s32 $0x8F2B, s0  }
0xbd: {  	[sflag:s0] =	ssyncadd.remote.s32 $0x1  }
0xbe: {  	_ =	sfence.sel $0xFFFF  }
0xbf: {  	[dreg:$0x0] =	wrdreg $0xFFFFFFFF;
	(pc) =	sbr.abs _section_cstart, $3  }
0xc0: {  	[dreg:$0x1] =	wrdreg $0xFFFFFFFF  }
0xc1: {  	_ =	task.clear_ibuf [dreg:s6], $0x2FFFF;
	_ =	strace $0x9FFFFFFF  }
0xc2: {  	(tm) =	ssettm $0x7FFFFFFF  }
0xc3: {  	_ =	shalt  }
tec
execute0_lowered:
.L_overlay_start_1:
0x0: {  	(tag) =	ssettag $0x1  }
0x1: {  	s0 =	srdreg.scid;
	s1 =	rddreg [dreg:$0x0]  }
0x2: {  	s2 =	rddreg [dreg:$0x1];
	s10 =	stileid.u32  }
0x3: {  	s3 =	simm.s32 $0x0;
	s28 =	simm.s32 $0x6900;
	s29 =	simm.s32 $0x4  }
0x4: {  	s30 =	simm.s32 $0x2;
	s31 =	simm.s32 $0x3;
	s0 =	sand.u32 $0x1, s0  }
0x5: {  	[smem:$0x7FF] =	sst s3;
	s6 =	sadd.s32 $0x83800, s1;
	s7 =	smul.u32 $0x2780, s10  }
0x6: {  	s14 =	sadd.s32 $0x8D800, s1;
	s17 =	sadd.s32 $0x81080, s1;
	s4 =	sshll.u32 s0, $0x4  }
0x7: {  	_ =	strace $0x80000050;
	s9 =	ssub.s32 $0x2, s0;
	s16 =	smul.u32 $0x138800, s0  }
0x8: {  	[dreg:$0x4] =	wrdreg s17;
	s23 =	smul.u32 $0x28000, s0;
	p3 =	seq.s32 s0, $0x0  }
0x9: {  	s5 =	sor.u32 s10, s4;
	s10 =	smul.u32 $0x4F000, s10;
	s12 =	sshrl.u32 s9, $0x1  }
0xa: {  	s11 =	sadd.s32 s7, s1;
	s4 =	smul.u32 $0x500, s5;
	s9 =	ssub.s32 s9, s12  }
0xb: {  	s15 =	smul.u32 $0x2800, s5;
	s11 =	sadd.s32 $0xDC00, s11;
	s22 =	sshrl.u32 s16, $0x3  }
0xc: {  	s10 =	sshrl.u32 s10, $0x2;
	[dreg:$0x5] =	wrdreg s11;
	s11 =	stileid.u32  }
0xd: {  	s8 =	sadd.s32 s4, s1;
	s4 =	sadd.s32 $0x5C000, s1;
	s5 =	sadd.s32 s10, s2  }
0xe: {  	s18 =	sshrl.u32 s15, $0x3;
	s17 =	smul.u32 $0x13C00, s11;
	s1 =	sadd.s32 $0x32C80, s1  }
0xf: {  	p1 =	seq.s32 @p3 s11, $0xF;
	p4 =	seq.s32 @!p3 s11, $0xF;
	s7 =	sadd.s32 s4, s7  }
0x10: {  	s10 =	sadd.s32 s6, s18;
	[dreg:$0x6] =	wrdreg s1;
	s19 =	sadd.s32 $0x3C00, s8  }
0x11: {  	s8 =	sadd.s32 s14, s22;
	s18 =	smul.u32 $0x2800, s11;
	p0 =	por p1, !p3  }
0x12: {  	p1 =	por !p1, !p3;
	p2 =	por !p4, p3;
	p3 =	por p4, p3  }
0x13: {  	s22 =	simm.s32 $0x100;
	p4 =	seq.s32 s11, $0xF;
	[dreg:$0x3] =	wrdreg s7  }
0x14: {  	s7 =	sadd.s32 $0x128400, s2;
	[dreg:$0x7] =	wrdreg s19;
	s20 =	sadd.s32 $0x10, s10  }
0x15: {  	s21 =	sadd.s32 s17, s16;
	s19 =	sor.u32 $0x100, s15;
	s15 =	sadd.s32 $0x25080, s8  }
0x16: {  	s16 =	smax.u32 s9, $0x1;
	s0 =	sshll.u32 @!p0 s11, $0x6;
	[dreg:$0x8] =	wrdreg s20  }
0x17: {  	s1 =	sshrl.u32 s21, $0x3;
	s24 =	sadd.s32 s18, s23;
	s25 =	sshrl.u32 s19, $0x3  }
.Ltmp0:
0x18: {  	s19 =	sshrl.u32 @!p1 s7, $0x3;
	s20 =	sor.u32 @!p0 $0x1C07, s0;
	(pc) =	sbr.rel .LBB2_1-.Ltmp0, $4  }
0x19: {  	s21 =	sshrl.u32 @!p0 s5, $0x3;
	s23 =	simm.s32 $0x7;
	s0 =	simm.s32 $0x5  }
0x1a: {  	s14 =	sadd.s32 s14, s1;
	s1 =	sor.u32 $0x180, s24;
	s17 =	sadd.s32 s6, s25  }
0x1b: {  	s24 =	simm.s32 $0x80;
	s25 =	simm.s32 $0x2900;
	s26 =	sshrl.u32 s1, $0x3  }
0x1c: {  	s9 =	sadd.s32 s26, s6;
	s26 =	simm.s32 $0x6;
	s6 =	simm.s32 $0x0  }
.LBB2_6:
0x1d: {  	_ =	swait.ge [sflag:s29], $0x4000  }
0x1e: {  	[sflag:s29] =	ssyncset.done $0x0  }
0x1f: {  	[sflag:s29] =	ssyncadd.s32 $0xFFFFC000  }
0x20: {  	s1 =	sshrl.u32 @p4 s7, $0x3;
	s8 =	simm.s32 @p4 $0x1FC7;
	[bflag:$0x0] =	sbarrier.arrive $0xFFFF  }
0x21: {  	[hbm:s15], [sflag:s8] =	dma.local @p4 [spmem:s1], $0x2080  }
0x22: {  	s1 =	simm.s32 @p4 $0x7  }
0x23: {  	s11 =	stileid.u32;
	s6 =	sadd.s32 $0x1, s6;
	_ =	swait.ge @p4 [sflag:s1], $0x2080  }
0x24: {  	p5 =	sne.s32 s6, s16;
	s8 =	sshll.u32 @!p4 s11, $0x6;
	[sflag:s1] =	ssyncset.done @p4 $0x0  }
0x25: {  	[sflag:s1] =	ssyncadd.s32 @p4 $0xFFFFDF80;
	s1 =	sor.u32 @!p4 $0x1C07, s8;
	s8 =	sshrl.u32 @!p4 s5, $0x3  }
0x26: {  	[hbm:s14], [sflag:s1] =	dma.local @!p4 [spmem:s8], $0x2780  }
.Ltmp1:
0x27: {  	_ = 	snop;
	(pc) =	sbr.rel @!p5 .LBB2_7-.Ltmp1, $4  }
0x28: {  	s1 =	simm.s32 @!p4 $0x7  }
0x29: {  	_ =	swait.ge @!p4 [sflag:s1], $0x2780  }
0x2a: {  	[sflag:s1] =	ssyncset.done @!p4 $0x0  }
0x2b: {  	[sflag:s1] =	ssyncadd.s32 @!p4 $0xFFFFD880  }
.LBB2_1:
0x2c: {  	s1 =	simm.s32 @!p1 $0x1FC7;
	s8 =	rddreg [dreg:$0x6]  }
0x2d: {  	[spmem:s19], [sflag:s1] =	dma.local @!p1 [hbm:s8], $0x2080  }
0x2e: {  	s1 =	simm.s32 @!p1 $0x7  }
0x2f: {  	_ =	swait.ge @!p1 [sflag:s1], $0x2080  }
0x30: {  	[sflag:s1] =	ssyncset.done @!p1 $0x0  }
0x31: {  	[sflag:s1] =	ssyncadd.s32 @!p1 $0xFFFFDF80;
	s1 =	rddreg [dreg:$0x5]  }
0x32: {  	[spmem:s21], [sflag:s20] =	dma.local @!p0 [hbm:s1], $0x2780  }
0x33: {  	s1 =	simm.s32 @!p0 $0x7  }
0x34: {  	_ =	swait.ge @!p0 [sflag:s1], $0x2780  }
0x35: {  	s8 =	simm.s32 @!p2 $0x1FC7;
	[sflag:s1] =	ssyncset.done @!p0 $0x0  }
0x36: {  	s12 =	rddreg [dreg:$0x4];
	[sflag:s1] =	ssyncadd.s32 @!p0 $0xFFFFD880;
	s1 =	sshrl.u32 @!p2 s7, $0x3  }
0x37: {  	[spmem:s1], [sflag:s8] =	dma.local @!p2 [hbm:s12], $0x2080  }
0x38: {  	s1 =	simm.s32 @!p2 $0x7  }
0x39: {  	_ =	swait.ge @!p2 [sflag:s1], $0x2080  }
0x3a: {  	s8 =	sshll.u32 @!p3 s11, $0x6;
	[sflag:s1] =	ssyncset.done @!p2 $0x0;
	s11 =	rddreg [dreg:$0x3]  }
0x3b: {  	[sflag:s1] =	ssyncadd.s32 @!p2 $0xFFFFDF80;
	s1 =	sor.u32 @!p3 $0x1C07, s8;
	s8 =	sshrl.u32 @!p3 s5, $0x3  }
0x3c: {  	[spmem:s8], [sflag:s1] =	dma.local @!p3 [hbm:s11], $0x2780  }
0x3d: {  	s1 =	simm.s32 @!p3 $0x7  }
0x3e: {  	_ =	swait.ge @!p3 [sflag:s1], $0x2780  }
0x3f: {  	[sflag:s1] =	ssyncset.done @!p3 $0x0  }
0x40: {  	s13 =	rddreg [dreg:$0x7];
	[sflag:s1] =	ssyncadd.s32 @!p3 $0xFFFFD880  }
0x41: {  	[tilespmem:s22], [sflag:$0x7] =	stream.linear.gather [hbm4b:s13+s3], $0x2800, $0x38;
	[tilespmem:$0x1E200] =	vst v63  }
0x42: {  	_ =	swait.ge [sflag:s23], $0x2800  }
0x43: {  	[sflag:s23] =	ssyncset.done $0x0  }
0x44: {  	[sflag:s23] =	ssyncadd.s32 $0xFFFFD800  }
0x45: {  	[tilespmem:s3], [sflag:$0x7] =	stream.linear.gather [hbm4b:s10+s3], $0x80, $0x38;
	[tilespmem:$0x1E200] =	vst v63  }
0x46: {  	_ =	swait.ge [sflag:s23], $0x80  }
0x47: {  	[sflag:s23] =	ssyncset.done $0x0  }
0x48: {  	[sflag:s23] =	ssyncadd.s32 $0xFFFFFF80  }
0x49: {  	[bflag:$0x0] =	sbarrier.arrive $0xFFFF  }
0x4a: {  	[tilespmem:s25], [sflag:$0x1] =	stream.indirect.gather [hbm4b:s4+s24], $0x80, s3, s24, $0xb8;
	[tilespmem:$0x1E200] =	vst v63  }
0x4b: {  	s8 =	simm.s32 $0x1;
	s18 =	rddreg [dreg:$0x8]  }
0x4c: {  	[tilespmem:s24], [sflag:$0x6] =	stream.linear.gather [hbm4b:s18+s3], $0x80, $0x38;
	[tilespmem:$0x1E200] =	vst v63  }
0x4d: {  	_ =	swait.ge [sflag:s8], $0x4000  }
0x4e: {  	[sflag:s8] =	ssyncset.done $0x0  }
0x4f: {  	[sflag:s8] =	ssyncadd.s32 $0xFFFFC000  }
0x50: {  	[spmem:s2] =	stream.indirect.scatter.add.f32 [tilespmem:s25], [sflag:$0x3], $0x80, s22, s24, $0xb8;
	[tilespmem:$0x1E200] =	vst v63  }
0x51: {  	_ =	swait.ge [sflag:s26], $0x80  }
.Ltmp2:
0x52: {  	[sflag:s26] =	ssyncset.done $0x0;
	(pc) =	sbr.rel .LBB2_2-.Ltmp2, $4  }
0x53: {  	[sflag:s26] =	ssyncadd.s32 $0xFFFFFF80  }
0x54: {  	[tilespmem:s28], [sflag:$0x2] =	stream.indirect.gather [hbm4b:s4+s24], $0x80, s24, s24, $0xb8;
	[tilespmem:$0x1E200] =	vst v63  }
0x55: {  	s1 =	simm.s32 $0x180;
	s18 =	smov.u32 s9  }
0x56: {  	[tilespmem:s3], [sflag:$0x5] =	stream.linear.gather [hbm4b:s17+s3], $0x80, $0x38;
	[tilespmem:$0x1E200] =	vst v63  }
.LBB2_5:
0x57: {  	s8 =	sadd.s32 $0x1, s8  }
0x58: {  	p5 =	sne.s32 s8, $0x50  }
.Ltmp3:
0x59: {  	_ = 	snop;
	(pc) =	sbr.rel @!p5 .LBB2_6-.Ltmp3, $2  }
0x5a: {  	_ =	sdelay $0x2  }
0x5b: {  	s18 =	sadd.s32 $0x10, s18;
	s1 =	sadd.s32 $0x80, s1  }
.LBB2_2:
0x5c: {  	s11 =	sand.u32 $0x1, s8  }
0x5d: {  	p5 =	seq.s32 s11, $0x1  }
0x5e: {  	s12 =	simm.s32 @!p5 $0x1  }
0x5f: {  	_ =	swait.ge @!p5 [sflag:s12], $0x4000  }
0x60: {  	[sflag:s12] =	ssyncset.done @!p5 $0x0  }
0x61: {  	s13 =	simm.s32 @!p5 $0x2900;
	[sflag:s12] =	ssyncadd.s32 @!p5 $0xFFFFC000;
	s12 =	simm.s32 @!p5 $0x80  }
0x62: {  	[spmem:s2] =	stream.indirect.scatter.add.f32 @!p5 [tilespmem:s13], [sflag:$0x3], $0x80, s1, s12, $0xb8;
	[tilespmem:$0x1E200] =	vst v63  }
0x63: {  	s13 =	simm.s32 @!p5 $0x4  }
0x64: {  	_ =	swait.ge @!p5 [sflag:s13], $0x4000  }
0x65: {  	[sflag:s13] =	ssyncset.done @!p5 $0x0  }
0x66: {  	[sflag:s13] =	ssyncadd.s32 @!p5 $0xFFFFC000;
	s13 =	simm.s32 @!p5 $0x6  }
0x67: {  	_ =	swait.ge @!p5 [sflag:s13], $0x80  }
0x68: {  	p6 =	sgt.u32 @!p5 s8, $0x4D;
	[sflag:s13] =	ssyncset.done @!p5 $0x0  }
0x69: {  	p6 =	por p6, p5;
	[sflag:s13] =	ssyncadd.s32 @!p5 $0xFFFFFF80;
	s13 =	simm.s32 @!p5 $0x6900  }
0x6a: {  	[tilespmem:s13], [sflag:$0x2] =	stream.indirect.gather @!p5 [hbm4b:s4+s12], $0x80, s12, s12, $0xb8;
	[tilespmem:$0x1E200] =	vst v63  }
0x6b: {  	s12 =	simm.s32 @!p6 $0x0  }
0x6c: {  	[tilespmem:s12], [sflag:$0x5] =	stream.linear.gather @!p6 [hbm4b:s18+s12], $0x80, $0x38;
	[tilespmem:$0x1E200] =	vst v63  }
0x6d: {  	p6 =	seq.s32 @!p5 s11, $0x0  }
0x6e: {  	p5 =	por p5, !p6  }
.Ltmp4:
0x6f: {  	_ = 	snop;
	(pc) =	sbr.rel @!p5 .LBB2_5-.Ltmp4, $1  }
0x70: {  	_ =	sdelay $0x3  }
0x71: {  	_ =	swait.ge [sflag:s30], $0x4000  }
0x72: {  	p5 =	seq.s32 s8, $0x4F;
	[sflag:s30] =	ssyncset.done $0x0  }
.Ltmp5:
0x73: {  	[sflag:s30] =	ssyncadd.s32 $0xFFFFC000;
	(pc) =	sbr.rel @p5 .LBB2_6-.Ltmp5, $4  }
0x74: {  	[spmem:s2] =	stream.indirect.scatter.add.f32 [tilespmem:s28], [sflag:$0x4], $0x80, s1, s24, $0xb8;
	[tilespmem:$0x1E200] =	vst v63  }
0x75: {  	_ =	swait.ge [sflag:s31], $0x4000  }
0x76: {  	[sflag:s31] =	ssyncset.done $0x0  }
0x77: {  	[sflag:s31] =	ssyncadd.s32 $0xFFFFC000  }
0x78: {  	_ =	swait.ge [sflag:s0], $0x80  }
.Ltmp6:
0x79: {  	[sflag:s0] =	ssyncset.done $0x0;
	(pc) =	sbr.rel .LBB2_5-.Ltmp6, $4  }
0x7a: {  	p5 =	sgt.u32 s8, $0x4D;
	[sflag:s0] =	ssyncadd.s32 $0xFFFFFF80  }
0x7b: {  	[tilespmem:s25], [sflag:$0x1] =	stream.indirect.gather [hbm4b:s4+s24], $0x80, s3, s24, $0xb8;
	[tilespmem:$0x1E200] =	vst v63  }
0x7c: {  	s11 =	simm.s32 @!p5 $0x0;
	s12 =	simm.s32 @!p5 $0x80  }
0x7d: {  	[tilespmem:s12], [sflag:$0x6] =	stream.linear.gather @!p5 [hbm4b:s18+s11], $0x80, $0x38;
	[tilespmem:$0x1E200] =	vst v63  }
.LBB2_7:
0x7e: {  	_ =	sfence.sel $0x180000  }
0x7f: {  	[bflag:$0x0] =	sbarrier.arrive $0xFFFF  }
0x80: {  	_ =	strace $0x90000050  }
0x81: {  	[bflag:$0x2] =	sbarrier.arrive $0xFFFF  }
0x82: {  	p0 =	sne.s32 s11, $0x0;
	s0 =	rddreg [dreg:$0x2]  }
0x83: {  	s0 =	sadd.s32 @!p0 $0x100000, s0  }
0x84: {  	[sflag:s0] =	ssyncadd.tile.s32 @!p0 $0x1;
	_ =	shalt  }
.Lfunc_end2:
_tile_overlayer_lowered:
.L_overlay_start_2:
0x85: {  	(tag) =	ssettag $0x2  }
0x86: {  	s0 =	rddreg [dreg:$0x0];
	s2 =	stileid.u32  }
0x87: {  	s1 =	rddreg [dreg:$0x1];
	p0 =	sne.s32 s2, $0x0  }
0x88: {  	s3 =	rddreg [dreg:$0x2];
	[bflag:$0x3] =	sbarrier.arrive $0xFFFF;
	s2 =	simm.s32 @!p0 $0x1C07  }
0x89: {  	[timem:s3], [sflag:s2] =	dma.local @!p0 [hbm:s0], s1  }
0x8a: {  	s0 =	simm.s32 @!p0 $0x7  }
0x8b: {  	_ =	swait.ge @!p0 [sflag:s0], s1  }
0x8c: {  	s1 =	ssub.s32 @!p0 $0x0, s1;
	[sflag:s0] =	ssyncset.done @!p0 $0x0  }
0x8d: {  	[sflag:s0] =	ssyncadd.s32 @!p0 s1  }
0x8e: {  	[bflag:$0x3] =	sbarrier.arrive $0xFFFF  }
0x8f: {  	_ =	shalt  }

</sc_bundles>
